<compile_context>
chip_gen: v7x
topology: tpu7x:2x2x1
jax: 0.10.2.dev20260603
libtpu: 0.0.44.dev20260713+nightly
codegen_flags: <defaults>
</compile_context>

<pallas_src>
import jax
import jax.numpy as jnp
from jax import lax
from jax.experimental import pallas as pl
from jax.experimental.pallas import tpu as pltpu
from jax.experimental.pallas import tpu_sc as plsc

B = 128
N_IN = 65536
N_OUT = 65536
LANES = 16
NW = 32
ROWS_PER = B // NW
CH = 8192
NCH = N_OUT // CH
SCALE = float(N_IN - 1)


def _body(acts_hbm, spa_hbm, spb_hbm, out_hbm,
          row_v, spa0_v, spa1_v, spb0_v, spb1_v, out0_v, out1_v,
          spa_sh, spb_sh,
          sem_in0, sem_in1, sem_out0, sem_out1, sem_row):
    cid = lax.axis_index("c")
    sid = lax.axis_index("s")
    wid = sid * 2 + cid
    sem_in = (sem_in0, sem_in1)
    sem_out = (sem_out0, sem_out1)
    spa_v = (spa0_v, spa1_v)
    spb_v = (spb0_v, spb1_v)
    out_v = (out0_v, out1_v)
    row0 = wid * ROWS_PER

    pltpu.async_copy(acts_hbm.at[row0], row_v, sem_row)
    SL = N_OUT // 16
    soff = sid * SL
    cpa = pltpu.async_copy(spa_hbm.at[pl.ds(soff, SL)],
                           spa_sh.at[pl.ds(soff, SL)], sem_in[0])
    cpb = pltpu.async_copy(spb_hbm.at[pl.ds(soff, SL)],
                           spb_sh.at[pl.ds(soff, SL)], sem_in[1])
    cpa.wait()
    cpb.wait()
    plsc.subcore_barrier()
    pltpu.async_copy(spa_sh.at[pl.ds(0, CH)], spa_v[0], sem_in[0])
    pltpu.async_copy(spb_sh.at[pl.ds(0, CH)], spb_v[0], sem_in[0])

    def do_row(r, _):
        row = row0 + r
        pltpu.make_async_copy(acts_hbm.at[row], row_v, sem_row).wait()

        for ci in range(NCH):
            cur = ci % 2
            nxt = 1 - cur
            off = ci * CH
            off_next = ((ci + 1) % NCH) * CH
            pltpu.async_copy(spa_sh.at[pl.ds(off_next, CH)],
                             spa_v[nxt], sem_in[nxt])
            pltpu.async_copy(spb_sh.at[pl.ds(off_next, CH)],
                             spb_v[nxt], sem_in[nxt])
            pltpu.make_async_copy(spa_sh.at[pl.ds(off, CH)],
                                  spa_v[cur], sem_in[cur]).wait()
            pltpu.make_async_copy(spb_sh.at[pl.ds(off, CH)],
                                  spb_v[cur], sem_in[cur]).wait()

            def out_slot_wait():
                pltpu.make_async_copy(
                    out_v[cur], out_hbm.at[row, pl.ds(off, CH)],
                    sem_out[cur]).wait()
            if ci >= 2:
                out_slot_wait()
            else:
                @pl.when(r > 0)
                def _wait_prev_row_store():
                    out_slot_wait()

            pa_ref = spa_v[cur]
            pb_ref = spb_v[cur]
            o_ref = out_v[cur]

            @plsc.parallel_loop(0, CH, step=LANES, unroll=4)
            def _vec(s):
                ta = pa_ref[pl.ds(s, LANES)]
                ia = ta.astype(jnp.int32)
                fa = ta - ia.astype(jnp.float32)
                y0 = plsc.load_gather(row_v, [ia])
                y1 = plsc.load_gather(row_v, [ia + 1])
                va = y0 + (y1 - y0) * fa
                tb = pb_ref[pl.ds(s, LANES)]
                ib = tb.astype(jnp.int32)
                fb = tb - ib.astype(jnp.float32)
                z0 = plsc.load_gather(row_v, [ib])
                z1 = plsc.load_gather(row_v, [ib + 1])
                vb = z0 + (z1 - z0) * fb
                o_ref[pl.ds(s, LANES)] = (1.0 - va) * (1.0 - vb)

            if ci == NCH - 1:
                @pl.when(r + 1 < ROWS_PER)
                def _start_next_row():
                    pltpu.async_copy(acts_hbm.at[row + 1], row_v, sem_row)

            pltpu.async_copy(out_v[cur], out_hbm.at[row, pl.ds(off, CH)],
                             sem_out[cur])
        return None

    lax.fori_loop(0, ROWS_PER, do_row, None)

    last_row = row0 + ROWS_PER - 1
    pltpu.make_async_copy(out_v[0], out_hbm.at[last_row, pl.ds((NCH - 2) * CH, CH)],
                          sem_out[0]).wait()
    pltpu.make_async_copy(out_v[1], out_hbm.at[last_row, pl.ds((NCH - 1) * CH, CH)],
                          sem_out[1]).wait()
    pltpu.make_async_copy(spa_sh.at[pl.ds(0, CH)], spa_v[0], sem_in[0]).wait()
    pltpu.make_async_copy(spb_sh.at[pl.ds(0, CH)], spb_v[0], sem_in[0]).wait()


@jax.jit
def kernel(activations, sample_points):
    sp = sample_points.reshape(N_OUT, 2)
    spa = sp[:, 0] * SCALE
    spb = sp[:, 1] * SCALE
    mesh = plsc.VectorSubcoreMesh(core_axis_name="c", subcore_axis_name="s")
    f = pl.kernel(
        _body,
        out_type=jax.ShapeDtypeStruct((B, N_OUT), jnp.float32),
        mesh=mesh,
        compiler_params=pltpu.CompilerParams(needs_layout_passes=False),
        scratch_types=[
            pltpu.VMEM((N_IN,), jnp.float32),
            pltpu.VMEM((CH,), jnp.float32),
            pltpu.VMEM((CH,), jnp.float32),
            pltpu.VMEM((CH,), jnp.float32),
            pltpu.VMEM((CH,), jnp.float32),
            pltpu.VMEM((CH,), jnp.float32),
            pltpu.VMEM((CH,), jnp.float32),
            pltpu.VMEM_SHARED((N_OUT,), jnp.float32),
            pltpu.VMEM_SHARED((N_OUT,), jnp.float32),
            pltpu.SemaphoreType.DMA,
            pltpu.SemaphoreType.DMA,
            pltpu.SemaphoreType.DMA,
            pltpu.SemaphoreType.DMA,
            pltpu.SemaphoreType.DMA,
        ],
    )
    return f(activations, spa, spb)

# --- scband reference (transcript-rebuilt; emitter-appended) ---
"""Pipeline reference for scband-sparse-abacus-layer-25194278158502 (READ-ONLY COPY).

The authoritative reference and input builder live on the scoring server;
editing this copy changes nothing except your own understanding.
"""

import jax, jax.numpy as jnp
import numpy as np

EPSILON = 1e-08
B = 128
N_IN = 65536
N_OUT = 65536
DEGREE = 2


def fuzzy_nand(activations):
    activations = 1 - activations
    return jnp.prod(activations, axis=-1)


def interp1d(x, y, xnew):
    # x, y, xnew: 2D (B, n) / (B, m)
    slope = (y[:, 1:] - y[:, :-1]) / (x[:, 1:] - x[:, :-1] + EPSILON)
    idx = jax.vmap(lambda xr, xn: jnp.searchsorted(xr, xn, side='left'))(x, xnew) - 1
    idx = jnp.clip(idx, 0, x.shape[-1] - 1)
    xnew_offset = xnew - jnp.take_along_axis(x, idx, axis=-1)
    ynew = jnp.take_along_axis(y, idx, axis=-1)
    # torch gathers slope at idx (in-range for xnew < 1); jax clamps OOB identically here
    ynew_offset = jnp.take_along_axis(slope, jnp.clip(idx, 0, slope.shape[-1] - 1), axis=-1) * xnew_offset
    return ynew + ynew_offset


def setup_inputs(seed: int = 0) -> dict:
    key = jax.random.key(seed)
    k1, k2 = jax.random.split(key)
    activations = jax.random.uniform(k1, (B, N_IN), dtype=jnp.float32)
    # learned parameter: sample_points of shape (*output_shape, degree, ndims_in)
    sample_points = jax.random.uniform(k2, (N_OUT, DEGREE, 1), dtype=jnp.float32)
    return {"activations": activations, "sample_points": sample_points}


def reference(activations, sample_points):
    batch_size = activations.shape[0]
    sp = jnp.broadcast_to(sample_points[None, ...], (batch_size,) + sample_points.shape)
    sp = jnp.clip(sp, 0.0, 1.0)
    acts = jnp.clip(activations, 0.0, 1.0)
    # 1D path of the module: interp1d over a linspace grid
    x = jnp.broadcast_to(jnp.linspace(0.0, 1.0, N_IN, dtype=jnp.float32)[None, :], (batch_size, N_IN))
    xnew = sp.reshape(batch_size, N_OUT * DEGREE)
    ynew = interp1d(x, acts, xnew)
    ynew = ynew.reshape(batch_size, N_OUT, DEGREE)
    out = fuzzy_nand(ynew)
    return out

if __name__ == "__main__":
    import jax
    _d = setup_inputs()
    print(jax.jit(kernel)(*tuple(_d.values())))

</pallas_src>

<mosaic_0001>
#map = affine_map<(d0, d1) -> (0, 0)>
#map1 = affine_map<(d0, d1) -> (0)>
module attributes {stable_mosaic.version = 14 : i64} {
  func.func @_body(%arg0: i32, %arg1: i32, %arg2: memref<128x65536xf32, #tpu.memory_space<hbm>>, %arg3: memref<65536xf32, #tpu.memory_space<hbm>>, %arg4: memref<65536xf32, #tpu.memory_space<hbm>>, %arg5: memref<128x65536xf32, #tpu.memory_space<hbm>>, %arg6: memref<65536xf32, #tpu.memory_space<vmem>>, %arg7: memref<8192xf32, #tpu.memory_space<vmem>>, %arg8: memref<8192xf32, #tpu.memory_space<vmem>>, %arg9: memref<8192xf32, #tpu.memory_space<vmem>>, %arg10: memref<8192xf32, #tpu.memory_space<vmem>>, %arg11: memref<8192xf32, #tpu.memory_space<vmem>>, %arg12: memref<8192xf32, #tpu.memory_space<vmem>>, %arg13: memref<65536xf32, #tpu.memory_space<vmem_shared>>, %arg14: memref<65536xf32, #tpu.memory_space<vmem_shared>>, %arg15: memref<!tpu.dma_semaphore, #tpu.memory_space<semaphore_mem>>, %arg16: memref<!tpu.dma_semaphore, #tpu.memory_space<semaphore_mem>>, %arg17: memref<!tpu.dma_semaphore, #tpu.memory_space<semaphore_mem>>, %arg18: memref<!tpu.dma_semaphore, #tpu.memory_space<semaphore_mem>>, %arg19: memref<!tpu.dma_semaphore, #tpu.memory_space<semaphore_mem>>) attributes {dimension_semantics = [#tpu.dimension_semantics<core_parallel>, #tpu.dimension_semantics<subcore_parallel>], iteration_bounds = array<i64: 2, 16>, scalar_prefetch = 0 : i64, scratch_operands = 14 : i64, tpu.core_type = #tpu.core_type<sc_vector_subcore>, window_params = [{transform_indices = #map}, {transform_indices = #map1}, {transform_indices = #map1}, {transform_indices = #map}]} {
    %mul3A = arith.constant 2 : i32
    %mul3A_0 = arith.muli %arg1, %mul3A : i32
    %add3A = arith.addi %mul3A_0, %arg0 : i32
    %mul3A_1 = arith.constant 4 : i32
    %mul3A_2 = arith.muli %add3A, %mul3A_1 : i32
    %dma_start3A = arith.constant 0 : i32
    %dma_start3A_3 = tpu.memref_slice %arg2[%mul3A_2, %dma_start3A] : memref<128x65536xf32, #tpu.memory_space<hbm>> -> memref<1x65536xf32, #tpu.memory_space<hbm>>
    %dma_start3A_4 = tpu.memref_squeeze %dma_start3A_3 : memref<1x65536xf32, #tpu.memory_space<hbm>> -> memref<65536xf32, #tpu.memory_space<hbm>>
    %dma_start3A_5 = arith.constant 0 : i32
    %dma_start3A_6 = tpu.memref_slice %arg2[%mul3A_2, %dma_start3A_5] : memref<128x65536xf32, #tpu.memory_space<hbm>> -> memref<1x65536xf32, #tpu.memory_space<hbm>>
    %dma_start3A_7 = tpu.memref_squeeze %dma_start3A_6 : memref<1x65536xf32, #tpu.memory_space<hbm>> -> memref<65536xf32, #tpu.memory_space<hbm>>
    tpu.enqueue_dma source(%dma_start3A_7 : memref<65536xf32, #tpu.memory_space<hbm>>) target(%arg6 : memref<65536xf32, #tpu.memory_space<vmem>>) target_semaphore(%arg19 : memref<!tpu.dma_semaphore, #tpu.memory_space<semaphore_mem>>)
    %mul3A_8 = arith.constant 4096 : i32
    %mul3A_9 = arith.muli %arg1, %mul3A_8 : i32
    %dma_start3A_10 = tpu.memref_slice %arg13[%mul3A_9] : memref<65536xf32, #tpu.memory_space<vmem_shared>> -> memref<4096xf32, #tpu.memory_space<vmem_shared>>
    %dma_start3A_11 = tpu.memref_slice %arg3[%mul3A_9] : memref<65536xf32, #tpu.memory_space<hbm>> -> memref<4096xf32, #tpu.memory_space<hbm>>
    tpu.enqueue_dma source(%dma_start3A_11 : memref<4096xf32, #tpu.memory_space<hbm>>) target(%dma_start3A_10 : memref<4096xf32, #tpu.memory_space<vmem_shared>>) target_semaphore(%arg15 : memref<!tpu.dma_semaphore, #tpu.memory_space<semaphore_mem>>)
    %dma_start3A_12 = tpu.memref_slice %arg14[%mul3A_9] : memref<65536xf32, #tpu.memory_space<vmem_shared>> -> memref<4096xf32, #tpu.memory_space<vmem_shared>>
    %dma_start3A_13 = tpu.memref_slice %arg4[%mul3A_9] : memref<65536xf32, #tpu.memory_space<hbm>> -> memref<4096xf32, #tpu.memory_space<hbm>>
    tpu.enqueue_dma source(%dma_start3A_13 : memref<4096xf32, #tpu.memory_space<hbm>>) target(%dma_start3A_12 : memref<4096xf32, #tpu.memory_space<vmem_shared>>) target_semaphore(%arg16 : memref<!tpu.dma_semaphore, #tpu.memory_space<semaphore_mem>>)
    %dma_wait3A = tpu.memref_slice %arg13[%mul3A_9] : memref<65536xf32, #tpu.memory_space<vmem_shared>> -> memref<4096xf32, #tpu.memory_space<vmem_shared>>
    %dma_wait3A_14 = tpu.memref_slice %arg3[%mul3A_9] : memref<65536xf32, #tpu.memory_space<hbm>> -> memref<4096xf32, #tpu.memory_space<hbm>>
    tpu.wait_dma2 semaphore(%arg15 : memref<!tpu.dma_semaphore, #tpu.memory_space<semaphore_mem>>) src(%dma_wait3A_14 : memref<4096xf32, #tpu.memory_space<hbm>>) dst(%dma_wait3A : memref<4096xf32, #tpu.memory_space<vmem_shared>>)
    %dma_wait3A_15 = tpu.memref_slice %arg14[%mul3A_9] : memref<65536xf32, #tpu.memory_space<vmem_shared>> -> memref<4096xf32, #tpu.memory_space<vmem_shared>>
    %dma_wait3A_16 = tpu.memref_slice %arg4[%mul3A_9] : memref<65536xf32, #tpu.memory_space<hbm>> -> memref<4096xf32, #tpu.memory_space<hbm>>
    tpu.wait_dma2 semaphore(%arg16 : memref<!tpu.dma_semaphore, #tpu.memory_space<semaphore_mem>>) src(%dma_wait3A_16 : memref<4096xf32, #tpu.memory_space<hbm>>) dst(%dma_wait3A_15 : memref<4096xf32, #tpu.memory_space<vmem_shared>>)
    %barrier3A = arith.constant 0 : index
    tpu.barrier barrier_id(%barrier3A)
    %dma_start3A_17 = arith.constant 0 : i32
    %dma_start3A_18 = tpu.memref_slice %arg13[%dma_start3A_17] : memref<65536xf32, #tpu.memory_space<vmem_shared>> -> memref<8192xf32, #tpu.memory_space<vmem_shared>>
    %dma_start3A_19 = arith.constant 0 : i32
    %dma_start3A_20 = tpu.memref_slice %arg13[%dma_start3A_19] : memref<65536xf32, #tpu.memory_space<vmem_shared>> -> memref<8192xf32, #tpu.memory_space<vmem_shared>>
    tpu.enqueue_dma source(%dma_start3A_20 : memref<8192xf32, #tpu.memory_space<vmem_shared>>) target(%arg7 : memref<8192xf32, #tpu.memory_space<vmem>>) target_semaphore(%arg15 : memref<!tpu.dma_semaphore, #tpu.memory_space<semaphore_mem>>)
    %dma_start3A_21 = arith.constant 0 : i32
    %dma_start3A_22 = tpu.memref_slice %arg14[%dma_start3A_21] : memref<65536xf32, #tpu.memory_space<vmem_shared>> -> memref<8192xf32, #tpu.memory_space<vmem_shared>>
    %dma_start3A_23 = arith.constant 0 : i32
    %dma_start3A_24 = tpu.memref_slice %arg14[%dma_start3A_23] : memref<65536xf32, #tpu.memory_space<vmem_shared>> -> memref<8192xf32, #tpu.memory_space<vmem_shared>>
    tpu.enqueue_dma source(%dma_start3A_24 : memref<8192xf32, #tpu.memory_space<vmem_shared>>) target(%arg9 : memref<8192xf32, #tpu.memory_space<vmem>>) target_semaphore(%arg15 : memref<!tpu.dma_semaphore, #tpu.memory_space<semaphore_mem>>)
    %scan3A = arith.constant 0 : i32
    %scan3A_25 = arith.constant 4 : i32
    %scan3A_26 = arith.addi %scan3A, %scan3A_25 : i32
    %scan3A_27 = arith.constant 1 : i32
    scf.for %scan3A_52 = %scan3A to %scan3A_26 step %scan3A_27  : i32 {
      %add3A_53 = arith.addi %mul3A_2, %scan3A_52 : i32
      %dma_wait3A_54 = arith.constant 0 : i32
      %dma_wait3A_55 = tpu.memref_slice %arg2[%add3A_53, %dma_wait3A_54] : memref<128x65536xf32, #tpu.memory_space<hbm>> -> memref<1x65536xf32, #tpu.memory_space<hbm>>
      %dma_wait3A_56 = tpu.memref_squeeze %dma_wait3A_55 : memref<1x65536xf32, #tpu.memory_space<hbm>> -> memref<65536xf32, #tpu.memory_space<hbm>>
      %dma_wait3A_57 = arith.constant 0 : i32
      %dma_wait3A_58 = tpu.memref_slice %arg2[%add3A_53, %dma_wait3A_57] : memref<128x65536xf32, #tpu.memory_space<hbm>> -> memref<1x65536xf32, #tpu.memory_space<hbm>>
      %dma_wait3A_59 = tpu.memref_squeeze %dma_wait3A_58 : memref<1x65536xf32, #tpu.memory_space<hbm>> -> memref<65536xf32, #tpu.memory_space<hbm>>
      tpu.wait_dma2 semaphore(%arg19 : memref<!tpu.dma_semaphore, #tpu.memory_space<semaphore_mem>>) src(%dma_wait3A_59 : memref<65536xf32, #tpu.memory_space<hbm>>) dst(%arg6 : memref<65536xf32, #tpu.memory_space<vmem>>)
      %dma_start3A_60 = arith.constant 8192 : i32
      %dma_start3A_61 = tpu.memref_slice %arg13[%dma_start3A_60] : memref<65536xf32, #tpu.memory_space<vmem_shared>> -> memref<8192xf32, #tpu.memory_space<vmem_shared>>
      %dma_start3A_62 = arith.constant 8192 : i32
      %dma_start3A_63 = tpu.memref_slice %arg13[%dma_start3A_62] : memref<65536xf32, #tpu.memory_space<vmem_shared>> -> memref<8192xf32, #tpu.memory_space<vmem_shared>>
      tpu.enqueue_dma source(%dma_start3A_63 : memref<8192xf32, #tpu.memory_space<vmem_shared>>) target(%arg8 : memref<8192xf32, #tpu.memory_space<vmem>>) target_semaphore(%arg16 : memref<!tpu.dma_semaphore, #tpu.memory_space<semaphore_mem>>)
      %dma_start3A_64 = arith.constant 8192 : i32
      %dma_start3A_65 = tpu.memref_slice %arg14[%dma_start3A_64] : memref<65536xf32, #tpu.memory_space<vmem_shared>> -> memref<8192xf32, #tpu.memory_space<vmem_shared>>
      %dma_start3A_66 = arith.constant 8192 : i32
      %dma_start3A_67 = tpu.memref_slice %arg14[%dma_start3A_66] : memref<65536xf32, #tpu.memory_space<vmem_shared>> -> memref<8192xf32, #tpu.memory_space<vmem_shared>>
      tpu.enqueue_dma source(%dma_start3A_67 : memref<8192xf32, #tpu.memory_space<vmem_shared>>) target(%arg10 : memref<8192xf32, #tpu.memory_space<vmem>>) target_semaphore(%arg16 : memref<!tpu.dma_semaphore, #tpu.memory_space<semaphore_mem>>)
      %dma_wait3A_68 = arith.constant 0 : i32
      %dma_wait3A_69 = tpu.memref_slice %arg13[%dma_wait3A_68] : memref<65536xf32, #tpu.memory_space<vmem_shared>> -> memref<8192xf32, #tpu.memory_space<vmem_shared>>
      %dma_wait3A_70 = arith.constant 0 : i32
      %dma_wait3A_71 = tpu.memref_slice %arg13[%dma_wait3A_70] : memref<65536xf32, #tpu.memory_space<vmem_shared>> -> memref<8192xf32, #tpu.memory_space<vmem_shared>>
      tpu.wait_dma2 semaphore(%arg15 : memref<!tpu.dma_semaphore, #tpu.memory_space<semaphore_mem>>) src(%dma_wait3A_71 : memref<8192xf32, #tpu.memory_space<vmem_shared>>) dst(%arg7 : memref<8192xf32, #tpu.memory_space<vmem>>)
      %dma_wait3A_72 = arith.constant 0 : i32
      %dma_wait3A_73 = tpu.memref_slice %arg14[%dma_wait3A_72] : memref<65536xf32, #tpu.memory_space<vmem_shared>> -> memref<8192xf32, #tpu.memory_space<vmem_shared>>
      %dma_wait3A_74 = arith.constant 0 : i32
      %dma_wait3A_75 = tpu.memref_slice %arg14[%dma_wait3A_74] : memref<65536xf32, #tpu.memory_space<vmem_shared>> -> memref<8192xf32, #tpu.memory_space<vmem_shared>>
      tpu.wait_dma2 semaphore(%arg15 : memref<!tpu.dma_semaphore, #tpu.memory_space<semaphore_mem>>) src(%dma_wait3A_75 : memref<8192xf32, #tpu.memory_space<vmem_shared>>) dst(%arg9 : memref<8192xf32, #tpu.memory_space<vmem>>)
      %gt3A = arith.constant 0 : i32
      %gt3A_76 = arith.cmpi sgt, %scan3A_52, %gt3A : i32
      %convert_element_type3A = arith.extui %gt3A_76 : i1 to i32
      %cond3A = arith.constant 0 : i32
      %cond3A_77 = arith.cmpi ne, %convert_element_type3A, %cond3A : i32
      scf.if %cond3A_77 {
        %dma_wait3A_308 = arith.constant 0 : i32
        %dma_wait3A_309 = tpu.memref_slice %arg5[%add3A_53, %dma_wait3A_308] : memref<128x65536xf32, #tpu.memory_space<hbm>> -> memref<1x8192xf32, #tpu.memory_space<hbm>>
        %dma_wait3A_310 = tpu.memref_squeeze %dma_wait3A_309 : memref<1x8192xf32, #tpu.memory_space<hbm>> -> memref<8192xf32, #tpu.memory_space<hbm>>
        %dma_wait3A_311 = arith.constant 0 : i32
        %dma_wait3A_312 = tpu.memref_slice %arg5[%add3A_53, %dma_wait3A_311] : memref<128x65536xf32, #tpu.memory_space<hbm>> -> memref<1x8192xf32, #tpu.memory_space<hbm>>
        %dma_wait3A_313 = tpu.memref_squeeze %dma_wait3A_312 : memref<1x8192xf32, #tpu.memory_space<hbm>> -> memref<8192xf32, #tpu.memory_space<hbm>>
        tpu.wait_dma2 semaphore(%arg17 : memref<!tpu.dma_semaphore, #tpu.memory_space<semaphore_mem>>) src(%arg11 : memref<8192xf32, #tpu.memory_space<vmem>>) dst(%dma_wait3A_313 : memref<8192xf32, #tpu.memory_space<hbm>>)
      } else {
      }
      %parallel_loop3A = arith.constant 0 : i32
      %parallel_loop3A_78 = arith.constant 8192 : i32
      %parallel_loop3A_79 = arith.constant 16 : i32
      scf.for %parallel_loop3A_308 = %parallel_loop3A to %parallel_loop3A_78 step %parallel_loop3A_79  : i32 {
        %parallel_loop3A_309 = arith.index_cast %parallel_loop3A_308 : i32 to index
        %parallel_loop3A_310 = tpu.vector_load %arg7[%parallel_loop3A_309] {strides = array<i32>} : memref<8192xf32, #tpu.memory_space<vmem>>, vector<16xf32>,
        %parallel_loop3A_311 = arith.fptosi %parallel_loop3A_310 : vector<16xf32> to vector<16xi32>
        %parallel_loop3A_312 = arith.sitofp %parallel_loop3A_311 : vector<16xi32> to vector<16xf32>
        %parallel_loop3A_313 = arith.subf %parallel_loop3A_310, %parallel_loop3A_312 : vector<16xf32>
        %parallel_loop3A_314 = tpu.vector_load_idx %arg6[%parallel_loop3A_311] : memref<65536xf32, #tpu.memory_space<vmem>>[vector<16xi32>], vector<16xf32>,
        %parallel_loop3A_315 = arith.constant 1 : i32
        %parallel_loop3A_316 = vector.broadcast %parallel_loop3A_315 : i32 to vector<16xi32>
        %parallel_loop3A_317 = arith.addi %parallel_loop3A_311, %parallel_loop3A_316 : vector<16xi32>
        %parallel_loop3A_318 = tpu.vector_load_idx %arg6[%parallel_loop3A_317] : memref<65536xf32, #tpu.memory_space<vmem>>[vector<16xi32>], vector<16xf32>,
        %parallel_loop3A_319 = arith.subf %parallel_loop3A_318, %parallel_loop3A_314 : vector<16xf32>
        %parallel_loop3A_320 = arith.mulf %parallel_loop3A_319, %parallel_loop3A_313 : vector<16xf32>
        %parallel_loop3A_321 = arith.addf %parallel_loop3A_314, %parallel_loop3A_320 : vector<16xf32>
        %parallel_loop3A_322 = arith.index_cast %parallel_loop3A_308 : i32 to index
        %parallel_loop3A_323 = tpu.vector_load %arg9[%parallel_loop3A_322] {strides = array<i32>} : memref<8192xf32, #tpu.memory_space<vmem>>, vector<16xf32>,
        %parallel_loop3A_324 = arith.fptosi %parallel_loop3A_323 : vector<16xf32> to vector<16xi32>
        %parallel_loop3A_325 = arith.sitofp %parallel_loop3A_324 : vector<16xi32> to vector<16xf32>
        %parallel_loop3A_326 = arith.subf %parallel_loop3A_323, %parallel_loop3A_325 : vector<16xf32>
        %parallel_loop3A_327 = tpu.vector_load_idx %arg6[%parallel_loop3A_324] : memref<65536xf32, #tpu.memory_space<vmem>>[vector<16xi32>], vector<16xf32>,
        %parallel_loop3A_328 = arith.constant 1 : i32
        %parallel_loop3A_329 = vector.broadcast %parallel_loop3A_328 : i32 to vector<16xi32>
        %parallel_loop3A_330 = arith.addi %parallel_loop3A_324, %parallel_loop3A_329 : vector<16xi32>
        %parallel_loop3A_331 = tpu.vector_load_idx %arg6[%parallel_loop3A_330] : memref<65536xf32, #tpu.memory_space<vmem>>[vector<16xi32>], vector<16xf32>,
        %parallel_loop3A_332 = arith.subf %parallel_loop3A_331, %parallel_loop3A_327 : vector<16xf32>
        %parallel_loop3A_333 = arith.mulf %parallel_loop3A_332, %parallel_loop3A_326 : vector<16xf32>
        %parallel_loop3A_334 = arith.addf %parallel_loop3A_327, %parallel_loop3A_333 : vector<16xf32>
        %parallel_loop3A_335 = arith.constant 1.000000e+00 : f32
        %parallel_loop3A_336 = vector.broadcast %parallel_loop3A_335 : f32 to vector<16xf32>
        %parallel_loop3A_337 = arith.subf %parallel_loop3A_336, %parallel_loop3A_321 : vector<16xf32>
        %parallel_loop3A_338 = arith.constant 1.000000e+00 : f32
        %parallel_loop3A_339 = vector.broadcast %parallel_loop3A_338 : f32 to vector<16xf32>
        %parallel_loop3A_340 = arith.subf %parallel_loop3A_339, %parallel_loop3A_334 : vector<16xf32>
        %parallel_loop3A_341 = arith.mulf %parallel_loop3A_337, %parallel_loop3A_340 : vector<16xf32>
        %parallel_loop3A_342 = arith.index_cast %parallel_loop3A_308 : i32 to index
        %parallel_loop3A_343 = tpu.vector_load %arg11[%parallel_loop3A_342] {strides = array<i32>} : memref<8192xf32, #tpu.memory_space<vmem>>, vector<16xf32>,
        tpu.vector_store %arg11[%parallel_loop3A_342], %parallel_loop3A_341 {strides = array<i32>} : memref<8192xf32, #tpu.memory_space<vmem>>, vector<16xf32>,
      } {sc.loop_unroll_factor = 4 : i64, sc.parallel_access}
      %dma_start3A_80 = arith.constant 0 : i32
      %dma_start3A_81 = tpu.memref_slice %arg5[%add3A_53, %dma_start3A_80] : memref<128x65536xf32, #tpu.memory_space<hbm>> -> memref<1x8192xf32, #tpu.memory_space<hbm>>
      %dma_start3A_82 = tpu.memref_squeeze %dma_start3A_81 : memref<1x8192xf32, #tpu.memory_space<hbm>> -> memref<8192xf32, #tpu.memory_space<hbm>>
      %dma_start3A_83 = arith.constant 0 : i32
      %dma_start3A_84 = tpu.memref_slice %arg5[%add3A_53, %dma_start3A_83] : memref<128x65536xf32, #tpu.memory_space<hbm>> -> memref<1x8192xf32, #tpu.memory_space<hbm>>
      %dma_start3A_85 = tpu.memref_squeeze %dma_start3A_84 : memref<1x8192xf32, #tpu.memory_space<hbm>> -> memref<8192xf32, #tpu.memory_space<hbm>>
      tpu.enqueue_dma source(%arg11 : memref<8192xf32, #tpu.memory_space<vmem>>) target(%dma_start3A_85 : memref<8192xf32, #tpu.memory_space<hbm>>) target_semaphore(%arg17 : memref<!tpu.dma_semaphore, #tpu.memory_space<semaphore_mem>>)
      %dma_start3A_86 = arith.constant 16384 : i32
      %dma_start3A_87 = tpu.memref_slice %arg13[%dma_start3A_86] : memref<65536xf32, #tpu.memory_space<vmem_shared>> -> memref<8192xf32, #tpu.memory_space<vmem_shared>>
      %dma_start3A_88 = arith.constant 16384 : i32
      %dma_start3A_89 = tpu.memref_slice %arg13[%dma_start3A_88] : memref<65536xf32, #tpu.memory_space<vmem_shared>> -> memref<8192xf32, #tpu.memory_space<vmem_shared>>
      tpu.enqueue_dma source(%dma_start3A_89 : memref<8192xf32, #tpu.memory_space<vmem_shared>>) target(%arg7 : memref<8192xf32, #tpu.memory_space<vmem>>) target_semaphore(%arg15 : memref<!tpu.dma_semaphore, #tpu.memory_space<semaphore_mem>>)
      %dma_start3A_90 = arith.constant 16384 : i32
      %dma_start3A_91 = tpu.memref_slice %arg14[%dma_start3A_90] : memref<65536xf32, #tpu.memory_space<vmem_shared>> -> memref<8192xf32, #tpu.memory_space<vmem_shared>>
      %dma_start3A_92 = arith.constant 16384 : i32
      %dma_start3A_93 = tpu.memref_slice %arg14[%dma_start3A_92] : memref<65536xf32, #tpu.memory_space<vmem_shared>> -> memref<8192xf32, #tpu.memory_space<vmem_shared>>
      tpu.enqueue_dma source(%dma_start3A_93 : memref<8192xf32, #tpu.memory_space<vmem_shared>>) target(%arg9 : memref<8192xf32, #tpu.memory_space<vmem>>) target_semaphore(%arg15 : memref<!tpu.dma_semaphore, #tpu.memory_space<semaphore_mem>>)
      %dma_wait3A_94 = arith.constant 8192 : i32
      %dma_wait3A_95 = tpu.memref_slice %arg13[%dma_wait3A_94] : memref<65536xf32, #tpu.memory_space<vmem_shared>> -> memref<8192xf32, #tpu.memory_space<vmem_shared>>
      %dma_wait3A_96 = arith.constant 8192 : i32
      %dma_wait3A_97 = tpu.memref_slice %arg13[%dma_wait3A_96] : memref<65536xf32, #tpu.memory_space<vmem_shared>> -> memref<8192xf32, #tpu.memory_space<vmem_shared>>
      tpu.wait_dma2 semaphore(%arg16 : memref<!tpu.dma_semaphore, #tpu.memory_space<semaphore_mem>>) src(%dma_wait3A_97 : memref<8192xf32, #tpu.memory_space<vmem_shared>>) dst(%arg8 : memref<8192xf32, #tpu.memory_space<vmem>>)
      %dma_wait3A_98 = arith.constant 8192 : i32
      %dma_wait3A_99 = tpu.memref_slice %arg14[%dma_wait3A_98] : memref<65536xf32, #tpu.memory_space<vmem_shared>> -> memref<8192xf32, #tpu.memory_space<vmem_shared>>
      %dma_wait3A_100 = arith.constant 8192 : i32
      %dma_wait3A_101 = tpu.memref_slice %arg14[%dma_wait3A_100] : memref<65536xf32, #tpu.memory_space<vmem_shared>> -> memref<8192xf32, #tpu.memory_space<vmem_shared>>
      tpu.wait_dma2 semaphore(%arg16 : memref<!tpu.dma_semaphore, #tpu.memory_space<semaphore_mem>>) src(%dma_wait3A_101 : memref<8192xf32, #tpu.memory_space<vmem_shared>>) dst(%arg10 : memref<8192xf32, #tpu.memory_space<vmem>>)
      %gt3A_102 = arith.constant 0 : i32
      %gt3A_103 = arith.cmpi sgt, %scan3A_52, %gt3A_102 : i32
      %convert_element_type3A_104 = arith.extui %gt3A_103 : i1 to i32
      %cond3A_105 = arith.constant 0 : i32
      %cond3A_106 = arith.cmpi ne, %convert_element_type3A_104, %cond3A_105 : i32
      scf.if %cond3A_106 {
        %dma_wait3A_308 = arith.constant 8192 : i32
        %dma_wait3A_309 = tpu.memref_slice %arg5[%add3A_53, %dma_wait3A_308] : memref<128x65536xf32, #tpu.memory_space<hbm>> -> memref<1x8192xf32, #tpu.memory_space<hbm>>
        %dma_wait3A_310 = tpu.memref_squeeze %dma_wait3A_309 : memref<1x8192xf32, #tpu.memory_space<hbm>> -> memref<8192xf32, #tpu.memory_space<hbm>>
        %dma_wait3A_311 = arith.constant 8192 : i32
        %dma_wait3A_312 = tpu.memref_slice %arg5[%add3A_53, %dma_wait3A_311] : memref<128x65536xf32, #tpu.memory_space<hbm>> -> memref<1x8192xf32, #tpu.memory_space<hbm>>
        %dma_wait3A_313 = tpu.memref_squeeze %dma_wait3A_312 : memref<1x8192xf32, #tpu.memory_space<hbm>> -> memref<8192xf32, #tpu.memory_space<hbm>>
        tpu.wait_dma2 semaphore(%arg18 : memref<!tpu.dma_semaphore, #tpu.memory_space<semaphore_mem>>) src(%arg12 : memref<8192xf32, #tpu.memory_space<vmem>>) dst(%dma_wait3A_313 : memref<8192xf32, #tpu.memory_space<hbm>>)
      } else {
      }
      %parallel_loop3A_107 = arith.constant 0 : i32
      %parallel_loop3A_108 = arith.constant 8192 : i32
      %parallel_loop3A_109 = arith.constant 16 : i32
      scf.for %parallel_loop3A_308 = %parallel_loop3A_107 to %parallel_loop3A_108 step %parallel_loop3A_109  : i32 {
        %parallel_loop3A_309 = arith.index_cast %parallel_loop3A_308 : i32 to index
        %parallel_loop3A_310 = tpu.vector_load %arg8[%parallel_loop3A_309] {strides = array<i32>} : memref<8192xf32, #tpu.memory_space<vmem>>, vector<16xf32>,
        %parallel_loop3A_311 = arith.fptosi %parallel_loop3A_310 : vector<16xf32> to vector<16xi32>
        %parallel_loop3A_312 = arith.sitofp %parallel_loop3A_311 : vector<16xi32> to vector<16xf32>
        %parallel_loop3A_313 = arith.subf %parallel_loop3A_310, %parallel_loop3A_312 : vector<16xf32>
        %parallel_loop3A_314 = tpu.vector_load_idx %arg6[%parallel_loop3A_311] : memref<65536xf32, #tpu.memory_space<vmem>>[vector<16xi32>], vector<16xf32>,
        %parallel_loop3A_315 = arith.constant 1 : i32
        %parallel_loop3A_316 = vector.broadcast %parallel_loop3A_315 : i32 to vector<16xi32>
        %parallel_loop3A_317 = arith.addi %parallel_loop3A_311, %parallel_loop3A_316 : vector<16xi32>
        %parallel_loop3A_318 = tpu.vector_load_idx %arg6[%parallel_loop3A_317] : memref<65536xf32, #tpu.memory_space<vmem>>[vector<16xi32>], vector<16xf32>,
        %parallel_loop3A_319 = arith.subf %parallel_loop3A_318, %parallel_loop3A_314 : vector<16xf32>
        %parallel_loop3A_320 = arith.mulf %parallel_loop3A_319, %parallel_loop3A_313 : vector<16xf32>
        %parallel_loop3A_321 = arith.addf %parallel_loop3A_314, %parallel_loop3A_320 : vector<16xf32>
        %parallel_loop3A_322 = arith.index_cast %parallel_loop3A_308 : i32 to index
        %parallel_loop3A_323 = tpu.vector_load %arg10[%parallel_loop3A_322] {strides = array<i32>} : memref<8192xf32, #tpu.memory_space<vmem>>, vector<16xf32>,
        %parallel_loop3A_324 = arith.fptosi %parallel_loop3A_323 : vector<16xf32> to vector<16xi32>
        %parallel_loop3A_325 = arith.sitofp %parallel_loop3A_324 : vector<16xi32> to vector<16xf32>
        %parallel_loop3A_326 = arith.subf %parallel_loop3A_323, %parallel_loop3A_325 : vector<16xf32>
        %parallel_loop3A_327 = tpu.vector_load_idx %arg6[%parallel_loop3A_324] : memref<65536xf32, #tpu.memory_space<vmem>>[vector<16xi32>], vector<16xf32>,
        %parallel_loop3A_328 = arith.constant 1 : i32
        %parallel_loop3A_329 = vector.broadcast %parallel_loop3A_328 : i32 to vector<16xi32>
        %parallel_loop3A_330 = arith.addi %parallel_loop3A_324, %parallel_loop3A_329 : vector<16xi32>
        %parallel_loop3A_331 = tpu.vector_load_idx %arg6[%parallel_loop3A_330] : memref<65536xf32, #tpu.memory_space<vmem>>[vector<16xi32>], vector<16xf32>,
        %parallel_loop3A_332 = arith.subf %parallel_loop3A_331, %parallel_loop3A_327 : vector<16xf32>
        %parallel_loop3A_333 = arith.mulf %parallel_loop3A_332, %parallel_loop3A_326 : vector<16xf32>
        %parallel_loop3A_334 = arith.addf %parallel_loop3A_327, %parallel_loop3A_333 : vector<16xf32>
        %parallel_loop3A_335 = arith.constant 1.000000e+00 : f32
        %parallel_loop3A_336 = vector.broadcast %parallel_loop3A_335 : f32 to vector<16xf32>
        %parallel_loop3A_337 = arith.subf %parallel_loop3A_336, %parallel_loop3A_321 : vector<16xf32>
        %parallel_loop3A_338 = arith.constant 1.000000e+00 : f32
        %parallel_loop3A_339 = vector.broadcast %parallel_loop3A_338 : f32 to vector<16xf32>
        %parallel_loop3A_340 = arith.subf %parallel_loop3A_339, %parallel_loop3A_334 : vector<16xf32>
        %parallel_loop3A_341 = arith.mulf %parallel_loop3A_337, %parallel_loop3A_340 : vector<16xf32>
        %parallel_loop3A_342 = arith.index_cast %parallel_loop3A_308 : i32 to index
        %parallel_loop3A_343 = tpu.vector_load %arg12[%parallel_loop3A_342] {strides = array<i32>} : memref<8192xf32, #tpu.memory_space<vmem>>, vector<16xf32>,
        tpu.vector_store %arg12[%parallel_loop3A_342], %parallel_loop3A_341 {strides = array<i32>} : memref<8192xf32, #tpu.memory_space<vmem>>, vector<16xf32>,
      } {sc.loop_unroll_factor = 4 : i64, sc.parallel_access}
      %dma_start3A_110 = arith.constant 8192 : i32
      %dma_start3A_111 = tpu.memref_slice %arg5[%add3A_53, %dma_start3A_110] : memref<128x65536xf32, #tpu.memory_space<hbm>> -> memref<1x8192xf32, #tpu.memory_space<hbm>>
      %dma_start3A_112 = tpu.memref_squeeze %dma_start3A_111 : memref<1x8192xf32, #tpu.memory_space<hbm>> -> memref<8192xf32, #tpu.memory_space<hbm>>
      %dma_start3A_113 = arith.constant 8192 : i32
      %dma_start3A_114 = tpu.memref_slice %arg5[%add3A_53, %dma_start3A_113] : memref<128x65536xf32, #tpu.memory_space<hbm>> -> memref<1x8192xf32, #tpu.memory_space<hbm>>
      %dma_start3A_115 = tpu.memref_squeeze %dma_start3A_114 : memref<1x8192xf32, #tpu.memory_space<hbm>> -> memref<8192xf32, #tpu.memory_space<hbm>>
      tpu.enqueue_dma source(%arg12 : memref<8192xf32, #tpu.memory_space<vmem>>) target(%dma_start3A_115 : memref<8192xf32, #tpu.memory_space<hbm>>) target_semaphore(%arg18 : memref<!tpu.dma_semaphore, #tpu.memory_space<semaphore_mem>>)
      %dma_start3A_116 = arith.constant 24576 : i32
      %dma_start3A_117 = tpu.memref_slice %arg13[%dma_start3A_116] : memref<65536xf32, #tpu.memory_space<vmem_shared>> -> memref<8192xf32, #tpu.memory_space<vmem_shared>>
      %dma_start3A_118 = arith.constant 24576 : i32
      %dma_start3A_119 = tpu.memref_slice %arg13[%dma_start3A_118] : memref<65536xf32, #tpu.memory_space<vmem_shared>> -> memref<8192xf32, #tpu.memory_space<vmem_shared>>
      tpu.enqueue_dma source(%dma_start3A_119 : memref<8192xf32, #tpu.memory_space<vmem_shared>>) target(%arg8 : memref<8192xf32, #tpu.memory_space<vmem>>) target_semaphore(%arg16 : memref<!tpu.dma_semaphore, #tpu.memory_space<semaphore_mem>>)
      %dma_start3A_120 = arith.constant 24576 : i32
      %dma_start3A_121 = tpu.memref_slice %arg14[%dma_start3A_120] : memref<65536xf32, #tpu.memory_space<vmem_shared>> -> memref<8192xf32, #tpu.memory_space<vmem_shared>>
      %dma_start3A_122 = arith.constant 24576 : i32
      %dma_start3A_123 = tpu.memref_slice %arg14[%dma_start3A_122] : memref<65536xf32, #tpu.memory_space<vmem_shared>> -> memref<8192xf32, #tpu.memory_space<vmem_shared>>
      tpu.enqueue_dma source(%dma_start3A_123 : memref<8192xf32, #tpu.memory_space<vmem_shared>>) target(%arg10 : memref<8192xf32, #tpu.memory_space<vmem>>) target_semaphore(%arg16 : memref<!tpu.dma_semaphore, #tpu.memory_space<semaphore_mem>>)
      %dma_wait3A_124 = arith.constant 16384 : i32
      %dma_wait3A_125 = tpu.memref_slice %arg13[%dma_wait3A_124] : memref<65536xf32, #tpu.memory_space<vmem_shared>> -> memref<8192xf32, #tpu.memory_space<vmem_shared>>
      %dma_wait3A_126 = arith.constant 16384 : i32
      %dma_wait3A_127 = tpu.memref_slice %arg13[%dma_wait3A_126] : memref<65536xf32, #tpu.memory_space<vmem_shared>> -> memref<8192xf32, #tpu.memory_space<vmem_shared>>
      tpu.wait_dma2 semaphore(%arg15 : memref<!tpu.dma_semaphore, #tpu.memory_space<semaphore_mem>>) src(%dma_wait3A_127 : memref<8192xf32, #tpu.memory_space<vmem_shared>>) dst(%arg7 : memref<8192xf32, #tpu.memory_space<vmem>>)
      %dma_wait3A_128 = arith.constant 16384 : i32
      %dma_wait3A_129 = tpu.memref_slice %arg14[%dma_wait3A_128] : memref<65536xf32, #tpu.memory_space<vmem_shared>> -> memref<8192xf32, #tpu.memory_space<vmem_shared>>
      %dma_wait3A_130 = arith.constant 16384 : i32
      %dma_wait3A_131 = tpu.memref_slice %arg14[%dma_wait3A_130] : memref<65536xf32, #tpu.memory_space<vmem_shared>> -> memref<8192xf32, #tpu.memory_space<vmem_shared>>
      tpu.wait_dma2 semaphore(%arg15 : memref<!tpu.dma_semaphore, #tpu.memory_space<semaphore_mem>>) src(%dma_wait3A_131 : memref<8192xf32, #tpu.memory_space<vmem_shared>>) dst(%arg9 : memref<8192xf32, #tpu.memory_space<vmem>>)
      %dma_wait3A_132 = arith.constant 16384 : i32
      %dma_wait3A_133 = tpu.memref_slice %arg5[%add3A_53, %dma_wait3A_132] : memref<128x65536xf32, #tpu.memory_space<hbm>> -> memref<1x8192xf32, #tpu.memory_space<hbm>>
      %dma_wait3A_134 = tpu.memref_squeeze %dma_wait3A_133 : memref<1x8192xf32, #tpu.memory_space<hbm>> -> memref<8192xf32, #tpu.memory_space<hbm>>
      %dma_wait3A_135 = arith.constant 16384 : i32
      %dma_wait3A_136 = tpu.memref_slice %arg5[%add3A_53, %dma_wait3A_135] : memref<128x65536xf32, #tpu.memory_space<hbm>> -> memref<1x8192xf32, #tpu.memory_space<hbm>>
      %dma_wait3A_137 = tpu.memref_squeeze %dma_wait3A_136 : memref<1x8192xf32, #tpu.memory_space<hbm>> -> memref<8192xf32, #tpu.memory_space<hbm>>
      tpu.wait_dma2 semaphore(%arg17 : memref<!tpu.dma_semaphore, #tpu.memory_space<semaphore_mem>>) src(%arg11 : memref<8192xf32, #tpu.memory_space<vmem>>) dst(%dma_wait3A_137 : memref<8192xf32, #tpu.memory_space<hbm>>)
      %parallel_loop3A_138 = arith.constant 0 : i32
      %parallel_loop3A_139 = arith.constant 8192 : i32
      %parallel_loop3A_140 = arith.constant 16 : i32
      scf.for %parallel_loop3A_308 = %parallel_loop3A_138 to %parallel_loop3A_139 step %parallel_loop3A_140  : i32 {
        %parallel_loop3A_309 = arith.index_cast %parallel_loop3A_308 : i32 to index
        %parallel_loop3A_310 = tpu.vector_load %arg7[%parallel_loop3A_309] {strides = array<i32>} : memref<8192xf32, #tpu.memory_space<vmem>>, vector<16xf32>,
        %parallel_loop3A_311 = arith.fptosi %parallel_loop3A_310 : vector<16xf32> to vector<16xi32>
        %parallel_loop3A_312 = arith.sitofp %parallel_loop3A_311 : vector<16xi32> to vector<16xf32>
        %parallel_loop3A_313 = arith.subf %parallel_loop3A_310, %parallel_loop3A_312 : vector<16xf32>
        %parallel_loop3A_314 = tpu.vector_load_idx %arg6[%parallel_loop3A_311] : memref<65536xf32, #tpu.memory_space<vmem>>[vector<16xi32>], vector<16xf32>,
        %parallel_loop3A_315 = arith.constant 1 : i32
        %parallel_loop3A_316 = vector.broadcast %parallel_loop3A_315 : i32 to vector<16xi32>
        %parallel_loop3A_317 = arith.addi %parallel_loop3A_311, %parallel_loop3A_316 : vector<16xi32>
        %parallel_loop3A_318 = tpu.vector_load_idx %arg6[%parallel_loop3A_317] : memref<65536xf32, #tpu.memory_space<vmem>>[vector<16xi32>], vector<16xf32>,
        %parallel_loop3A_319 = arith.subf %parallel_loop3A_318, %parallel_loop3A_314 : vector<16xf32>
        %parallel_loop3A_320 = arith.mulf %parallel_loop3A_319, %parallel_loop3A_313 : vector<16xf32>
        %parallel_loop3A_321 = arith.addf %parallel_loop3A_314, %parallel_loop3A_320 : vector<16xf32>
        %parallel_loop3A_322 = arith.index_cast %parallel_loop3A_308 : i32 to index
        %parallel_loop3A_323 = tpu.vector_load %arg9[%parallel_loop3A_322] {strides = array<i32>} : memref<8192xf32, #tpu.memory_space<vmem>>, vector<16xf32>,
        %parallel_loop3A_324 = arith.fptosi %parallel_loop3A_323 : vector<16xf32> to vector<16xi32>
        %parallel_loop3A_325 = arith.sitofp %parallel_loop3A_324 : vector<16xi32> to vector<16xf32>
        %parallel_loop3A_326 = arith.subf %parallel_loop3A_323, %parallel_loop3A_325 : vector<16xf32>
        %parallel_loop3A_327 = tpu.vector_load_idx %arg6[%parallel_loop3A_324] : memref<65536xf32, #tpu.memory_space<vmem>>[vector<16xi32>], vector<16xf32>,
        %parallel_loop3A_328 = arith.constant 1 : i32
        %parallel_loop3A_329 = vector.broadcast %parallel_loop3A_328 : i32 to vector<16xi32>
        %parallel_loop3A_330 = arith.addi %parallel_loop3A_324, %parallel_loop3A_329 : vector<16xi32>
        %parallel_loop3A_331 = tpu.vector_load_idx %arg6[%parallel_loop3A_330] : memref<65536xf32, #tpu.memory_space<vmem>>[vector<16xi32>], vector<16xf32>,
        %parallel_loop3A_332 = arith.subf %parallel_loop3A_331, %parallel_loop3A_327 : vector<16xf32>
        %parallel_loop3A_333 = arith.mulf %parallel_loop3A_332, %parallel_loop3A_326 : vector<16xf32>
        %parallel_loop3A_334 = arith.addf %parallel_loop3A_327, %parallel_loop3A_333 : vector<16xf32>
        %parallel_loop3A_335 = arith.constant 1.000000e+00 : f32
        %parallel_loop3A_336 = vector.broadcast %parallel_loop3A_335 : f32 to vector<16xf32>
        %parallel_loop3A_337 = arith.subf %parallel_loop3A_336, %parallel_loop3A_321 : vector<16xf32>
        %parallel_loop3A_338 = arith.constant 1.000000e+00 : f32
        %parallel_loop3A_339 = vector.broadcast %parallel_loop3A_338 : f32 to vector<16xf32>
        %parallel_loop3A_340 = arith.subf %parallel_loop3A_339, %parallel_loop3A_334 : vector<16xf32>
        %parallel_loop3A_341 = arith.mulf %parallel_loop3A_337, %parallel_loop3A_340 : vector<16xf32>
        %parallel_loop3A_342 = arith.index_cast %parallel_loop3A_308 : i32 to index
        %parallel_loop3A_343 = tpu.vector_load %arg11[%parallel_loop3A_342] {strides = array<i32>} : memref<8192xf32, #tpu.memory_space<vmem>>, vector<16xf32>,
        tpu.vector_store %arg11[%parallel_loop3A_342], %parallel_loop3A_341 {strides = array<i32>} : memref<8192xf32, #tpu.memory_space<vmem>>, vector<16xf32>,
      } {sc.loop_unroll_factor = 4 : i64, sc.parallel_access}
      %dma_start3A_141 = arith.constant 16384 : i32
      %dma_start3A_142 = tpu.memref_slice %arg5[%add3A_53, %dma_start3A_141] : memref<128x65536xf32, #tpu.memory_space<hbm>> -> memref<1x8192xf32, #tpu.memory_space<hbm>>
      %dma_start3A_143 = tpu.memref_squeeze %dma_start3A_142 : memref<1x8192xf32, #tpu.memory_space<hbm>> -> memref<8192xf32, #tpu.memory_space<hbm>>
      %dma_start3A_144 = arith.constant 16384 : i32
      %dma_start3A_145 = tpu.memref_slice %arg5[%add3A_53, %dma_start3A_144] : memref<128x65536xf32, #tpu.memory_space<hbm>> -> memref<1x8192xf32, #tpu.memory_space<hbm>>
      %dma_start3A_146 = tpu.memref_squeeze %dma_start3A_145 : memref<1x8192xf32, #tpu.memory_space<hbm>> -> memref<8192xf32, #tpu.memory_space<hbm>>
      tpu.enqueue_dma source(%arg11 : memref<8192xf32, #tpu.memory_space<vmem>>) target(%dma_start3A_146 : memref<8192xf32, #tpu.memory_space<hbm>>) target_semaphore(%arg17 : memref<!tpu.dma_semaphore, #tpu.memory_space<semaphore_mem>>)
      %dma_start3A_147 = arith.constant 32768 : i32
      %dma_start3A_148 = tpu.memref_slice %arg13[%dma_start3A_147] : memref<65536xf32, #tpu.memory_space<vmem_shared>> -> memref<8192xf32, #tpu.memory_space<vmem_shared>>
      %dma_start3A_149 = arith.constant 32768 : i32
      %dma_start3A_150 = tpu.memref_slice %arg13[%dma_start3A_149] : memref<65536xf32, #tpu.memory_space<vmem_shared>> -> memref<8192xf32, #tpu.memory_space<vmem_shared>>
      tpu.enqueue_dma source(%dma_start3A_150 : memref<8192xf32, #tpu.memory_space<vmem_shared>>) target(%arg7 : memref<8192xf32, #tpu.memory_space<vmem>>) target_semaphore(%arg15 : memref<!tpu.dma_semaphore, #tpu.memory_space<semaphore_mem>>)
      %dma_start3A_151 = arith.constant 32768 : i32
      %dma_start3A_152 = tpu.memref_slice %arg14[%dma_start3A_151] : memref<65536xf32, #tpu.memory_space<vmem_shared>> -> memref<8192xf32, #tpu.memory_space<vmem_shared>>
      %dma_start3A_153 = arith.constant 32768 : i32
      %dma_start3A_154 = tpu.memref_slice %arg14[%dma_start3A_153] : memref<65536xf32, #tpu.memory_space<vmem_shared>> -> memref<8192xf32, #tpu.memory_space<vmem_shared>>
      tpu.enqueue_dma source(%dma_start3A_154 : memref<8192xf32, #tpu.memory_space<vmem_shared>>) target(%arg9 : memref<8192xf32, #tpu.memory_space<vmem>>) target_semaphore(%arg15 : memref<!tpu.dma_semaphore, #tpu.memory_space<semaphore_mem>>)
      %dma_wait3A_155 = arith.constant 24576 : i32
      %dma_wait3A_156 = tpu.memref_slice %arg13[%dma_wait3A_155] : memref<65536xf32, #tpu.memory_space<vmem_shared>> -> memref<8192xf32, #tpu.memory_space<vmem_shared>>
      %dma_wait3A_157 = arith.constant 24576 : i32
      %dma_wait3A_158 = tpu.memref_slice %arg13[%dma_wait3A_157] : memref<65536xf32, #tpu.memory_space<vmem_shared>> -> memref<8192xf32, #tpu.memory_space<vmem_shared>>
      tpu.wait_dma2 semaphore(%arg16 : memref<!tpu.dma_semaphore, #tpu.memory_space<semaphore_mem>>) src(%dma_wait3A_158 : memref<8192xf32, #tpu.memory_space<vmem_shared>>) dst(%arg8 : memref<8192xf32, #tpu.memory_space<vmem>>)
      %dma_wait3A_159 = arith.constant 24576 : i32
      %dma_wait3A_160 = tpu.memref_slice %arg14[%dma_wait3A_159] : memref<65536xf32, #tpu.memory_space<vmem_shared>> -> memref<8192xf32, #tpu.memory_space<vmem_shared>>
      %dma_wait3A_161 = arith.constant 24576 : i32
      %dma_wait3A_162 = tpu.memref_slice %arg14[%dma_wait3A_161] : memref<65536xf32, #tpu.memory_space<vmem_shared>> -> memref<8192xf32, #tpu.memory_space<vmem_shared>>
      tpu.wait_dma2 semaphore(%arg16 : memref<!tpu.dma_semaphore, #tpu.memory_space<semaphore_mem>>) src(%dma_wait3A_162 : memref<8192xf32, #tpu.memory_space<vmem_shared>>) dst(%arg10 : memref<8192xf32, #tpu.memory_space<vmem>>)
      %dma_wait3A_163 = arith.constant 24576 : i32
      %dma_wait3A_164 = tpu.memref_slice %arg5[%add3A_53, %dma_wait3A_163] : memref<128x65536xf32, #tpu.memory_space<hbm>> -> memref<1x8192xf32, #tpu.memory_space<hbm>>
      %dma_wait3A_165 = tpu.memref_squeeze %dma_wait3A_164 : memref<1x8192xf32, #tpu.memory_space<hbm>> -> memref<8192xf32, #tpu.memory_space<hbm>>
      %dma_wait3A_166 = arith.constant 24576 : i32
      %dma_wait3A_167 = tpu.memref_slice %arg5[%add3A_53, %dma_wait3A_166] : memref<128x65536xf32, #tpu.memory_space<hbm>> -> memref<1x8192xf32, #tpu.memory_space<hbm>>
      %dma_wait3A_168 = tpu.memref_squeeze %dma_wait3A_167 : memref<1x8192xf32, #tpu.memory_space<hbm>> -> memref<8192xf32, #tpu.memory_space<hbm>>
      tpu.wait_dma2 semaphore(%arg18 : memref<!tpu.dma_semaphore, #tpu.memory_space<semaphore_mem>>) src(%arg12 : memref<8192xf32, #tpu.memory_space<vmem>>) dst(%dma_wait3A_168 : memref<8192xf32, #tpu.memory_space<hbm>>)
      %parallel_loop3A_169 = arith.constant 0 : i32
      %parallel_loop3A_170 = arith.constant 8192 : i32
      %parallel_loop3A_171 = arith.constant 16 : i32
      scf.for %parallel_loop3A_308 = %parallel_loop3A_169 to %parallel_loop3A_170 step %parallel_loop3A_171  : i32 {
        %parallel_loop3A_309 = arith.index_cast %parallel_loop3A_308 : i32 to index
        %parallel_loop3A_310 = tpu.vector_load %arg8[%parallel_loop3A_309] {strides = array<i32>} : memref<8192xf32, #tpu.memory_space<vmem>>, vector<16xf32>,
        %parallel_loop3A_311 = arith.fptosi %parallel_loop3A_310 : vector<16xf32> to vector<16xi32>
        %parallel_loop3A_312 = arith.sitofp %parallel_loop3A_311 : vector<16xi32> to vector<16xf32>
        %parallel_loop3A_313 = arith.subf %parallel_loop3A_310, %parallel_loop3A_312 : vector<16xf32>
        %parallel_loop3A_314 = tpu.vector_load_idx %arg6[%parallel_loop3A_311] : memref<65536xf32, #tpu.memory_space<vmem>>[vector<16xi32>], vector<16xf32>,
        %parallel_loop3A_315 = arith.constant 1 : i32
        %parallel_loop3A_316 = vector.broadcast %parallel_loop3A_315 : i32 to vector<16xi32>
        %parallel_loop3A_317 = arith.addi %parallel_loop3A_311, %parallel_loop3A_316 : vector<16xi32>
        %parallel_loop3A_318 = tpu.vector_load_idx %arg6[%parallel_loop3A_317] : memref<65536xf32, #tpu.memory_space<vmem>>[vector<16xi32>], vector<16xf32>,
        %parallel_loop3A_319 = arith.subf %parallel_loop3A_318, %parallel_loop3A_314 : vector<16xf32>
        %parallel_loop3A_320 = arith.mulf %parallel_loop3A_319, %parallel_loop3A_313 : vector<16xf32>
        %parallel_loop3A_321 = arith.addf %parallel_loop3A_314, %parallel_loop3A_320 : vector<16xf32>
        %parallel_loop3A_322 = arith.index_cast %parallel_loop3A_308 : i32 to index
        %parallel_loop3A_323 = tpu.vector_load %arg10[%parallel_loop3A_322] {strides = array<i32>} : memref<8192xf32, #tpu.memory_space<vmem>>, vector<16xf32>,
        %parallel_loop3A_324 = arith.fptosi %parallel_loop3A_323 : vector<16xf32> to vector<16xi32>
        %parallel_loop3A_325 = arith.sitofp %parallel_loop3A_324 : vector<16xi32> to vector<16xf32>
        %parallel_loop3A_326 = arith.subf %parallel_loop3A_323, %parallel_loop3A_325 : vector<16xf32>
        %parallel_loop3A_327 = tpu.vector_load_idx %arg6[%parallel_loop3A_324] : memref<65536xf32, #tpu.memory_space<vmem>>[vector<16xi32>], vector<16xf32>,
        %parallel_loop3A_328 = arith.constant 1 : i32
        %parallel_loop3A_329 = vector.broadcast %parallel_loop3A_328 : i32 to vector<16xi32>
        %parallel_loop3A_330 = arith.addi %parallel_loop3A_324, %parallel_loop3A_329 : vector<16xi32>
        %parallel_loop3A_331 = tpu.vector_load_idx %arg6[%parallel_loop3A_330] : memref<65536xf32, #tpu.memory_space<vmem>>[vector<16xi32>], vector<16xf32>,
        %parallel_loop3A_332 = arith.subf %parallel_loop3A_331, %parallel_loop3A_327 : vector<16xf32>
        %parallel_loop3A_333 = arith.mulf %parallel_loop3A_332, %parallel_loop3A_326 : vector<16xf32>
        %parallel_loop3A_334 = arith.addf %parallel_loop3A_327, %parallel_loop3A_333 : vector<16xf32>
        %parallel_loop3A_335 = arith.constant 1.000000e+00 : f32
        %parallel_loop3A_336 = vector.broadcast %parallel_loop3A_335 : f32 to vector<16xf32>
        %parallel_loop3A_337 = arith.subf %parallel_loop3A_336, %parallel_loop3A_321 : vector<16xf32>
        %parallel_loop3A_338 = arith.constant 1.000000e+00 : f32
        %parallel_loop3A_339 = vector.broadcast %parallel_loop3A_338 : f32 to vector<16xf32>
        %parallel_loop3A_340 = arith.subf %parallel_loop3A_339, %parallel_loop3A_334 : vector<16xf32>
        %parallel_loop3A_341 = arith.mulf %parallel_loop3A_337, %parallel_loop3A_340 : vector<16xf32>
        %parallel_loop3A_342 = arith.index_cast %parallel_loop3A_308 : i32 to index
        %parallel_loop3A_343 = tpu.vector_load %arg12[%parallel_loop3A_342] {strides = array<i32>} : memref<8192xf32, #tpu.memory_space<vmem>>, vector<16xf32>,
        tpu.vector_store %arg12[%parallel_loop3A_342], %parallel_loop3A_341 {strides = array<i32>} : memref<8192xf32, #tpu.memory_space<vmem>>, vector<16xf32>,
      } {sc.loop_unroll_factor = 4 : i64, sc.parallel_access}
      %dma_start3A_172 = arith.constant 24576 : i32
      %dma_start3A_173 = tpu.memref_slice %arg5[%add3A_53, %dma_start3A_172] : memref<128x65536xf32, #tpu.memory_space<hbm>> -> memref<1x8192xf32, #tpu.memory_space<hbm>>
      %dma_start3A_174 = tpu.memref_squeeze %dma_start3A_173 : memref<1x8192xf32, #tpu.memory_space<hbm>> -> memref<8192xf32, #tpu.memory_space<hbm>>
      %dma_start3A_175 = arith.constant 24576 : i32
      %dma_start3A_176 = tpu.memref_slice %arg5[%add3A_53, %dma_start3A_175] : memref<128x65536xf32, #tpu.memory_space<hbm>> -> memref<1x8192xf32, #tpu.memory_space<hbm>>
      %dma_start3A_177 = tpu.memref_squeeze %dma_start3A_176 : memref<1x8192xf32, #tpu.memory_space<hbm>> -> memref<8192xf32, #tpu.memory_space<hbm>>
      tpu.enqueue_dma source(%arg12 : memref<8192xf32, #tpu.memory_space<vmem>>) target(%dma_start3A_177 : memref<8192xf32, #tpu.memory_space<hbm>>) target_semaphore(%arg18 : memref<!tpu.dma_semaphore, #tpu.memory_space<semaphore_mem>>)
      %dma_start3A_178 = arith.constant 40960 : i32
      %dma_start3A_179 = tpu.memref_slice %arg13[%dma_start3A_178] : memref<65536xf32, #tpu.memory_space<vmem_shared>> -> memref<8192xf32, #tpu.memory_space<vmem_shared>>
      %dma_start3A_180 = arith.constant 40960 : i32
      %dma_start3A_181 = tpu.memref_slice %arg13[%dma_start3A_180] : memref<65536xf32, #tpu.memory_space<vmem_shared>> -> memref<8192xf32, #tpu.memory_space<vmem_shared>>
      tpu.enqueue_dma source(%dma_start3A_181 : memref<8192xf32, #tpu.memory_space<vmem_shared>>) target(%arg8 : memref<8192xf32, #tpu.memory_space<vmem>>) target_semaphore(%arg16 : memref<!tpu.dma_semaphore, #tpu.memory_space<semaphore_mem>>)
      %dma_start3A_182 = arith.constant 40960 : i32
      %dma_start3A_183 = tpu.memref_slice %arg14[%dma_start3A_182] : memref<65536xf32, #tpu.memory_space<vmem_shared>> -> memref<8192xf32, #tpu.memory_space<vmem_shared>>
      %dma_start3A_184 = arith.constant 40960 : i32
      %dma_start3A_185 = tpu.memref_slice %arg14[%dma_start3A_184] : memref<65536xf32, #tpu.memory_space<vmem_shared>> -> memref<8192xf32, #tpu.memory_space<vmem_shared>>
      tpu.enqueue_dma source(%dma_start3A_185 : memref<8192xf32, #tpu.memory_space<vmem_shared>>) target(%arg10 : memref<8192xf32, #tpu.memory_space<vmem>>) target_semaphore(%arg16 : memref<!tpu.dma_semaphore, #tpu.memory_space<semaphore_mem>>)
      %dma_wait3A_186 = arith.constant 32768 : i32
      %dma_wait3A_187 = tpu.memref_slice %arg13[%dma_wait3A_186] : memref<65536xf32, #tpu.memory_space<vmem_shared>> -> memref<8192xf32, #tpu.memory_space<vmem_shared>>
      %dma_wait3A_188 = arith.constant 32768 : i32
      %dma_wait3A_189 = tpu.memref_slice %arg13[%dma_wait3A_188] : memref<65536xf32, #tpu.memory_space<vmem_shared>> -> memref<8192xf32, #tpu.memory_space<vmem_shared>>
      tpu.wait_dma2 semaphore(%arg15 : memref<!tpu.dma_semaphore, #tpu.memory_space<semaphore_mem>>) src(%dma_wait3A_189 : memref<8192xf32, #tpu.memory_space<vmem_shared>>) dst(%arg7 : memref<8192xf32, #tpu.memory_space<vmem>>)
      %dma_wait3A_190 = arith.constant 32768 : i32
      %dma_wait3A_191 = tpu.memref_slice %arg14[%dma_wait3A_190] : memref<65536xf32, #tpu.memory_space<vmem_shared>> -> memref<8192xf32, #tpu.memory_space<vmem_shared>>
      %dma_wait3A_192 = arith.constant 32768 : i32
      %dma_wait3A_193 = tpu.memref_slice %arg14[%dma_wait3A_192] : memref<65536xf32, #tpu.memory_space<vmem_shared>> -> memref<8192xf32, #tpu.memory_space<vmem_shared>>
      tpu.wait_dma2 semaphore(%arg15 : memref<!tpu.dma_semaphore, #tpu.memory_space<semaphore_mem>>) src(%dma_wait3A_193 : memref<8192xf32, #tpu.memory_space<vmem_shared>>) dst(%arg9 : memref<8192xf32, #tpu.memory_space<vmem>>)
      %dma_wait3A_194 = arith.constant 32768 : i32
      %dma_wait3A_195 = tpu.memref_slice %arg5[%add3A_53, %dma_wait3A_194] : memref<128x65536xf32, #tpu.memory_space<hbm>> -> memref<1x8192xf32, #tpu.memory_space<hbm>>
      %dma_wait3A_196 = tpu.memref_squeeze %dma_wait3A_195 : memref<1x8192xf32, #tpu.memory_space<hbm>> -> memref<8192xf32, #tpu.memory_space<hbm>>
      %dma_wait3A_197 = arith.constant 32768 : i32
      %dma_wait3A_198 = tpu.memref_slice %arg5[%add3A_53, %dma_wait3A_197] : memref<128x65536xf32, #tpu.memory_space<hbm>> -> memref<1x8192xf32, #tpu.memory_space<hbm>>
      %dma_wait3A_199 = tpu.memref_squeeze %dma_wait3A_198 : memref<1x8192xf32, #tpu.memory_space<hbm>> -> memref<8192xf32, #tpu.memory_space<hbm>>
      tpu.wait_dma2 semaphore(%arg17 : memref<!tpu.dma_semaphore, #tpu.memory_space<semaphore_mem>>) src(%arg11 : memref<8192xf32, #tpu.memory_space<vmem>>) dst(%dma_wait3A_199 : memref<8192xf32, #tpu.memory_space<hbm>>)
      %parallel_loop3A_200 = arith.constant 0 : i32
      %parallel_loop3A_201 = arith.constant 8192 : i32
      %parallel_loop3A_202 = arith.constant 16 : i32
      scf.for %parallel_loop3A_308 = %parallel_loop3A_200 to %parallel_loop3A_201 step %parallel_loop3A_202  : i32 {
        %parallel_loop3A_309 = arith.index_cast %parallel_loop3A_308 : i32 to index
        %parallel_loop3A_310 = tpu.vector_load %arg7[%parallel_loop3A_309] {strides = array<i32>} : memref<8192xf32, #tpu.memory_space<vmem>>, vector<16xf32>,
        %parallel_loop3A_311 = arith.fptosi %parallel_loop3A_310 : vector<16xf32> to vector<16xi32>
        %parallel_loop3A_312 = arith.sitofp %parallel_loop3A_311 : vector<16xi32> to vector<16xf32>
        %parallel_loop3A_313 = arith.subf %parallel_loop3A_310, %parallel_loop3A_312 : vector<16xf32>
        %parallel_loop3A_314 = tpu.vector_load_idx %arg6[%parallel_loop3A_311] : memref<65536xf32, #tpu.memory_space<vmem>>[vector<16xi32>], vector<16xf32>,
        %parallel_loop3A_315 = arith.constant 1 : i32
        %parallel_loop3A_316 = vector.broadcast %parallel_loop3A_315 : i32 to vector<16xi32>
        %parallel_loop3A_317 = arith.addi %parallel_loop3A_311, %parallel_loop3A_316 : vector<16xi32>
        %parallel_loop3A_318 = tpu.vector_load_idx %arg6[%parallel_loop3A_317] : memref<65536xf32, #tpu.memory_space<vmem>>[vector<16xi32>], vector<16xf32>,
        %parallel_loop3A_319 = arith.subf %parallel_loop3A_318, %parallel_loop3A_314 : vector<16xf32>
        %parallel_loop3A_320 = arith.mulf %parallel_loop3A_319, %parallel_loop3A_313 : vector<16xf32>
        %parallel_loop3A_321 = arith.addf %parallel_loop3A_314, %parallel_loop3A_320 : vector<16xf32>
        %parallel_loop3A_322 = arith.index_cast %parallel_loop3A_308 : i32 to index
        %parallel_loop3A_323 = tpu.vector_load %arg9[%parallel_loop3A_322] {strides = array<i32>} : memref<8192xf32, #tpu.memory_space<vmem>>, vector<16xf32>,
        %parallel_loop3A_324 = arith.fptosi %parallel_loop3A_323 : vector<16xf32> to vector<16xi32>
        %parallel_loop3A_325 = arith.sitofp %parallel_loop3A_324 : vector<16xi32> to vector<16xf32>
        %parallel_loop3A_326 = arith.subf %parallel_loop3A_323, %parallel_loop3A_325 : vector<16xf32>
        %parallel_loop3A_327 = tpu.vector_load_idx %arg6[%parallel_loop3A_324] : memref<65536xf32, #tpu.memory_space<vmem>>[vector<16xi32>], vector<16xf32>,
        %parallel_loop3A_328 = arith.constant 1 : i32
        %parallel_loop3A_329 = vector.broadcast %parallel_loop3A_328 : i32 to vector<16xi32>
        %parallel_loop3A_330 = arith.addi %parallel_loop3A_324, %parallel_loop3A_329 : vector<16xi32>
        %parallel_loop3A_331 = tpu.vector_load_idx %arg6[%parallel_loop3A_330] : memref<65536xf32, #tpu.memory_space<vmem>>[vector<16xi32>], vector<16xf32>,
        %parallel_loop3A_332 = arith.subf %parallel_loop3A_331, %parallel_loop3A_327 : vector<16xf32>
        %parallel_loop3A_333 = arith.mulf %parallel_loop3A_332, %parallel_loop3A_326 : vector<16xf32>
        %parallel_loop3A_334 = arith.addf %parallel_loop3A_327, %parallel_loop3A_333 : vector<16xf32>
        %parallel_loop3A_335 = arith.constant 1.000000e+00 : f32
        %parallel_loop3A_336 = vector.broadcast %parallel_loop3A_335 : f32 to vector<16xf32>
        %parallel_loop3A_337 = arith.subf %parallel_loop3A_336, %parallel_loop3A_321 : vector<16xf32>
        %parallel_loop3A_338 = arith.constant 1.000000e+00 : f32
        %parallel_loop3A_339 = vector.broadcast %parallel_loop3A_338 : f32 to vector<16xf32>
        %parallel_loop3A_340 = arith.subf %parallel_loop3A_339, %parallel_loop3A_334 : vector<16xf32>
        %parallel_loop3A_341 = arith.mulf %parallel_loop3A_337, %parallel_loop3A_340 : vector<16xf32>
        %parallel_loop3A_342 = arith.index_cast %parallel_loop3A_308 : i32 to index
        %parallel_loop3A_343 = tpu.vector_load %arg11[%parallel_loop3A_342] {strides = array<i32>} : memref<8192xf32, #tpu.memory_space<vmem>>, vector<16xf32>,
        tpu.vector_store %arg11[%parallel_loop3A_342], %parallel_loop3A_341 {strides = array<i32>} : memref<8192xf32, #tpu.memory_space<vmem>>, vector<16xf32>,
      } {sc.loop_unroll_factor = 4 : i64, sc.parallel_access}
      %dma_start3A_203 = arith.constant 32768 : i32
      %dma_start3A_204 = tpu.memref_slice %arg5[%add3A_53, %dma_start3A_203] : memref<128x65536xf32, #tpu.memory_space<hbm>> -> memref<1x8192xf32, #tpu.memory_space<hbm>>
      %dma_start3A_205 = tpu.memref_squeeze %dma_start3A_204 : memref<1x8192xf32, #tpu.memory_space<hbm>> -> memref<8192xf32, #tpu.memory_space<hbm>>
      %dma_start3A_206 = arith.constant 32768 : i32
      %dma_start3A_207 = tpu.memref_slice %arg5[%add3A_53, %dma_start3A_206] : memref<128x65536xf32, #tpu.memory_space<hbm>> -> memref<1x8192xf32, #tpu.memory_space<hbm>>
      %dma_start3A_208 = tpu.memref_squeeze %dma_start3A_207 : memref<1x8192xf32, #tpu.memory_space<hbm>> -> memref<8192xf32, #tpu.memory_space<hbm>>
      tpu.enqueue_dma source(%arg11 : memref<8192xf32, #tpu.memory_space<vmem>>) target(%dma_start3A_208 : memref<8192xf32, #tpu.memory_space<hbm>>) target_semaphore(%arg17 : memref<!tpu.dma_semaphore, #tpu.memory_space<semaphore_mem>>)
      %dma_start3A_209 = arith.constant 49152 : i32
      %dma_start3A_210 = tpu.memref_slice %arg13[%dma_start3A_209] : memref<65536xf32, #tpu.memory_space<vmem_shared>> -> memref<8192xf32, #tpu.memory_space<vmem_shared>>
      %dma_start3A_211 = arith.constant 49152 : i32
      %dma_start3A_212 = tpu.memref_slice %arg13[%dma_start3A_211] : memref<65536xf32, #tpu.memory_space<vmem_shared>> -> memref<8192xf32, #tpu.memory_space<vmem_shared>>
      tpu.enqueue_dma source(%dma_start3A_212 : memref<8192xf32, #tpu.memory_space<vmem_shared>>) target(%arg7 : memref<8192xf32, #tpu.memory_space<vmem>>) target_semaphore(%arg15 : memref<!tpu.dma_semaphore, #tpu.memory_space<semaphore_mem>>)
      %dma_start3A_213 = arith.constant 49152 : i32
      %dma_start3A_214 = tpu.memref_slice %arg14[%dma_start3A_213] : memref<65536xf32, #tpu.memory_space<vmem_shared>> -> memref<8192xf32, #tpu.memory_space<vmem_shared>>
      %dma_start3A_215 = arith.constant 49152 : i32
      %dma_start3A_216 = tpu.memref_slice %arg14[%dma_start3A_215] : memref<65536xf32, #tpu.memory_space<vmem_shared>> -> memref<8192xf32, #tpu.memory_space<vmem_shared>>
      tpu.enqueue_dma source(%dma_start3A_216 : memref<8192xf32, #tpu.memory_space<vmem_shared>>) target(%arg9 : memref<8192xf32, #tpu.memory_space<vmem>>) target_semaphore(%arg15 : memref<!tpu.dma_semaphore, #tpu.memory_space<semaphore_mem>>)
      %dma_wait3A_217 = arith.constant 40960 : i32
      %dma_wait3A_218 = tpu.memref_slice %arg13[%dma_wait3A_217] : memref<65536xf32, #tpu.memory_space<vmem_shared>> -> memref<8192xf32, #tpu.memory_space<vmem_shared>>
      %dma_wait3A_219 = arith.constant 40960 : i32
      %dma_wait3A_220 = tpu.memref_slice %arg13[%dma_wait3A_219] : memref<65536xf32, #tpu.memory_space<vmem_shared>> -> memref<8192xf32, #tpu.memory_space<vmem_shared>>
      tpu.wait_dma2 semaphore(%arg16 : memref<!tpu.dma_semaphore, #tpu.memory_space<semaphore_mem>>) src(%dma_wait3A_220 : memref<8192xf32, #tpu.memory_space<vmem_shared>>) dst(%arg8 : memref<8192xf32, #tpu.memory_space<vmem>>)
      %dma_wait3A_221 = arith.constant 40960 : i32
      %dma_wait3A_222 = tpu.memref_slice %arg14[%dma_wait3A_221] : memref<65536xf32, #tpu.memory_space<vmem_shared>> -> memref<8192xf32, #tpu.memory_space<vmem_shared>>
      %dma_wait3A_223 = arith.constant 40960 : i32
      %dma_wait3A_224 = tpu.memref_slice %arg14[%dma_wait3A_223] : memref<65536xf32, #tpu.memory_space<vmem_shared>> -> memref<8192xf32, #tpu.memory_space<vmem_shared>>
      tpu.wait_dma2 semaphore(%arg16 : memref<!tpu.dma_semaphore, #tpu.memory_space<semaphore_mem>>) src(%dma_wait3A_224 : memref<8192xf32, #tpu.memory_space<vmem_shared>>) dst(%arg10 : memref<8192xf32, #tpu.memory_space<vmem>>)
      %dma_wait3A_225 = arith.constant 40960 : i32
      %dma_wait3A_226 = tpu.memref_slice %arg5[%add3A_53, %dma_wait3A_225] : memref<128x65536xf32, #tpu.memory_space<hbm>> -> memref<1x8192xf32, #tpu.memory_space<hbm>>
      %dma_wait3A_227 = tpu.memref_squeeze %dma_wait3A_226 : memref<1x8192xf32, #tpu.memory_space<hbm>> -> memref<8192xf32, #tpu.memory_space<hbm>>
      %dma_wait3A_228 = arith.constant 40960 : i32
      %dma_wait3A_229 = tpu.memref_slice %arg5[%add3A_53, %dma_wait3A_228] : memref<128x65536xf32, #tpu.memory_space<hbm>> -> memref<1x8192xf32, #tpu.memory_space<hbm>>
      %dma_wait3A_230 = tpu.memref_squeeze %dma_wait3A_229 : memref<1x8192xf32, #tpu.memory_space<hbm>> -> memref<8192xf32, #tpu.memory_space<hbm>>
      tpu.wait_dma2 semaphore(%arg18 : memref<!tpu.dma_semaphore, #tpu.memory_space<semaphore_mem>>) src(%arg12 : memref<8192xf32, #tpu.memory_space<vmem>>) dst(%dma_wait3A_230 : memref<8192xf32, #tpu.memory_space<hbm>>)
      %parallel_loop3A_231 = arith.constant 0 : i32
      %parallel_loop3A_232 = arith.constant 8192 : i32
      %parallel_loop3A_233 = arith.constant 16 : i32
      scf.for %parallel_loop3A_308 = %parallel_loop3A_231 to %parallel_loop3A_232 step %parallel_loop3A_233  : i32 {
        %parallel_loop3A_309 = arith.index_cast %parallel_loop3A_308 : i32 to index
        %parallel_loop3A_310 = tpu.vector_load %arg8[%parallel_loop3A_309] {strides = array<i32>} : memref<8192xf32, #tpu.memory_space<vmem>>, vector<16xf32>,
        %parallel_loop3A_311 = arith.fptosi %parallel_loop3A_310 : vector<16xf32> to vector<16xi32>
        %parallel_loop3A_312 = arith.sitofp %parallel_loop3A_311 : vector<16xi32> to vector<16xf32>
        %parallel_loop3A_313 = arith.subf %parallel_loop3A_310, %parallel_loop3A_312 : vector<16xf32>
        %parallel_loop3A_314 = tpu.vector_load_idx %arg6[%parallel_loop3A_311] : memref<65536xf32, #tpu.memory_space<vmem>>[vector<16xi32>], vector<16xf32>,
        %parallel_loop3A_315 = arith.constant 1 : i32
        %parallel_loop3A_316 = vector.broadcast %parallel_loop3A_315 : i32 to vector<16xi32>
        %parallel_loop3A_317 = arith.addi %parallel_loop3A_311, %parallel_loop3A_316 : vector<16xi32>
        %parallel_loop3A_318 = tpu.vector_load_idx %arg6[%parallel_loop3A_317] : memref<65536xf32, #tpu.memory_space<vmem>>[vector<16xi32>], vector<16xf32>,
        %parallel_loop3A_319 = arith.subf %parallel_loop3A_318, %parallel_loop3A_314 : vector<16xf32>
        %parallel_loop3A_320 = arith.mulf %parallel_loop3A_319, %parallel_loop3A_313 : vector<16xf32>
        %parallel_loop3A_321 = arith.addf %parallel_loop3A_314, %parallel_loop3A_320 : vector<16xf32>
        %parallel_loop3A_322 = arith.index_cast %parallel_loop3A_308 : i32 to index
        %parallel_loop3A_323 = tpu.vector_load %arg10[%parallel_loop3A_322] {strides = array<i32>} : memref<8192xf32, #tpu.memory_space<vmem>>, vector<16xf32>,
        %parallel_loop3A_324 = arith.fptosi %parallel_loop3A_323 : vector<16xf32> to vector<16xi32>
        %parallel_loop3A_325 = arith.sitofp %parallel_loop3A_324 : vector<16xi32> to vector<16xf32>
        %parallel_loop3A_326 = arith.subf %parallel_loop3A_323, %parallel_loop3A_325 : vector<16xf32>
        %parallel_loop3A_327 = tpu.vector_load_idx %arg6[%parallel_loop3A_324] : memref<65536xf32, #tpu.memory_space<vmem>>[vector<16xi32>], vector<16xf32>,
        %parallel_loop3A_328 = arith.constant 1 : i32
        %parallel_loop3A_329 = vector.broadcast %parallel_loop3A_328 : i32 to vector<16xi32>
        %parallel_loop3A_330 = arith.addi %parallel_loop3A_324, %parallel_loop3A_329 : vector<16xi32>
        %parallel_loop3A_331 = tpu.vector_load_idx %arg6[%parallel_loop3A_330] : memref<65536xf32, #tpu.memory_space<vmem>>[vector<16xi32>], vector<16xf32>,
        %parallel_loop3A_332 = arith.subf %parallel_loop3A_331, %parallel_loop3A_327 : vector<16xf32>
        %parallel_loop3A_333 = arith.mulf %parallel_loop3A_332, %parallel_loop3A_326 : vector<16xf32>
        %parallel_loop3A_334 = arith.addf %parallel_loop3A_327, %parallel_loop3A_333 : vector<16xf32>
        %parallel_loop3A_335 = arith.constant 1.000000e+00 : f32
        %parallel_loop3A_336 = vector.broadcast %parallel_loop3A_335 : f32 to vector<16xf32>
        %parallel_loop3A_337 = arith.subf %parallel_loop3A_336, %parallel_loop3A_321 : vector<16xf32>
        %parallel_loop3A_338 = arith.constant 1.000000e+00 : f32
        %parallel_loop3A_339 = vector.broadcast %parallel_loop3A_338 : f32 to vector<16xf32>
        %parallel_loop3A_340 = arith.subf %parallel_loop3A_339, %parallel_loop3A_334 : vector<16xf32>
        %parallel_loop3A_341 = arith.mulf %parallel_loop3A_337, %parallel_loop3A_340 : vector<16xf32>
        %parallel_loop3A_342 = arith.index_cast %parallel_loop3A_308 : i32 to index
        %parallel_loop3A_343 = tpu.vector_load %arg12[%parallel_loop3A_342] {strides = array<i32>} : memref<8192xf32, #tpu.memory_space<vmem>>, vector<16xf32>,
        tpu.vector_store %arg12[%parallel_loop3A_342], %parallel_loop3A_341 {strides = array<i32>} : memref<8192xf32, #tpu.memory_space<vmem>>, vector<16xf32>,
      } {sc.loop_unroll_factor = 4 : i64, sc.parallel_access}
      %dma_start3A_234 = arith.constant 40960 : i32
      %dma_start3A_235 = tpu.memref_slice %arg5[%add3A_53, %dma_start3A_234] : memref<128x65536xf32, #tpu.memory_space<hbm>> -> memref<1x8192xf32, #tpu.memory_space<hbm>>
      %dma_start3A_236 = tpu.memref_squeeze %dma_start3A_235 : memref<1x8192xf32, #tpu.memory_space<hbm>> -> memref<8192xf32, #tpu.memory_space<hbm>>
      %dma_start3A_237 = arith.constant 40960 : i32
      %dma_start3A_238 = tpu.memref_slice %arg5[%add3A_53, %dma_start3A_237] : memref<128x65536xf32, #tpu.memory_space<hbm>> -> memref<1x8192xf32, #tpu.memory_space<hbm>>
      %dma_start3A_239 = tpu.memref_squeeze %dma_start3A_238 : memref<1x8192xf32, #tpu.memory_space<hbm>> -> memref<8192xf32, #tpu.memory_space<hbm>>
      tpu.enqueue_dma source(%arg12 : memref<8192xf32, #tpu.memory_space<vmem>>) target(%dma_start3A_239 : memref<8192xf32, #tpu.memory_space<hbm>>) target_semaphore(%arg18 : memref<!tpu.dma_semaphore, #tpu.memory_space<semaphore_mem>>)
      %dma_start3A_240 = arith.constant 57344 : i32
      %dma_start3A_241 = tpu.memref_slice %arg13[%dma_start3A_240] : memref<65536xf32, #tpu.memory_space<vmem_shared>> -> memref<8192xf32, #tpu.memory_space<vmem_shared>>
      %dma_start3A_242 = arith.constant 57344 : i32
      %dma_start3A_243 = tpu.memref_slice %arg13[%dma_start3A_242] : memref<65536xf32, #tpu.memory_space<vmem_shared>> -> memref<8192xf32, #tpu.memory_space<vmem_shared>>
      tpu.enqueue_dma source(%dma_start3A_243 : memref<8192xf32, #tpu.memory_space<vmem_shared>>) target(%arg8 : memref<8192xf32, #tpu.memory_space<vmem>>) target_semaphore(%arg16 : memref<!tpu.dma_semaphore, #tpu.memory_space<semaphore_mem>>)
      %dma_start3A_244 = arith.constant 57344 : i32
      %dma_start3A_245 = tpu.memref_slice %arg14[%dma_start3A_244] : memref<65536xf32, #tpu.memory_space<vmem_shared>> -> memref<8192xf32, #tpu.memory_space<vmem_shared>>
      %dma_start3A_246 = arith.constant 57344 : i32
      %dma_start3A_247 = tpu.memref_slice %arg14[%dma_start3A_246] : memref<65536xf32, #tpu.memory_space<vmem_shared>> -> memref<8192xf32, #tpu.memory_space<vmem_shared>>
      tpu.enqueue_dma source(%dma_start3A_247 : memref<8192xf32, #tpu.memory_space<vmem_shared>>) target(%arg10 : memref<8192xf32, #tpu.memory_space<vmem>>) target_semaphore(%arg16 : memref<!tpu.dma_semaphore, #tpu.memory_space<semaphore_mem>>)
      %dma_wait3A_248 = arith.constant 49152 : i32
      %dma_wait3A_249 = tpu.memref_slice %arg13[%dma_wait3A_248] : memref<65536xf32, #tpu.memory_space<vmem_shared>> -> memref<8192xf32, #tpu.memory_space<vmem_shared>>
      %dma_wait3A_250 = arith.constant 49152 : i32
      %dma_wait3A_251 = tpu.memref_slice %arg13[%dma_wait3A_250] : memref<65536xf32, #tpu.memory_space<vmem_shared>> -> memref<8192xf32, #tpu.memory_space<vmem_shared>>
      tpu.wait_dma2 semaphore(%arg15 : memref<!tpu.dma_semaphore, #tpu.memory_space<semaphore_mem>>) src(%dma_wait3A_251 : memref<8192xf32, #tpu.memory_space<vmem_shared>>) dst(%arg7 : memref<8192xf32, #tpu.memory_space<vmem>>)
      %dma_wait3A_252 = arith.constant 49152 : i32
      %dma_wait3A_253 = tpu.memref_slice %arg14[%dma_wait3A_252] : memref<65536xf32, #tpu.memory_space<vmem_shared>> -> memref<8192xf32, #tpu.memory_space<vmem_shared>>
      %dma_wait3A_254 = arith.constant 49152 : i32
      %dma_wait3A_255 = tpu.memref_slice %arg14[%dma_wait3A_254] : memref<65536xf32, #tpu.memory_space<vmem_shared>> -> memref<8192xf32, #tpu.memory_space<vmem_shared>>
      tpu.wait_dma2 semaphore(%arg15 : memref<!tpu.dma_semaphore, #tpu.memory_space<semaphore_mem>>) src(%dma_wait3A_255 : memref<8192xf32, #tpu.memory_space<vmem_shared>>) dst(%arg9 : memref<8192xf32, #tpu.memory_space<vmem>>)
      %dma_wait3A_256 = arith.constant 49152 : i32
      %dma_wait3A_257 = tpu.memref_slice %arg5[%add3A_53, %dma_wait3A_256] : memref<128x65536xf32, #tpu.memory_space<hbm>> -> memref<1x8192xf32, #tpu.memory_space<hbm>>
      %dma_wait3A_258 = tpu.memref_squeeze %dma_wait3A_257 : memref<1x8192xf32, #tpu.memory_space<hbm>> -> memref<8192xf32, #tpu.memory_space<hbm>>
      %dma_wait3A_259 = arith.constant 49152 : i32
      %dma_wait3A_260 = tpu.memref_slice %arg5[%add3A_53, %dma_wait3A_259] : memref<128x65536xf32, #tpu.memory_space<hbm>> -> memref<1x8192xf32, #tpu.memory_space<hbm>>
      %dma_wait3A_261 = tpu.memref_squeeze %dma_wait3A_260 : memref<1x8192xf32, #tpu.memory_space<hbm>> -> memref<8192xf32, #tpu.memory_space<hbm>>
      tpu.wait_dma2 semaphore(%arg17 : memref<!tpu.dma_semaphore, #tpu.memory_space<semaphore_mem>>) src(%arg11 : memref<8192xf32, #tpu.memory_space<vmem>>) dst(%dma_wait3A_261 : memref<8192xf32, #tpu.memory_space<hbm>>)
      %parallel_loop3A_262 = arith.constant 0 : i32
      %parallel_loop3A_263 = arith.constant 8192 : i32
      %parallel_loop3A_264 = arith.constant 16 : i32
      scf.for %parallel_loop3A_308 = %parallel_loop3A_262 to %parallel_loop3A_263 step %parallel_loop3A_264  : i32 {
        %parallel_loop3A_309 = arith.index_cast %parallel_loop3A_308 : i32 to index
        %parallel_loop3A_310 = tpu.vector_load %arg7[%parallel_loop3A_309] {strides = array<i32>} : memref<8192xf32, #tpu.memory_space<vmem>>, vector<16xf32>,
        %parallel_loop3A_311 = arith.fptosi %parallel_loop3A_310 : vector<16xf32> to vector<16xi32>
        %parallel_loop3A_312 = arith.sitofp %parallel_loop3A_311 : vector<16xi32> to vector<16xf32>
        %parallel_loop3A_313 = arith.subf %parallel_loop3A_310, %parallel_loop3A_312 : vector<16xf32>
        %parallel_loop3A_314 = tpu.vector_load_idx %arg6[%parallel_loop3A_311] : memref<65536xf32, #tpu.memory_space<vmem>>[vector<16xi32>], vector<16xf32>,
        %parallel_loop3A_315 = arith.constant 1 : i32
        %parallel_loop3A_316 = vector.broadcast %parallel_loop3A_315 : i32 to vector<16xi32>
        %parallel_loop3A_317 = arith.addi %parallel_loop3A_311, %parallel_loop3A_316 : vector<16xi32>
        %parallel_loop3A_318 = tpu.vector_load_idx %arg6[%parallel_loop3A_317] : memref<65536xf32, #tpu.memory_space<vmem>>[vector<16xi32>], vector<16xf32>,
        %parallel_loop3A_319 = arith.subf %parallel_loop3A_318, %parallel_loop3A_314 : vector<16xf32>
        %parallel_loop3A_320 = arith.mulf %parallel_loop3A_319, %parallel_loop3A_313 : vector<16xf32>
        %parallel_loop3A_321 = arith.addf %parallel_loop3A_314, %parallel_loop3A_320 : vector<16xf32>
        %parallel_loop3A_322 = arith.index_cast %parallel_loop3A_308 : i32 to index
        %parallel_loop3A_323 = tpu.vector_load %arg9[%parallel_loop3A_322] {strides = array<i32>} : memref<8192xf32, #tpu.memory_space<vmem>>, vector<16xf32>,
        %parallel_loop3A_324 = arith.fptosi %parallel_loop3A_323 : vector<16xf32> to vector<16xi32>
        %parallel_loop3A_325 = arith.sitofp %parallel_loop3A_324 : vector<16xi32> to vector<16xf32>
        %parallel_loop3A_326 = arith.subf %parallel_loop3A_323, %parallel_loop3A_325 : vector<16xf32>
        %parallel_loop3A_327 = tpu.vector_load_idx %arg6[%parallel_loop3A_324] : memref<65536xf32, #tpu.memory_space<vmem>>[vector<16xi32>], vector<16xf32>,
        %parallel_loop3A_328 = arith.constant 1 : i32
        %parallel_loop3A_329 = vector.broadcast %parallel_loop3A_328 : i32 to vector<16xi32>
        %parallel_loop3A_330 = arith.addi %parallel_loop3A_324, %parallel_loop3A_329 : vector<16xi32>
        %parallel_loop3A_331 = tpu.vector_load_idx %arg6[%parallel_loop3A_330] : memref<65536xf32, #tpu.memory_space<vmem>>[vector<16xi32>], vector<16xf32>,
        %parallel_loop3A_332 = arith.subf %parallel_loop3A_331, %parallel_loop3A_327 : vector<16xf32>
        %parallel_loop3A_333 = arith.mulf %parallel_loop3A_332, %parallel_loop3A_326 : vector<16xf32>
        %parallel_loop3A_334 = arith.addf %parallel_loop3A_327, %parallel_loop3A_333 : vector<16xf32>
        %parallel_loop3A_335 = arith.constant 1.000000e+00 : f32
        %parallel_loop3A_336 = vector.broadcast %parallel_loop3A_335 : f32 to vector<16xf32>
        %parallel_loop3A_337 = arith.subf %parallel_loop3A_336, %parallel_loop3A_321 : vector<16xf32>
        %parallel_loop3A_338 = arith.constant 1.000000e+00 : f32
        %parallel_loop3A_339 = vector.broadcast %parallel_loop3A_338 : f32 to vector<16xf32>
        %parallel_loop3A_340 = arith.subf %parallel_loop3A_339, %parallel_loop3A_334 : vector<16xf32>
        %parallel_loop3A_341 = arith.mulf %parallel_loop3A_337, %parallel_loop3A_340 : vector<16xf32>
        %parallel_loop3A_342 = arith.index_cast %parallel_loop3A_308 : i32 to index
        %parallel_loop3A_343 = tpu.vector_load %arg11[%parallel_loop3A_342] {strides = array<i32>} : memref<8192xf32, #tpu.memory_space<vmem>>, vector<16xf32>,
        tpu.vector_store %arg11[%parallel_loop3A_342], %parallel_loop3A_341 {strides = array<i32>} : memref<8192xf32, #tpu.memory_space<vmem>>, vector<16xf32>,
      } {sc.loop_unroll_factor = 4 : i64, sc.parallel_access}
      %dma_start3A_265 = arith.constant 49152 : i32
      %dma_start3A_266 = tpu.memref_slice %arg5[%add3A_53, %dma_start3A_265] : memref<128x65536xf32, #tpu.memory_space<hbm>> -> memref<1x8192xf32, #tpu.memory_space<hbm>>
      %dma_start3A_267 = tpu.memref_squeeze %dma_start3A_266 : memref<1x8192xf32, #tpu.memory_space<hbm>> -> memref<8192xf32, #tpu.memory_space<hbm>>
      %dma_start3A_268 = arith.constant 49152 : i32
      %dma_start3A_269 = tpu.memref_slice %arg5[%add3A_53, %dma_start3A_268] : memref<128x65536xf32, #tpu.memory_space<hbm>> -> memref<1x8192xf32, #tpu.memory_space<hbm>>
      %dma_start3A_270 = tpu.memref_squeeze %dma_start3A_269 : memref<1x8192xf32, #tpu.memory_space<hbm>> -> memref<8192xf32, #tpu.memory_space<hbm>>
      tpu.enqueue_dma source(%arg11 : memref<8192xf32, #tpu.memory_space<vmem>>) target(%dma_start3A_270 : memref<8192xf32, #tpu.memory_space<hbm>>) target_semaphore(%arg17 : memref<!tpu.dma_semaphore, #tpu.memory_space<semaphore_mem>>)
      %dma_start3A_271 = arith.constant 0 : i32
      %dma_start3A_272 = tpu.memref_slice %arg13[%dma_start3A_271] : memref<65536xf32, #tpu.memory_space<vmem_shared>> -> memref<8192xf32, #tpu.memory_space<vmem_shared>>
      %dma_start3A_273 = arith.constant 0 : i32
      %dma_start3A_274 = tpu.memref_slice %arg13[%dma_start3A_273] : memref<65536xf32, #tpu.memory_space<vmem_shared>> -> memref<8192xf32, #tpu.memory_space<vmem_shared>>
      tpu.enqueue_dma source(%dma_start3A_274 : memref<8192xf32, #tpu.memory_space<vmem_shared>>) target(%arg7 : memref<8192xf32, #tpu.memory_space<vmem>>) target_semaphore(%arg15 : memref<!tpu.dma_semaphore, #tpu.memory_space<semaphore_mem>>)
      %dma_start3A_275 = arith.constant 0 : i32
      %dma_start3A_276 = tpu.memref_slice %arg14[%dma_start3A_275] : memref<65536xf32, #tpu.memory_space<vmem_shared>> -> memref<8192xf32, #tpu.memory_space<vmem_shared>>
      %dma_start3A_277 = arith.constant 0 : i32
      %dma_start3A_278 = tpu.memref_slice %arg14[%dma_start3A_277] : memref<65536xf32, #tpu.memory_space<vmem_shared>> -> memref<8192xf32, #tpu.memory_space<vmem_shared>>
      tpu.enqueue_dma source(%dma_start3A_278 : memref<8192xf32, #tpu.memory_space<vmem_shared>>) target(%arg9 : memref<8192xf32, #tpu.memory_space<vmem>>) target_semaphore(%arg15 : memref<!tpu.dma_semaphore, #tpu.memory_space<semaphore_mem>>)
      %dma_wait3A_279 = arith.constant 57344 : i32
      %dma_wait3A_280 = tpu.memref_slice %arg13[%dma_wait3A_279] : memref<65536xf32, #tpu.memory_space<vmem_shared>> -> memref<8192xf32, #tpu.memory_space<vmem_shared>>
      %dma_wait3A_281 = arith.constant 57344 : i32
      %dma_wait3A_282 = tpu.memref_slice %arg13[%dma_wait3A_281] : memref<65536xf32, #tpu.memory_space<vmem_shared>> -> memref<8192xf32, #tpu.memory_space<vmem_shared>>
      tpu.wait_dma2 semaphore(%arg16 : memref<!tpu.dma_semaphore, #tpu.memory_space<semaphore_mem>>) src(%dma_wait3A_282 : memref<8192xf32, #tpu.memory_space<vmem_shared>>) dst(%arg8 : memref<8192xf32, #tpu.memory_space<vmem>>)
      %dma_wait3A_283 = arith.constant 57344 : i32
      %dma_wait3A_284 = tpu.memref_slice %arg14[%dma_wait3A_283] : memref<65536xf32, #tpu.memory_space<vmem_shared>> -> memref<8192xf32, #tpu.memory_space<vmem_shared>>
      %dma_wait3A_285 = arith.constant 57344 : i32
      %dma_wait3A_286 = tpu.memref_slice %arg14[%dma_wait3A_285] : memref<65536xf32, #tpu.memory_space<vmem_shared>> -> memref<8192xf32, #tpu.memory_space<vmem_shared>>
      tpu.wait_dma2 semaphore(%arg16 : memref<!tpu.dma_semaphore, #tpu.memory_space<semaphore_mem>>) src(%dma_wait3A_286 : memref<8192xf32, #tpu.memory_space<vmem_shared>>) dst(%arg10 : memref<8192xf32, #tpu.memory_space<vmem>>)
      %dma_wait3A_287 = arith.constant 57344 : i32
      %dma_wait3A_288 = tpu.memref_slice %arg5[%add3A_53, %dma_wait3A_287] : memref<128x65536xf32, #tpu.memory_space<hbm>> -> memref<1x8192xf32, #tpu.memory_space<hbm>>
      %dma_wait3A_289 = tpu.memref_squeeze %dma_wait3A_288 : memref<1x8192xf32, #tpu.memory_space<hbm>> -> memref<8192xf32, #tpu.memory_space<hbm>>
      %dma_wait3A_290 = arith.constant 57344 : i32
      %dma_wait3A_291 = tpu.memref_slice %arg5[%add3A_53, %dma_wait3A_290] : memref<128x65536xf32, #tpu.memory_space<hbm>> -> memref<1x8192xf32, #tpu.memory_space<hbm>>
      %dma_wait3A_292 = tpu.memref_squeeze %dma_wait3A_291 : memref<1x8192xf32, #tpu.memory_space<hbm>> -> memref<8192xf32, #tpu.memory_space<hbm>>
      tpu.wait_dma2 semaphore(%arg18 : memref<!tpu.dma_semaphore, #tpu.memory_space<semaphore_mem>>) src(%arg12 : memref<8192xf32, #tpu.memory_space<vmem>>) dst(%dma_wait3A_292 : memref<8192xf32, #tpu.memory_space<hbm>>)
      %parallel_loop3A_293 = arith.constant 0 : i32
      %parallel_loop3A_294 = arith.constant 8192 : i32
      %parallel_loop3A_295 = arith.constant 16 : i32
      scf.for %parallel_loop3A_308 = %parallel_loop3A_293 to %parallel_loop3A_294 step %parallel_loop3A_295  : i32 {
        %parallel_loop3A_309 = arith.index_cast %parallel_loop3A_308 : i32 to index
        %parallel_loop3A_310 = tpu.vector_load %arg8[%parallel_loop3A_309] {strides = array<i32>} : memref<8192xf32, #tpu.memory_space<vmem>>, vector<16xf32>,
        %parallel_loop3A_311 = arith.fptosi %parallel_loop3A_310 : vector<16xf32> to vector<16xi32>
        %parallel_loop3A_312 = arith.sitofp %parallel_loop3A_311 : vector<16xi32> to vector<16xf32>
        %parallel_loop3A_313 = arith.subf %parallel_loop3A_310, %parallel_loop3A_312 : vector<16xf32>
        %parallel_loop3A_314 = tpu.vector_load_idx %arg6[%parallel_loop3A_311] : memref<65536xf32, #tpu.memory_space<vmem>>[vector<16xi32>], vector<16xf32>,
        %parallel_loop3A_315 = arith.constant 1 : i32
        %parallel_loop3A_316 = vector.broadcast %parallel_loop3A_315 : i32 to vector<16xi32>
        %parallel_loop3A_317 = arith.addi %parallel_loop3A_311, %parallel_loop3A_316 : vector<16xi32>
        %parallel_loop3A_318 = tpu.vector_load_idx %arg6[%parallel_loop3A_317] : memref<65536xf32, #tpu.memory_space<vmem>>[vector<16xi32>], vector<16xf32>,
        %parallel_loop3A_319 = arith.subf %parallel_loop3A_318, %parallel_loop3A_314 : vector<16xf32>
        %parallel_loop3A_320 = arith.mulf %parallel_loop3A_319, %parallel_loop3A_313 : vector<16xf32>
        %parallel_loop3A_321 = arith.addf %parallel_loop3A_314, %parallel_loop3A_320 : vector<16xf32>
        %parallel_loop3A_322 = arith.index_cast %parallel_loop3A_308 : i32 to index
        %parallel_loop3A_323 = tpu.vector_load %arg10[%parallel_loop3A_322] {strides = array<i32>} : memref<8192xf32, #tpu.memory_space<vmem>>, vector<16xf32>,
        %parallel_loop3A_324 = arith.fptosi %parallel_loop3A_323 : vector<16xf32> to vector<16xi32>
        %parallel_loop3A_325 = arith.sitofp %parallel_loop3A_324 : vector<16xi32> to vector<16xf32>
        %parallel_loop3A_326 = arith.subf %parallel_loop3A_323, %parallel_loop3A_325 : vector<16xf32>
        %parallel_loop3A_327 = tpu.vector_load_idx %arg6[%parallel_loop3A_324] : memref<65536xf32, #tpu.memory_space<vmem>>[vector<16xi32>], vector<16xf32>,
        %parallel_loop3A_328 = arith.constant 1 : i32
        %parallel_loop3A_329 = vector.broadcast %parallel_loop3A_328 : i32 to vector<16xi32>
        %parallel_loop3A_330 = arith.addi %parallel_loop3A_324, %parallel_loop3A_329 : vector<16xi32>
        %parallel_loop3A_331 = tpu.vector_load_idx %arg6[%parallel_loop3A_330] : memref<65536xf32, #tpu.memory_space<vmem>>[vector<16xi32>], vector<16xf32>,
        %parallel_loop3A_332 = arith.subf %parallel_loop3A_331, %parallel_loop3A_327 : vector<16xf32>
        %parallel_loop3A_333 = arith.mulf %parallel_loop3A_332, %parallel_loop3A_326 : vector<16xf32>
        %parallel_loop3A_334 = arith.addf %parallel_loop3A_327, %parallel_loop3A_333 : vector<16xf32>
        %parallel_loop3A_335 = arith.constant 1.000000e+00 : f32
        %parallel_loop3A_336 = vector.broadcast %parallel_loop3A_335 : f32 to vector<16xf32>
        %parallel_loop3A_337 = arith.subf %parallel_loop3A_336, %parallel_loop3A_321 : vector<16xf32>
        %parallel_loop3A_338 = arith.constant 1.000000e+00 : f32
        %parallel_loop3A_339 = vector.broadcast %parallel_loop3A_338 : f32 to vector<16xf32>
        %parallel_loop3A_340 = arith.subf %parallel_loop3A_339, %parallel_loop3A_334 : vector<16xf32>
        %parallel_loop3A_341 = arith.mulf %parallel_loop3A_337, %parallel_loop3A_340 : vector<16xf32>
        %parallel_loop3A_342 = arith.index_cast %parallel_loop3A_308 : i32 to index
        %parallel_loop3A_343 = tpu.vector_load %arg12[%parallel_loop3A_342] {strides = array<i32>} : memref<8192xf32, #tpu.memory_space<vmem>>, vector<16xf32>,
        tpu.vector_store %arg12[%parallel_loop3A_342], %parallel_loop3A_341 {strides = array<i32>} : memref<8192xf32, #tpu.memory_space<vmem>>, vector<16xf32>,
      } {sc.loop_unroll_factor = 4 : i64, sc.parallel_access}
      %add3A_296 = arith.constant 1 : i32
      %add3A_297 = arith.addi %scan3A_52, %add3A_296 : i32
      %lt3A = arith.constant 4 : i32
      %lt3A_298 = arith.cmpi slt, %add3A_297, %lt3A : i32
      %convert_element_type3A_299 = arith.extui %lt3A_298 : i1 to i32
      %cond3A_300 = arith.constant 0 : i32
      %cond3A_301 = arith.cmpi ne, %convert_element_type3A_299, %cond3A_300 : i32
      scf.if %cond3A_301 {
        %add3A_308 = arith.constant 1 : i32
        %add3A_309 = arith.addi %add3A_53, %add3A_308 : i32
        %dma_start3A_310 = arith.constant 0 : i32
        %dma_start3A_311 = tpu.memref_slice %arg2[%add3A_309, %dma_start3A_310] : memref<128x65536xf32, #tpu.memory_space<hbm>> -> memref<1x65536xf32, #tpu.memory_space<hbm>>
        %dma_start3A_312 = tpu.memref_squeeze %dma_start3A_311 : memref<1x65536xf32, #tpu.memory_space<hbm>> -> memref<65536xf32, #tpu.memory_space<hbm>>
        %dma_start3A_313 = arith.constant 0 : i32
        %dma_start3A_314 = tpu.memref_slice %arg2[%add3A_309, %dma_start3A_313] : memref<128x65536xf32, #tpu.memory_space<hbm>> -> memref<1x65536xf32, #tpu.memory_space<hbm>>
        %dma_start3A_315 = tpu.memref_squeeze %dma_start3A_314 : memref<1x65536xf32, #tpu.memory_space<hbm>> -> memref<65536xf32, #tpu.memory_space<hbm>>
        tpu.enqueue_dma source(%dma_start3A_315 : memref<65536xf32, #tpu.memory_space<hbm>>) target(%arg6 : memref<65536xf32, #tpu.memory_space<vmem>>) target_semaphore(%arg19 : memref<!tpu.dma_semaphore, #tpu.memory_space<semaphore_mem>>)
      } else {
      }
      %dma_start3A_302 = arith.constant 57344 : i32
      %dma_start3A_303 = tpu.memref_slice %arg5[%add3A_53, %dma_start3A_302] : memref<128x65536xf32, #tpu.memory_space<hbm>> -> memref<1x8192xf32, #tpu.memory_space<hbm>>
      %dma_start3A_304 = tpu.memref_squeeze %dma_start3A_303 : memref<1x8192xf32, #tpu.memory_space<hbm>> -> memref<8192xf32, #tpu.memory_space<hbm>>
      %dma_start3A_305 = arith.constant 57344 : i32
      %dma_start3A_306 = tpu.memref_slice %arg5[%add3A_53, %dma_start3A_305] : memref<128x65536xf32, #tpu.memory_space<hbm>> -> memref<1x8192xf32, #tpu.memory_space<hbm>>
      %dma_start3A_307 = tpu.memref_squeeze %dma_start3A_306 : memref<1x8192xf32, #tpu.memory_space<hbm>> -> memref<8192xf32, #tpu.memory_space<hbm>>
      tpu.enqueue_dma source(%arg12 : memref<8192xf32, #tpu.memory_space<vmem>>) target(%dma_start3A_307 : memref<8192xf32, #tpu.memory_space<hbm>>) target_semaphore(%arg18 : memref<!tpu.dma_semaphore, #tpu.memory_space<semaphore_mem>>)
    }
    %scan3A_28 = arith.constant 4 : i32
    %add3A_29 = arith.constant 4 : i32
    %add3A_30 = arith.addi %mul3A_2, %add3A_29 : i32
    %sub3A = arith.constant 1 : i32
    %sub3A_31 = arith.subi %add3A_30, %sub3A : i32
    %dma_wait3A_32 = arith.constant 49152 : i32
    %dma_wait3A_33 = tpu.memref_slice %arg5[%sub3A_31, %dma_wait3A_32] : memref<128x65536xf32, #tpu.memory_space<hbm>> -> memref<1x8192xf32, #tpu.memory_space<hbm>>
    %dma_wait3A_34 = tpu.memref_squeeze %dma_wait3A_33 : memref<1x8192xf32, #tpu.memory_space<hbm>> -> memref<8192xf32, #tpu.memory_space<hbm>>
    %dma_wait3A_35 = arith.constant 49152 : i32
    %dma_wait3A_36 = tpu.memref_slice %arg5[%sub3A_31, %dma_wait3A_35] : memref<128x65536xf32, #tpu.memory_space<hbm>> -> memref<1x8192xf32, #tpu.memory_space<hbm>>
    %dma_wait3A_37 = tpu.memref_squeeze %dma_wait3A_36 : memref<1x8192xf32, #tpu.memory_space<hbm>> -> memref<8192xf32, #tpu.memory_space<hbm>>
    tpu.wait_dma2 semaphore(%arg17 : memref<!tpu.dma_semaphore, #tpu.memory_space<semaphore_mem>>) src(%arg11 : memref<8192xf32, #tpu.memory_space<vmem>>) dst(%dma_wait3A_37 : memref<8192xf32, #tpu.memory_space<hbm>>)
    %dma_wait3A_38 = arith.constant 57344 : i32
    %dma_wait3A_39 = tpu.memref_slice %arg5[%sub3A_31, %dma_wait3A_38] : memref<128x65536xf32, #tpu.memory_space<hbm>> -> memref<1x8192xf32, #tpu.memory_space<hbm>>
    %dma_wait3A_40 = tpu.memref_squeeze %dma_wait3A_39 : memref<1x8192xf32, #tpu.memory_space<hbm>> -> memref<8192xf32, #tpu.memory_space<hbm>>
    %dma_wait3A_41 = arith.constant 57344 : i32
    %dma_wait3A_42 = tpu.memref_slice %arg5[%sub3A_31, %dma_wait3A_41] : memref<128x65536xf32, #tpu.memory_space<hbm>> -> memref<1x8192xf32, #tpu.memory_space<hbm>>
    %dma_wait3A_43 = tpu.memref_squeeze %dma_wait3A_42 : memref<1x8192xf32, #tpu.memory_space<hbm>> -> memref<8192xf32, #tpu.memory_space<hbm>>
    tpu.wait_dma2 semaphore(%arg18 : memref<!tpu.dma_semaphore, #tpu.memory_space<semaphore_mem>>) src(%arg12 : memref<8192xf32, #tpu.memory_space<vmem>>) dst(%dma_wait3A_43 : memref<8192xf32, #tpu.memory_space<hbm>>)
    %dma_wait3A_44 = arith.constant 0 : i32
    %dma_wait3A_45 = tpu.memref_slice %arg13[%dma_wait3A_44] : memref<65536xf32, #tpu.memory_space<vmem_shared>> -> memref<8192xf32, #tpu.memory_space<vmem_shared>>
    %dma_wait3A_46 = arith.constant 0 : i32
    %dma_wait3A_47 = tpu.memref_slice %arg13[%dma_wait3A_46] : memref<65536xf32, #tpu.memory_space<vmem_shared>> -> memref<8192xf32, #tpu.memory_space<vmem_shared>>
    tpu.wait_dma2 semaphore(%arg15 : memref<!tpu.dma_semaphore, #tpu.memory_space<semaphore_mem>>) src(%dma_wait3A_47 : memref<8192xf32, #tpu.memory_space<vmem_shared>>) dst(%arg7 : memref<8192xf32, #tpu.memory_space<vmem>>)
    %dma_wait3A_48 = arith.constant 0 : i32
    %dma_wait3A_49 = tpu.memref_slice %arg14[%dma_wait3A_48] : memref<65536xf32, #tpu.memory_space<vmem_shared>> -> memref<8192xf32, #tpu.memory_space<vmem_shared>>
    %dma_wait3A_50 = arith.constant 0 : i32
    %dma_wait3A_51 = tpu.memref_slice %arg14[%dma_wait3A_50] : memref<65536xf32, #tpu.memory_space<vmem_shared>> -> memref<8192xf32, #tpu.memory_space<vmem_shared>>
    tpu.wait_dma2 semaphore(%arg15 : memref<!tpu.dma_semaphore, #tpu.memory_space<semaphore_mem>>) src(%dma_wait3A_51 : memref<8192xf32, #tpu.memory_space<vmem_shared>>) dst(%arg9 : memref<8192xf32, #tpu.memory_space<vmem>>)
    return
  }
}

</mosaic_0001>

<sc_bundles>
// kernel: kernel.3.cloned.1.call-start
scs
__scs_entry_jumppad:
0x0: {  	(pc) =	sbr.rel $0x88, $3  }
0x1: {  	(tag) =	ssettag $0x0;
	lr =	simm.s32 $0x1  }
0x2: {  	[smem:$0x3F9F] =	sst lr;
	_ =	strace $0xD0000000  }
0x3: {  	_ = 	snop  }
0x4: {  	_ = 	snop  }
0x5: {  	_ = 	snop  }
0x6: {  	_ = 	snop  }
0x7: {  	_ = 	snop  }
__scs_overlays_trampoline_lowered:
0x8: {  	[smem:$0x3FAE] =	sst s0  }
0x9: {  	[smem:$0x3FAF] =	sst s1  }
0xa: {  	[smem:$0x3FB0] =	sst s2  }
0xb: {  	[smem:$0x3FB1] =	sst s3  }
0xc: {  	[smem:$0x3FB2] =	sst s4  }
0xd: {  	[smem:$0x3FB3] =	sst s5  }
0xe: {  	[smem:$0x3FB4] =	sst s6  }
0xf: {  	[smem:$0x3FB5] =	sst s7  }
0x10: {  	[smem:$0x3FB6] =	sst s8  }
0x11: {  	[smem:$0x3FB7] =	sst s9;
	s0 =	simm.s32 @!p0 $0x0  }
0x12: {  	s1 =	sld [smem:$0x3F9D];
	s0 =	simm.s32 @p0 $0x1  }
0x13: {  	[smem:$0x3FB8] =	sst s0;
	s0 =	simm.s32 @!p1 $0x0  }
0x14: {  	s2 =	sld [smem:$0x3F9C];
	s0 =	simm.s32 @p1 $0x1  }
0x15: {  	[smem:$0x3FB9] =	sst s0;
	s0 =	simm.s32 @!p2 $0x0  }
0x16: {  	s3 =	sld [smem:$0x3FDB];
	s0 =	simm.s32 @p2 $0x1  }
0x17: {  	s4 =	simm.s32 $0x1BF5;
	[smem:$0x3FBB] =	sst s0  }
0x18: {  	s0 =	sld [smem:$0x3F9E];
	_ =	swait.ge [sflag:s4], $0x0  }
0x19: {  	s7 =	sld [smem:$0x3F9F]  }
0x1a: {  	s8 =	sadd.s32 $0xFFFFE003, lr  }
0x1b: {  	s9 =	sadd.s32 $0xFFFFFEF7, lr;
	s5 =	simm.s32 $0xFFFFFFFF;
	p2 =	slt.u32 s8, $0xFFFFF086  }
0x1c: {  	p1 =	slt.u32 s9, $0xF7A;
	s5 =	simm.s32 @!p2 $0x0  }
0x1d: {  	s5 =	simm.s32 @p1 $0x1;
	p0 =	seq.s32 s7, s2  }
0x1e: {  	s7 =	smul.u32 @!p0 $0xF7A, s2;
	p2 =	seq.s32 @!p0 s5, $0x0  }
0x1f: {  	s9 =	smul.u32 $0xF7A, s1;
	s8 =	simm.s32 @!p0 $0x1BF5;
	p2 =	por !p2, p0  }
0x20: {  	[sflag:s8] =	ssyncset.s32 @!p0 $0xFFFFF086;
	s6 =	sadd.s32 @!p0 s3, s7;
	s7 =	simm.s32 @!p0 $0x108  }
0x21: {  	s3 =	sadd.s32 s3, s9;
	s6 =	sadd.s32 @!p0 $0x88, s6;
	s7 =	simm.s32 @p2 $0x1082  }
0x22: {  	[simem:s7], [sflag:s8] =	dma.local @!p0 [hbm:s6], $0xF7A  }
0x23: {  	s9 =	sor.u32 $0xD0000000, s2;
	s6 =	simm.s32 $0x108;
	_ =	swait.ge @!p0 [sflag:s8], $0x0  }
0x24: {  	s3 =	sadd.s32 $0x88, s3;
	s6 =	simm.s32 @!p1 $0x1082;
	[sflag:s4] =	ssyncset.s32 $0xFFFFF086  }
0x25: {  	[simem:s6], [sflag:s4] =	dma.local [hbm:s3], $0xF7A  }
0x26: {  	[smem:$0x3F9F] =	sst s1;
	(tag) =	ssettag s2;
	_ =	strace s9  }
0x27: {  	s1 =	sld [smem:$0x3FAF]  }
0x28: {  	s2 =	sld [smem:$0x3FB0]  }
0x29: {  	s4 =	sld [smem:$0x3FB2]  }
0x2a: {  	p0 =	seq.s32 s5, $0x0;
	s5 =	sld [smem:$0x3FB3]  }
0x2b: {  	s6 =	sld [smem:$0x3FB4]  }
0x2c: {  	s7 =	sld [smem:$0x3FB5]  }
0x2d: {  	s3 =	simm.s32 $0x108;
	s8 =	sld [smem:$0x3FB6]  }
0x2e: {  	s3 =	simm.s32 @!p0 $0x1082;
	s9 =	sld [smem:$0x3FB7]  }
0x2f: {  	lr =	sadd.s32 s0, s3;
	s0 =	sld [smem:$0x3FAE]  }
0x30: {  	s3 =	sld [smem:$0x3FB1]  }
0x31: {  	[smem:$0x3FBA] =	sst s10  }
0x32: {  	s10 =	sld [smem:$0x3FB8];
	_ =	sdelay $0x3  }
0x33: {  	p0 =	seq.s32 s10, $0x1;
	s10 =	sld [smem:$0x3FBA];
	_ =	sdelay $0x3  }
0x34: {  	[smem:$0x3FBA] =	sst s10  }
0x35: {  	s10 =	sld [smem:$0x3FB9];
	_ =	sdelay $0x3  }
0x36: {  	p1 =	seq.s32 s10, $0x1;
	s10 =	sld [smem:$0x3FBA];
	_ =	sdelay $0x3  }
0x37: {  	[smem:$0x3FBA] =	sst s10  }
0x38: {  	s10 =	sld [smem:$0x3FBB]  }
0x39: {  	_ = 	snop;
	(pc) =	sbr.ind lr, $3  }
0x3a: {  	_ = 	snop  }
0x3b: {  	_ = 	snop  }
0x3c: {  	p2 =	seq.s32 s10, $0x1;
	s10 =	sld [smem:$0x3FBA]  }
0x3d: {  	_ =	shalt  }
0x3e: {  	_ =	shalt  }
0x3f: {  	_ =	shalt  }
0x40: {  	_ =	shalt  }
0x41: {  	_ =	shalt  }
0x42: {  	_ =	shalt  }
0x43: {  	_ =	shalt  }
0x44: {  	_ =	shalt  }
0x45: {  	_ =	shalt  }
0x46: {  	_ =	shalt  }
0x47: {  	_ =	shalt  }
0x48: {  	_ =	shalt  }
0x49: {  	_ =	shalt  }
0x4a: {  	_ =	shalt  }
0x4b: {  	_ =	shalt  }
0x4c: {  	_ =	shalt  }
0x4d: {  	_ =	shalt  }
0x4e: {  	_ =	shalt  }
0x4f: {  	_ =	shalt  }
0x50: {  	_ =	shalt  }
0x51: {  	_ =	shalt  }
0x52: {  	_ =	shalt  }
0x53: {  	_ =	shalt  }
0x54: {  	_ =	shalt  }
0x55: {  	_ =	shalt  }
0x56: {  	_ =	shalt  }
0x57: {  	_ =	shalt  }
0x58: {  	_ =	shalt  }
0x59: {  	_ =	shalt  }
0x5a: {  	_ =	shalt  }
0x5b: {  	_ =	shalt  }
0x5c: {  	_ =	shalt  }
0x5d: {  	_ =	shalt  }
0x5e: {  	_ =	shalt  }
0x5f: {  	_ =	shalt  }
0x60: {  	_ =	shalt  }
0x61: {  	_ =	shalt  }
0x62: {  	_ =	shalt  }
0x63: {  	_ =	shalt  }
0x64: {  	_ =	shalt  }
0x65: {  	_ =	shalt  }
0x66: {  	_ =	shalt  }
0x67: {  	_ =	shalt  }
0x68: {  	_ =	shalt  }
0x69: {  	_ =	shalt  }
0x6a: {  	_ =	shalt  }
0x6b: {  	_ =	shalt  }
0x6c: {  	_ =	shalt  }
0x6d: {  	_ =	shalt  }
0x6e: {  	_ =	shalt  }
0x6f: {  	_ =	shalt  }
0x70: {  	_ =	shalt  }
0x71: {  	_ =	shalt  }
0x72: {  	_ =	shalt  }
0x73: {  	_ =	shalt  }
0x74: {  	_ =	shalt  }
0x75: {  	_ =	shalt  }
0x76: {  	_ =	shalt  }
0x77: {  	_ =	shalt  }
0x78: {  	_ =	shalt  }
0x79: {  	_ =	shalt  }
0x7a: {  	_ =	shalt  }
0x7b: {  	_ =	shalt  }
0x7c: {  	_ =	shalt  }
0x7d: {  	_ =	shalt  }
0x7e: {  	_ =	shalt  }
0x7f: {  	_ =	shalt  }
0x80: {  	_ =	shalt  }
0x81: {  	_ =	shalt  }
0x82: {  	_ =	shalt  }
0x83: {  	_ =	shalt  }
0x84: {  	_ =	shalt  }
0x85: {  	_ =	shalt  }
0x86: {  	_ =	shalt  }
0x87: {  	_ =	shalt  }
.Lfunc_end0:
.L_simem_size_0:
called_computation_lowered:
.L_overlay_start_0:
0x88: {  	s2 =	sld [smem:$0x3FD9]  }
0x89: {  	s3 =	sld [smem:$0x3FFE];
	_ =	sdelay $0x1  }
0x8a: {  	s1 =	srdreg.scid  }
0x8b: {  	s0 =	sand.u32 $0x1, s1  }
0x8c: {  	s17 =	sshll.u32 s0, $0xA;
	s2 =	sadd.s32 s3, s2  }
0x8d: {  	s2 =	sadd.s32 s2, s17  }
0x8e: {  	[smem:$0x3FC6] =	sst s2  }
0x8f: {  	_ = 	snop  }
0x90: {  	s2 =	sld [smem:$0x3FC9]  }
0x91: {  	s18 =	sld [smem:$0x3FD0];
	(tm) =	ssettm $0x1  }
0x92: {  	s4 =	sld [smem:$0x3FFB];
	_ =	sdelay $0x3  }
0x93: {  	_ =	strace s4  }
0x94: {  	s4 =	sld [smem:$0x3FFC];
	_ =	sdelay $0x3  }
0x95: {  	_ =	strace s4  }
0x96: {  	s4 =	sld [smem:$0x3FFD];
	_ =	sdelay $0x3  }
0x97: {  	_ =	strace s4  }
0x98: {  	_ =	strace $0x8FFFFFFF  }
0x99: {  	s19 =	sld [smem:$0x3FDB];
	_ =	sdelay $0x1  }
0x9a: {  	s5 =	simm.s32 $_scs_section_size  }
0x9b: {  	s6 =	simm.s32 $_size__tile_overlayer_lowered;
	s7 =	simm.s32 $_tile_overlayer_lowered  }
0x9c: {  	s22 =	simm.s32 $0x1BFF;
	s21 =	sshll.u32 s7, $0x1;
	s4 =	sadd.s32 s5, s19  }
0x9d: {  	s8 =	simm.s32 $0x0;
	s20 =	sshll.u32 s6, $0x1;
	s6 =	sadd.s32 s21, s4  }
0x9e: {  	[timem:s8], [sflag:s22] =	dma.local [hbm:s6], s20  }
0x9f: {  	_ =	swait.ge [sflag:s22], s20  }
0xa0: {  	s5 =	ssub.s32 $0x0, s20;
	[sflag:s22] =	ssyncset.done $0x0  }
0xa1: {  	[sflag:s22] =	ssyncadd.s32 s5;
	_ =	sdelay $0x1  }
0xa2: {  	s23 =	simm.s32 $0x1B8B  }
0xa3: {  	_ =	swait.ge [sflag:s23], $0x1  }
0xa4: {  	[sflag:s23] =	ssyncset.done $0x0  }
0xa5: {  	s25 =	simm.s32 $0x1B8E;
	s24 =	sld [smem:$0x3FFE];
	[sflag:s23] =	ssyncadd.s32 $0xFFFFFFFF  }
0xa6: {  	s26 =	simm.s32 $execute0_lowered;
	[smem:$0x3FD2] =	sst s25  }
0xa7: {  	s6 =	sshll.u32 s26, $0x1;
	_ =	strace $0x80000046;
	[dreg:$0x1] =	wrdreg $0xFFFFFFFF  }
0xa8: {  	s28 =	simm.s32 $_size_execute0_lowered;
	s4 =	sadd.s32 s4, s6;
	[dreg:$0x0] =	wrdreg $0x0  }
0xa9: {  	s6 =	sshll.u32 s28, $0x1;
	[dreg:$0x2] =	wrdreg s4  }
0xaa: {  	[dreg:$0x3] =	wrdreg s6  }
0xab: {  	[dreg:$0x4] =	wrdreg $0xC0  }
0xac: {  	_ =	task [dreg:s8], $0x5FFFF  }
0xad: {  	[dreg:$0x1] =	wrdreg $0xFFFFFFFF  }
0xae: {  	[dreg:$0x0] =	wrdreg $0x60  }
0xaf: {  	[dreg:$0x2] =	wrdreg s2  }
0xb0: {  	[dreg:$0x3] =	wrdreg s24  }
0xb1: {  	[dreg:$0x4] =	wrdreg s18  }
0xb2: {  	[dreg:$0x5] =	wrdreg $0x1C0000  }
0xb3: {  	[dreg:$0x6] =	wrdreg $0x1D0000  }
0xb4: {  	[dreg:$0x7] =	wrdreg $0x9  }
0xb5: {  	_ =	task.clear_ibuf [dreg:s8], $0x8FFFF;
	_ =	strace $0x90000046  }
0xb6: {  	s29 =	simm.s32 $0x9;
	_ =	strace $0x80000048  }
0xb7: {  	_ =	swait.ge [sflag:s29], $0x1  }
0xb8: {  	[sflag:s29] =	ssyncadd.s32 $0xFFFFFFFF  }
0xb9: {  	_ =	strace $0x90000048  }
0xba: {  	_ =	sfence  }
0xbb: {  	s30 =	sld [smem:$0x0];
	_ =	sdelay $0x2  }
0xbc: {  	s31 =	sshll.u32 s1, $0xD;
	s1 =	sshrl.u32 s1, $0x2  }
0xbd: {  	s3 =	sand.u32 $0x4000, s31;
	s1 =	sadd.s32 s1, s30  }
0xbe: {  	s0 =	sor.u32 s3, s0;
	s1 =	sshll.u32 s1, $0x11  }
0xbf: {  	s0 =	sor.u32 s1, s0  }
0xc0: {  	s0 =	sadd.s32 $0x8F2B, s0  }
0xc1: {  	[sflag:s0] =	ssyncadd.remote.s32 $0x1  }
0xc2: {  	_ =	sfence.sel $0xFFFF  }
0xc3: {  	[dreg:$0x0] =	wrdreg $0xFFFFFFFF;
	(pc) =	sbr.abs _section_cstart, $3  }
0xc4: {  	[dreg:$0x1] =	wrdreg $0xFFFFFFFF  }
0xc5: {  	_ =	task.clear_ibuf [dreg:s8], $0x2FFFF;
	_ =	strace $0x9FFFFFFF  }
0xc6: {  	(tm) =	ssettm $0x7FFFFFFF  }
0xc7: {  	_ =	shalt  }
tec
execute0_lowered:
.L_overlay_start_1:
0x0: {  	(tag) =	ssettag $0x1  }
0x1: {  	s5 =	rddreg [dreg:$0x0]  }
0x2: {  	s0 =	rddreg [dreg:$0x1]  }
0x3: {  	s31 =	rddreg [dreg:$0x2]  }
0x4: {  	s7 =	rddreg [dreg:$0x3]  }
0x5: {  	s9 =	rddreg [dreg:$0x4];
	s6 =	simm.s32 $0x0  }
0x6: {  	[smem:$0x7FF] =	sst s6;
	s11 =	sadd.s32 $0x2000, s7  }
0x7: {  	s12 =	sadd.s32 $0x2000, s9;
	_ =	strace $0x80000047;
	[dreg:$0xc] =	wrdreg s11  }
0x8: {  	s1 =	srdreg.scid;
	s13 =	sadd.s32 $0x4000, s7;
	[dreg:$0xd] =	wrdreg s12  }
0x9: {  	s8 =	stileid.u32;
	s14 =	sadd.s32 $0x4000, s9;
	[dreg:$0xe] =	wrdreg s13  }
0xa: {  	s1 =	sand.u32 $0x1, s1;
	s15 =	sadd.s32 $0x2000, s31;
	[dreg:$0xf] =	wrdreg s14  }
0xb: {  	s3 =	sshll.u32 s8, $0x9;
	s16 =	sadd.s32 $0x6000, s7;
	[dreg:$0x10] =	wrdreg s15  }
0xc: {  	s26 =	sshll.u32 s8, $0x3;
	s17 =	sadd.s32 $0x6000, s9;
	[dreg:$0x11] =	wrdreg s16  }
0xd: {  	s29 =	sshll.u32 s8, $0x10;
	s18 =	sadd.s32 $0x4000, s31;
	[dreg:$0x12] =	wrdreg s17  }
0xe: {  	s30 =	sshll.u32 s8, $0xC;
	s19 =	sadd.s32 $0x8000, s7;
	[dreg:$0x13] =	wrdreg s18  }
0xf: {  	s20 =	sadd.s32 $0x8000, s9;
	s24 =	sadd.s32 $0x6000, s31;
	[dreg:$0x14] =	wrdreg s19  }
0x10: {  	s25 =	sadd.s32 $0xA000, s7;
	s2 =	ssub.s32 $0x2, s1;
	[dreg:$0x15] =	wrdreg s20  }
0x11: {  	s0 =	sadd.s32 s3, s0;
	s28 =	sshll.u32 s1, $0x2;
	[dreg:$0x19] =	wrdreg s24  }
0x12: {  	s1 =	sshll.u32 s1, $0x6;
	[dreg:$0x1a] =	wrdreg s25;
	s11 =	sadd.s32 $0xC000, s31  }
0x13: {  	s12 =	simm.s32 $0x80;
	s24 =	simm.s32 $0x1;
	s25 =	simm.s32 $0x2  }
0x14: {  	s13 =	simm.s32 $0x1A000;
	s14 =	simm.s32 $0x3;
	s15 =	simm.s32 $0x4  }
0x15: {  	s16 =	simm.s32 $0x0;
	s4 =	sshrl.u32 s2, $0x1;
	s3 =	sor.u32 s28, s26  }
0x16: {  	s1 =	sadd.s32 s5, s1;
	s10 =	sadd.s32 $0x2600, s0;
	[dreg:$0x6] =	wrdreg s3  }
0x17: {  	s0 =	sadd.s32 $0x600, s0;
	s26 =	sadd.s32 $0xA000, s9;
	[dreg:$0x9] =	wrdreg s10  }
0x18: {  	s28 =	sadd.s32 $0x8000, s31;
	s5 =	sadd.s32 $0xA000, s31;
	[dreg:$0xb] =	wrdreg s0  }
0x19: {  	s2 =	ssub.s32 s2, s4;
	s1 =	sadd.s32 s29, s1;
	[dreg:$0x1b] =	wrdreg s26  }
0x1a: {  	s3 =	sshll.u32 s8, $0x6;
	s8 =	sadd.s32 s30, s7;
	[dreg:$0x1c] =	wrdreg s28  }
0x1b: {  	s29 =	sadd.s32 $0xC000, s7;
	s10 =	sadd.s32 $0xE000, s9;
	[dreg:$0x7] =	wrdreg s1  }
0x1c: {  	[dreg:$0x8] =	wrdreg s3;
	s4 =	sor.u32 $0x1C01, s3;
	s1 =	sadd.s32 s30, s9  }
0x1d: {  	s21 =	smax.u32 s2, $0x1;
	s22 =	sshrl.u32 s8, $0x3;
	[dreg:$0x1d] =	wrdreg s29  }
0x1e: {  	s30 =	sadd.s32 $0xC000, s9;
	s8 =	sadd.s32 $0xE000, s7;
	[dreg:$0xa] =	wrdreg s4  }
0x1f: {  	s9 =	simm.s32 $0x10000;
	s3 =	simm.s32 $0x5;
	[dreg:$0x16] =	wrdreg s21  }
0x20: {  	s2 =	simm.s32 $0x16000;
	s7 =	simm.s32 $0x18000;
	[dreg:$0x17] =	wrdreg s22  }
0x21: {  	s23 =	sshrl.u32 s1, $0x3;
	[dreg:$0x1e] =	wrdreg s30;
	s1 =	simm.s32 $0x14000  }
0x22: {  	s4 =	simm.s32 $0x12000;
	[dreg:$0x18] =	wrdreg s23;
	s23 =	simm.s32 $0x400  }
.LBB2_1:
0x23: {  	[dreg:$0x1f] =	wrdreg s16  }
0x24: {  	s0 =	rddreg [dreg:$0x7]  }
0x25: {  	s21 =	rddreg [dreg:$0x9]  }
0x26: {  	s22 =	rddreg [dreg:$0xa]  }
0x27: {  	s17 =	rddreg [dreg:$0x17]  }
0x28: {  	[tilespmem:s6], [sflag:$0x5] =	stream.strided.gather [hbm4b:s0+s12], $0x10000, s23, s12, $0x38;
	[tilespmem:$0x1E000] =	vst v63  }
0x29: {  	[spmem:s17], [sflag:s22] =	dma.local [hbm:s21], $0x200  }
0x2a: {  	s0 =	rddreg [dreg:$0x8]  }
0x2b: {  	s28 =	rddreg [dreg:$0xb]  }
0x2c: {  	s17 =	rddreg [dreg:$0x18];
	s26 =	sor.u32 $0x1C02, s0  }
0x2d: {  	[spmem:s17], [sflag:s26] =	dma.local [hbm:s28], $0x200  }
0x2e: {  	_ =	swait.ge [sflag:s24], $0x200  }
0x2f: {  	[sflag:s24] =	ssyncset.done $0x0  }
0x30: {  	[sflag:s24] =	ssyncadd.s32 $0xFFFFFE00  }
0x31: {  	_ =	swait.ge [sflag:s25], $0x200  }
0x32: {  	[sflag:s25] =	ssyncset.done $0x0  }
0x33: {  	[sflag:s25] =	ssyncadd.s32 $0xFFFFFE00  }
0x34: {  	[bflag:$0x0] =	sbarrier.arrive $0xFFFF  }
0x35: {  	s29 =	rddreg [dreg:$0x3]  }
0x36: {  	[tilespmem:s9], [sflag:$0x1] =	stream.linear.gather [spmem:s29], $0x2000, $0x38;
	[tilespmem:$0x1E000] =	vst v63  }
0x37: {  	s16 =	simm.s32 $0x0;
	s30 =	rddreg [dreg:$0x4]  }
0x38: {  	[tilespmem:s1], [sflag:$0x1] =	stream.linear.gather [spmem:s30], $0x2000, $0x38;
	[tilespmem:$0x1E000] =	vst v63  }
.LBB2_2:
0x39: {  	_ =	swait.ge [sflag:s3], $0x10000  }
0x3a: {  	[sflag:s3] =	ssyncset.done $0x0  }
0x3b: {  	s0 =	rddreg [dreg:$0xc];
	[sflag:s3] =	ssyncadd.s32 $0xFFFF0000  }
0x3c: {  	[tilespmem:s4], [sflag:$0x2] =	stream.linear.gather [spmem:s0], $0x2000, $0x38;
	[tilespmem:$0x1E000] =	vst v63  }
0x3d: {  	s20 =	rddreg [dreg:$0xd]  }
0x3e: {  	[tilespmem:s2], [sflag:$0x2] =	stream.linear.gather [spmem:s20], $0x2000, $0x38;
	[tilespmem:$0x1E000] =	vst v63  }
0x3f: {  	_ =	swait.ge [sflag:s24], $0x2000  }
0x40: {  	[sflag:s24] =	ssyncset.done $0x0  }
0x41: {  	[sflag:s24] =	ssyncadd.s32 $0xFFFFE000  }
0x42: {  	_ =	swait.ge [sflag:s24], $0x2000  }
0x43: {  	p0 =	seq.s32 s16, $0x0;
	[sflag:s24] =	ssyncset.done $0x0  }
0x44: {  	s17 =	simm.s32 @!p0 $0x3;
	[sflag:s24] =	ssyncadd.s32 $0xFFFFE000  }
0x45: {  	_ =	swait.ge @!p0 [sflag:s17], $0x2000  }
0x46: {  	[sflag:s17] =	ssyncset.done @!p0 $0x0  }
0x47: {  	s21 =	simm.s32 $0x10020;
	[sflag:s17] =	ssyncadd.s32 @!p0 $0xFFFFE000  }
0x48: {  	s18 =	simm.s32 $0x14020;
	v3 =	vld [tilespmem:s21+$0x10]  }
0x49: {  	v5 =	vld [tilespmem:s18+$0x10];
	_ =	sdelay $0x1  }
0x4a: {  	v4 =	vld [tilespmem:s21+$0x0]  }
0x4b: {  	v6 =	vld [tilespmem:s21+$0xFFFFFFF0]  }
0x4c: {  	v7 =	vld [tilespmem:s18+$0x0];
	v0 =	vtrunc.f32 v3  }
0x4d: {  	v9 =	vld [tilespmem:s18+$0xFFFFFFE0];
	v1 =	vtrunc.f32 v5;
	v8 =	vcvt.f32.s32 v0  }
0x4e: {  	s26 =	simm.s32 $0x10060;
	v10 =	vld [tilespmem:s18+$0xFFFFFFF0];
	v13 =	vcvt.f32.s32 v1  }
0x4f: {  	v2 =	vld [tilespmem:s26+$0x0];
	v0 =	vtrunc.f32 v4  }
0x50: {  	v17 =	vld [tilespmem:s21+$0xFFFFFFE0];
	v11 =	vcvt.f32.s32 v0;
	v12 =	vadd.s32 $0x1, v8  }
0x51: {  	s28 =	simm.s32 $0x14060;
	v1 =	vld [tilespmem:s26+$0x10];
	v0 =	vtrunc.f32 v6  }
0x52: {  	v14 =	vcvt.f32.s32 v0;
	v0 =	vld [tilespmem:s28+$0x10];
	v21 =	vadd.s32 $0x1, v13  }
0x53: {  	v24 =	vtrunc.f32 v7;
	v15 =	vadd.s32 $0x1, v11;
	v16 =	vld.idx.msk [tilespmem:v8+s6+$0x0], $0xffff  }
0x54: {  	v20 =	vtrunc.f32 v10;
	v24 =	vcvt.f32.s32 v24;
	v27 =	vld.idx.msk [tilespmem:v13+s6+$0x0], $0xffff  }
0x55: {  	v20 =	vcvt.f32.s32 v20;
	v12 =	vld.idx.msk [tilespmem:v12+s6+$0x0], $0xffff  }
0x56: {  	v19 =	vtrunc.f32 v9;
	v18 =	vadd.s32 $0x1, v14;
	v22 =	vcvt.s32.f32 v14;
	v23 =	vld.idx.msk [tilespmem:v11+s6+$0x0], $0xffff  }
0x57: {  	v19 =	vcvt.f32.s32 v19;
	v29 =	vadd.s32 $0x1, v20;
	v21 =	vld.idx.msk [tilespmem:v21+s6+$0x0], $0xffff  }
0x58: {  	v22 =	vsub.f32 v6, v22;
	v6 =	vcvt.s32.f32 v8;
	v11 =	vcvt.s32.f32 v11;
	v25 =	vld.idx.msk [tilespmem:v15+s6+$0x0], $0xffff  }
0x59: {  	v30 =	vadd.s32 $0x1, v24;
	v8 =	vadd.s32 $0x1, v19;
	v28 =	vld.idx.msk [tilespmem:v14+s6+$0x0], $0xffff  }
0x5a: {  	v3 =	vsub.f32 v3, v6;
	v6 =	vtrunc.f32 v17;
	v14 =	vld.idx.msk [tilespmem:v24+s6+$0x0], $0xffff;
	v4 =	vsub.f32 v4, v11  }
0x5b: {  	v18 =	vld.idx.msk [tilespmem:v18+s6+$0x0], $0xffff;
	v31 =	vcvt.f32.s32 v6;
	v11 =	vsub.f32 v12, v16;
	v12 =	vcvt.s32.f32 v24  }
0x5c: {  	v6 =	vld.idx.msk [tilespmem:v20+s6+$0x0], $0xffff  }
0x5d: {  	v24 =	vld.idx.msk [tilespmem:v29+s6+$0x0], $0xffff;
	v3 =	vmul.f32 v3, v11;
	v15 =	vsub.f32 v7, v12;
	v7 =	vcvt.s32.f32 v13  }
0x5e: {  	v26 =	vcvt.s32.f32 v19;
	v32 =	vadd.s32 $0x1, v31;
	v11 =	vld.idx.msk [tilespmem:v19+s6+$0x0], $0xffff;
	v12 =	vsub.f32 v25, v23  }
0x5f: {  	v19 =	vcvt.s32.f32 v20;
	v25 =	vld.idx.msk [tilespmem:v8+s6+$0x0], $0xffff;
	v3 =	vadd.f32 v3, v16;
	v5 =	vsub.f32 v5, v7  }
0x60: {  	v7 =	vsub.f32 v18, v28;
	v4 =	vmul.f32 v4, v12;
	v16 =	vsub.f32 v9, v26;
	v26 =	vld.idx.msk [tilespmem:v30+s6+$0x0], $0xffff  }
0x61: {  	v12 =	vcvt.s32.f32 v31;
	v18 =	vsub.f32 v21, v27;
	v20 =	vsub.f32 v10, v19;
	v9 =	vld.idx.msk [tilespmem:v31+s6+$0x0], $0xffff  }
0x62: {  	v24 =	vsub.f32 v24, v6;
	v8 =	vsub.f32 $1.000000000e+00, v3;
	v3 =	vmul.f32 v22, v7;
	v7 =	vld [tilespmem:s28+$0x0]  }
0x63: {  	s22 =	rddreg [dreg:$0x6];
	v4 =	vadd.f32 v4, v23;
	v13 =	vsub.f32 v17, v12;
	v23 =	vld.idx.msk [tilespmem:v32+s6+$0x0], $0xffff;
	v17 =	vtrunc.f32 v1  }
0x64: {  	s17 =	sadd.s32 s22, s16;
	v22 =	vmul.f32 v5, v18;
	v18 =	vld [tilespmem:s26+$0xFFFFFFF0];
	v21 =	vsub.f32 v25, v11;
	v17 =	vcvt.f32.s32 v17  }
0x65: {  	s29 =	simm.s32 $0x40;
	s18 =	sshll.u32 s17, $0x10;
	s19 =	sshll.u32 s17, $0x7;
	v3 =	vadd.f32 v3, v28;
	v10 =	vsub.f32 $1.000000000e+00, v4;
	v4 =	vtrunc.f32 v0  }
0x66: {  	s30 =	simm.s32 $0x10060;
	s20 =	sand.u32 $0x780000, s18;
	s19 =	sand.u32 $0x380, s19;
	v5 =	vld [tilespmem:s28+$0xFFFFFFE0];
	v22 =	vadd.f32 v22, v27;
	v12 =	vcvt.f32.s32 v4;
	v25 =	vsub.f32 v26, v14  }
0x67: {  	s22 =	simm.s32 $0x18020;
	s21 =	simm.s32 $0x18020;
	s20 =	sor.u32 s19, s20;
	v4 =	vld [tilespmem:s28+$0xFFFFFFF0];
	v26 =	vtrunc.f32 v2;
	v3 =	vsub.f32 $1.000000000e+00, v3;
	v19 =	vtrunc.f32 v7  }
.LBB2_3:
0x68: {  	s29 =	sadd.s32 $0x40, s29;
	v26 =	vcvt.f32.s32 v26;
	v27 =	vadd.s32 $0x1, v17;
	s26 =	sadd.s32 $0x40, s26;
	v15 =	vmul.f32 v15, v25;
	s21 =	sadd.s32 $0x40, s21  }
0x69: {  	v29 =	vadd.s32 $0x1, v12;
	v23 =	vsub.f32 v23, v9;
	v25 =	vld [tilespmem:s26+$0x0];
	p1 =	slt.u32 s29, $0x1FC0;
	v28 =	vtrunc.f32 v18  }
0x6a: {  	v20 =	vmul.f32 v20, v24;
	v30 =	vld [tilespmem:s30+$0xFFFFFFE0];
	v28 =	vcvt.f32.s32 v28;
	v31 =	vadd.s32 $0x1, v26;
	s30 =	smov.u32 s26  }
0x6b: {  	v32 =	vtrunc.f32 v5;
	v14 =	vadd.f32 v15, v14;
	v15 =	vsub.f32 $1.000000000e+00, v22;
	v24 =	vld [tilespmem:s26+$0x10]  }
0x6c: {  	s28 =	sadd.s32 $0x40, s28;
	v16 =	vmul.f32 v16, v21;
	v22 =	vcvt.s32.f32 v28;
	v33 =	vadd.s32 $0x1, v28;
	v34 =	vld.idx.msk [tilespmem:v17+s6+$0x0], $0xffff  }
0x6d: {  	v35 =	vtrunc.f32 v4;
	v14 =	vsub.f32 $1.000000000e+00, v14;
	v8 =	vmul.f32 v15, v8;
	v21 =	vld [tilespmem:s28+$0x10]  }
0x6e: {  	v11 =	vadd.f32 v16, v11;
	v32 =	vcvt.f32.s32 v32;
	v18 =	vsub.f32 v18, v22;
	v15 =	vld.idx.msk [tilespmem:v27+s6+$0x0], $0xffff  }
0x6f: {  	v20 =	vadd.f32 v20, v6;
	v16 =	vcvt.f32.s32 v35;
	v22 =	vcvt.s32.f32 v26;
	v26 =	vld.idx.msk [tilespmem:v26+s6+$0x0], $0xffff;
	[tilespmem:s22+$0x10] =	vst v8  }
0x70: {  	v19 =	vcvt.f32.s32 v19;
	v6 =	vmul.f32 v14, v10;
	v8 =	vadd.s32 $0x1, v32;
	v27 =	vld.idx.msk [tilespmem:v12+s6+$0x0], $0xffff  }
0x71: {  	v17 =	vcvt.s32.f32 v17;
	v10 =	vsub.f32 v2, v22;
	v22 =	vsub.f32 $1.000000000e+00, v11;
	v2 =	vmovc v25;
	v14 =	vld.idx.msk [tilespmem:v31+s6+$0x0], $0xffff  }
0x72: {  	v25 =	vcvt.s32.f32 v32;
	v11 =	vmul.f32 v13, v23;
	v31 =	vld.idx.msk [tilespmem:v33+s6+$0x0], $0xffff;
	v33 =	vadd.s32 $0x1, v19;
	[tilespmem:s22+$0x0] =	vst v6  }
0x73: {  	v17 =	vsub.f32 v1, v17;
	v13 =	vcvt.s32.f32 v19;
	v1 =	vmovc v24;
	v6 =	vtrunc.f32 v30;
	v28 =	vld.idx.msk [tilespmem:v28+s6+$0x0], $0xffff  }
0x74: {  	v24 =	vadd.s32 $0x1, v16;
	v23 =	vcvt.f32.s32 v6;
	v35 =	vsub.f32 v15, v34;
	v29 =	vld.idx.msk [tilespmem:v29+s6+$0x0], $0xffff  }
0x75: {  	v9 =	vadd.f32 v11, v9;
	v15 =	vsub.f32 v7, v13;
	v7 =	vcvt.s32.f32 v12;
	v6 =	vld.idx.msk [tilespmem:v16+s6+$0x0], $0xffff  }
0x76: {  	v12 =	vcvt.s32.f32 v16;
	v13 =	vmul.f32 v17, v35;
	v16 =	vsub.f32 $1.000000000e+00, v20;
	v11 =	vld.idx.msk [tilespmem:v32+s6+$0x0], $0xffff  }
0x77: {  	v9 =	vsub.f32 $1.000000000e+00, v9;
	v17 =	vcvt.s32.f32 v23;
	v32 =	vld.idx.msk [tilespmem:v8+s6+$0x0], $0xffff;
	v8 =	vsub.f32 v14, v26  }
0x78: {  	v35 =	vadd.s32 $0x1, v23;
	v13 =	vadd.f32 v13, v34;
	v14 =	vld.idx.msk [tilespmem:v19+s6+$0x0], $0xffff;
	v19 =	vsub.f32 v0, v7;
	v0 =	vmovc v21  }
0x79: {  	v3 =	vmul.f32 v16, v3;
	v20 =	vsub.f32 v31, v28;
	v24 =	vld.idx.msk [tilespmem:v24+s6+$0x0], $0xffff;
	v10 =	vmul.f32 v10, v8  }
0x7a: {  	v16 =	vsub.f32 v5, v25;
	v5 =	vmul.f32 v22, v9;
	v8 =	vsub.f32 $1.000000000e+00, v13;
	v25 =	vld.idx.msk [tilespmem:v33+s6+$0x0], $0xffff  }
0x7b: {  	v21 =	vsub.f32 v29, v27;
	v18 =	vmul.f32 v18, v20;
	v7 =	vld [tilespmem:s28+$0x0];
	v10 =	vadd.f32 v10, v26;
	[tilespmem:s22+$0xFFFFFFF0] =	vst v3  }
0x7c: {  	v13 =	vsub.f32 v30, v17;
	v20 =	vsub.f32 v4, v12;
	v9 =	vld.idx.msk [tilespmem:v23+s6+$0x0], $0xffff;
	[tilespmem:s22+$0xFFFFFFE0] =	vst v5;
	s22 =	smov.u32 s21  }
.Ltmp0:
0x7d: {  	v22 =	vmul.f32 v19, v21;
	v3 =	vadd.f32 v18, v28;
	v23 =	vld.idx.msk [tilespmem:v35+s6+$0x0], $0xffff;
	v10 =	vsub.f32 $1.000000000e+00, v10;
	(pc) =	sbr.rel @p1 .LBB2_3-.Ltmp0, $4  }
0x7e: {  	v4 =	vtrunc.f32 v0;
	v21 =	vsub.f32 v32, v11;
	v18 =	vld [tilespmem:s26+$0xFFFFFFF0]  }
0x7f: {  	v17 =	vtrunc.f32 v1;
	v12 =	vcvt.f32.s32 v4;
	v3 =	vsub.f32 $1.000000000e+00, v3;
	v5 =	vld [tilespmem:s28+$0xFFFFFFE0]  }
0x80: {  	v17 =	vcvt.f32.s32 v17;
	v24 =	vsub.f32 v24, v6;
	v25 =	vsub.f32 v25, v14  }
0x81: {  	v26 =	vtrunc.f32 v2;
	v22 =	vadd.f32 v22, v27;
	v19 =	vtrunc.f32 v7;
	v4 =	vld [tilespmem:s28+$0xFFFFFFF0]  }
0x82: {  	v27 =	vadd.s32 $0x1, v17  }
0x83: {  	v26 =	vcvt.f32.s32 v26;
	v15 =	vmul.f32 v15, v25;
	v25 =	vadd.s32 $0x1, v12;
	_ =	sdelay $0x1  }
0x84: {  	v29 =	vld [tilespmem:s30+$0xFFFFFFE0];
	v20 =	vmul.f32 v20, v24;
	v23 =	vsub.f32 v23, v9;
	v28 =	vtrunc.f32 v18  }
0x85: {  	v32 =	vld.idx.msk [tilespmem:v17+s6+$0x0], $0xffff;
	v16 =	vmul.f32 v16, v21;
	v28 =	vcvt.f32.s32 v28;
	v30 =	vadd.s32 $0x1, v26  }
0x86: {  	v17 =	vcvt.s32.f32 v17;
	v24 =	vtrunc.f32 v5;
	v14 =	vadd.f32 v15, v14;
	v27 =	vld.idx.msk [tilespmem:v27+s6+$0x0], $0xffff  }
0x87: {  	v24 =	vcvt.f32.s32 v24;
	v31 =	vadd.s32 $0x1, v28;
	v15 =	vcvt.s32.f32 v28;
	v25 =	vld.idx.msk [tilespmem:v25+s6+$0x0], $0xffff  }
0x88: {  	v19 =	vcvt.f32.s32 v19;
	v6 =	vadd.f32 v20, v6;
	v33 =	vtrunc.f32 v4;
	v55 =	vld.idx.msk [tilespmem:v26+s6+$0x0], $0xffff  }
0x89: {  	v20 =	vadd.s32 $0x1, v24;
	v15 =	vsub.f32 v18, v15;
	v18 =	vcvt.s32.f32 v26;
	v26 =	vld.idx.msk [tilespmem:v12+s6+$0x0], $0xffff  }
0x8a: {  	v11 =	vadd.f32 v16, v11;
	v13 =	vmul.f32 v13, v23;
	v21 =	vcvt.f32.s32 v33;
	v16 =	vld.idx.msk [tilespmem:v30+s6+$0x0], $0xffff  }
0x8b: {  	v22 =	vsub.f32 $1.000000000e+00, v22;
	v57 =	vcvt.s32.f32 v19;
	v56 =	vtrunc.f32 v29;
	v23 =	vld.idx.msk [tilespmem:v28+s6+$0x0], $0xffff  }
0x8c: {  	v58 =	vadd.s32 $0x1, v21;
	v2 =	vsub.f32 v2, v18;
	v28 =	vcvt.f32.s32 v56;
	v18 =	vld.idx.msk [tilespmem:v31+s6+$0x0], $0xffff  }
0x8d: {  	v1 =	vsub.f32 v1, v17;
	v9 =	vadd.f32 v13, v9;
	v13 =	vld.idx.msk [tilespmem:v24+s6+$0x0], $0xffff  }
0x8e: {  	v7 =	vsub.f32 v7, v57;
	v17 =	vsub.f32 v27, v32;
	v27 =	vadd.s32 $0x1, v19;
	v20 =	vld.idx.msk [tilespmem:v20+s6+$0x0], $0xffff  }
0x8f: {  	v14 =	vsub.f32 $1.000000000e+00, v14;
	v11 =	vsub.f32 $1.000000000e+00, v11;
	v59 =	vadd.s32 $0x1, v28;
	v19 =	vld.idx.msk [tilespmem:v19+s6+$0x0], $0xffff  }
0x90: {  	v12 =	vcvt.s32.f32 v12;
	v1 =	vmul.f32 v1, v17;
	v17 =	vld.idx.msk [tilespmem:v21+s6+$0x0], $0xffff;
	v16 =	vsub.f32 v16, v55  }
0x91: {  	v6 =	vsub.f32 $1.000000000e+00, v6;
	v9 =	vsub.f32 $1.000000000e+00, v9;
	v24 =	vcvt.s32.f32 v24;
	v31 =	vld.idx.msk [tilespmem:v58+s6+$0x0], $0xffff  }
0x92: {  	v0 =	vsub.f32 v0, v12;
	v21 =	vcvt.s32.f32 v21;
	v2 =	vmul.f32 v2, v16;
	v16 =	vld.idx.msk [tilespmem:v28+s6+$0x0], $0xffff  }
0x93: {  	v8 =	vmul.f32 v22, v8;
	v1 =	vadd.f32 v1, v32;
	v12 =	vsub.f32 v18, v23;
	v27 =	vld.idx.msk [tilespmem:v27+s6+$0x0], $0xffff  }
0x94: {  	v5 =	vsub.f32 v5, v24;
	v18 =	vcvt.s32.f32 v28;
	v4 =	vsub.f32 v4, v21;
	v24 =	vld.idx.msk [tilespmem:v59+s6+$0x0], $0xffff  }
0x95: {  	v1 =	vsub.f32 $1.000000000e+00, v1;
	v12 =	vmul.f32 v15, v12;
	v15 =	vsub.f32 v25, v26  }
0x96: {  	v10 =	vmul.f32 v14, v10;
	v2 =	vadd.f32 v2, v55;
	v18 =	vsub.f32 v29, v18  }
0x97: {  	v0 =	vmul.f32 v0, v15;
	v15 =	vsub.f32 v20, v13;
	v20 =	vsub.f32 v31, v17  }
0x98: {  	v3 =	vmul.f32 v6, v3;
	v12 =	vadd.f32 v12, v23;
	v22 =	vsub.f32 v27, v19  }
0x99: {  	v0 =	vadd.f32 v0, v26;
	v14 =	vsub.f32 v24, v16;
	v4 =	vmul.f32 v4, v20  }
0x9a: {  	[tilespmem:s22+$0xFFFFFFF0] =	vst v3;
	v5 =	vmul.f32 v5, v15;
	v3 =	vsub.f32 $1.000000000e+00, v12;
	v7 =	vmul.f32 v7, v22  }
0x9b: {  	v0 =	vsub.f32 $1.000000000e+00, v0;
	v14 =	vmul.f32 v18, v14;
	v4 =	vadd.f32 v4, v17  }
0x9c: {  	v5 =	vadd.f32 v5, v13;
	v7 =	vadd.f32 v7, v19  }
0x9d: {  	[tilespmem:s22+$0x10] =	vst v8;
	v8 =	vadd.f32 v14, v16;
	v0 =	vmul.f32 v0, v1;
	v1 =	vsub.f32 $1.000000000e+00, v4  }
0x9e: {  	s21 =	sadd.s32 $0x40, s21;
	[tilespmem:s22+$0x0] =	vst v10;
	v2 =	vsub.f32 $1.000000000e+00, v2;
	v6 =	vsub.f32 $1.000000000e+00, v7;
	v7 =	vmul.f32 v11, v9  }
0x9f: {  	v4 =	vsub.f32 $1.000000000e+00, v5;
	v5 =	vsub.f32 $1.000000000e+00, v8;
	[tilespmem:s21+$0x10] =	vst v0;
	v0 =	vmul.f32 v1, v3  }
0xa0: {  	[tilespmem:s22+$0xFFFFFFE0] =	vst v7;
	v2 =	vmul.f32 v6, v2  }
0xa1: {  	v1 =	vmul.f32 v4, v5;
	[tilespmem:s21+$0xFFFFFFF0] =	vst v0  }
0xa2: {  	s20 =	sshrl.u32 s20, $0x3;
	[tilespmem:s21+$0x0] =	vst v2  }
0xa3: {  	s0 =	smov.u32 s31;
	s31 =	sadd.s32 s31, s20;
	[tilespmem:s21+$0xFFFFFFE0] =	vst v1  }
0xa4: {  	[hbm4b:s31+s12] =	stream.strided.scatter [tilespmem:s7], [sflag:$0x3], $0x2000, s23, s12, $0x38;
	[tilespmem:$0x1E000] =	vst v63  }
0xa5: {  	s22 =	rddreg [dreg:$0xe]  }
0xa6: {  	[tilespmem:s9], [sflag:$0x1] =	stream.linear.gather [spmem:s22], $0x2000, $0x38;
	[tilespmem:$0x1E000] =	vst v63  }
0xa7: {  	s26 =	rddreg [dreg:$0xf]  }
0xa8: {  	[tilespmem:s1], [sflag:$0x1] =	stream.linear.gather [spmem:s26], $0x2000, $0x38;
	[tilespmem:$0x1E000] =	vst v63  }
0xa9: {  	_ =	swait.ge [sflag:s25], $0x2000  }
0xaa: {  	[sflag:s25] =	ssyncset.done $0x0  }
0xab: {  	[sflag:s25] =	ssyncadd.s32 $0xFFFFE000  }
0xac: {  	_ =	swait.ge [sflag:s25], $0x2000  }
0xad: {  	[sflag:s25] =	ssyncset.done $0x0  }
0xae: {  	s21 =	simm.s32 @!p0 $0x4;
	[sflag:s25] =	ssyncadd.s32 $0xFFFFE000  }
0xaf: {  	_ =	swait.ge @!p0 [sflag:s21], $0x2000  }
0xb0: {  	[sflag:s21] =	ssyncset.done @!p0 $0x0  }
0xb1: {  	[sflag:s21] =	ssyncadd.s32 @!p0 $0xFFFFE000;
	s21 =	simm.s32 $0x12020  }
0xb2: {  	s31 =	simm.s32 $0x16020;
	v3 =	vld [tilespmem:s21+$0x10]  }
0xb3: {  	v5 =	vld [tilespmem:s31+$0x10];
	_ =	sdelay $0x1  }
0xb4: {  	v4 =	vld [tilespmem:s21+$0x0]  }
0xb5: {  	v6 =	vld [tilespmem:s21+$0xFFFFFFF0]  }
0xb6: {  	v7 =	vld [tilespmem:s31+$0x0];
	v0 =	vtrunc.f32 v3  }
0xb7: {  	v9 =	vld [tilespmem:s31+$0xFFFFFFE0];
	v1 =	vtrunc.f32 v5;
	v8 =	vcvt.f32.s32 v0  }
0xb8: {  	s26 =	simm.s32 $0x12060;
	v10 =	vld [tilespmem:s31+$0xFFFFFFF0];
	v13 =	vcvt.f32.s32 v1  }
0xb9: {  	v2 =	vld [tilespmem:s26+$0x0];
	v0 =	vtrunc.f32 v4  }
0xba: {  	v17 =	vld [tilespmem:s21+$0xFFFFFFE0];
	v11 =	vcvt.f32.s32 v0;
	v12 =	vadd.s32 $0x1, v8  }
0xbb: {  	s28 =	simm.s32 $0x16060;
	v1 =	vld [tilespmem:s26+$0x10];
	v0 =	vtrunc.f32 v6  }
0xbc: {  	v14 =	vcvt.f32.s32 v0;
	v0 =	vld [tilespmem:s28+$0x10];
	v21 =	vadd.s32 $0x1, v13  }
0xbd: {  	v24 =	vtrunc.f32 v7;
	v15 =	vadd.s32 $0x1, v11;
	v16 =	vld.idx.msk [tilespmem:v8+s6+$0x0], $0xffff  }
0xbe: {  	v20 =	vtrunc.f32 v10;
	v24 =	vcvt.f32.s32 v24;
	v27 =	vld.idx.msk [tilespmem:v13+s6+$0x0], $0xffff  }
0xbf: {  	v20 =	vcvt.f32.s32 v20;
	v12 =	vld.idx.msk [tilespmem:v12+s6+$0x0], $0xffff  }
0xc0: {  	v19 =	vtrunc.f32 v9;
	v18 =	vadd.s32 $0x1, v14;
	v22 =	vcvt.s32.f32 v14;
	v23 =	vld.idx.msk [tilespmem:v11+s6+$0x0], $0xffff  }
0xc1: {  	v19 =	vcvt.f32.s32 v19;
	v61 =	vadd.s32 $0x1, v20;
	v21 =	vld.idx.msk [tilespmem:v21+s6+$0x0], $0xffff  }
0xc2: {  	v22 =	vsub.f32 v6, v22;
	v6 =	vcvt.s32.f32 v8;
	v11 =	vcvt.s32.f32 v11;
	v25 =	vld.idx.msk [tilespmem:v15+s6+$0x0], $0xffff  }
0xc3: {  	v62 =	vadd.s32 $0x1, v24;
	v8 =	vadd.s32 $0x1, v19;
	v60 =	vld.idx.msk [tilespmem:v14+s6+$0x0], $0xffff  }
0xc4: {  	v3 =	vsub.f32 v3, v6;
	v6 =	vtrunc.f32 v17;
	v14 =	vld.idx.msk [tilespmem:v24+s6+$0x0], $0xffff;
	v4 =	vsub.f32 v4, v11  }
0xc5: {  	v18 =	vld.idx.msk [tilespmem:v18+s6+$0x0], $0xffff;
	v63 =	vcvt.f32.s32 v6;
	v11 =	vsub.f32 v12, v16;
	v12 =	vcvt.s32.f32 v24  }
0xc6: {  	v6 =	vld.idx.msk [tilespmem:v20+s6+$0x0], $0xffff  }
0xc7: {  	v24 =	vld.idx.msk [tilespmem:v61+s6+$0x0], $0xffff;
	v3 =	vmul.f32 v3, v11;
	v15 =	vsub.f32 v7, v12;
	v7 =	vcvt.s32.f32 v13  }
0xc8: {  	v26 =	vcvt.s32.f32 v19;
	v11 =	vld.idx.msk [tilespmem:v19+s6+$0x0], $0xffff;
	v12 =	vsub.f32 v25, v23;
	v19 =	vcvt.s32.f32 v20  }
0xc9: {  	v20 =	vld.idx.msk [tilespmem:v8+s6+$0x0], $0xffff;
	v25 =	vadd.s32 $0x1, v63;
	v3 =	vadd.f32 v3, v16;
	v5 =	vsub.f32 v5, v7  }
0xca: {  	v7 =	vsub.f32 v18, v60;
	v4 =	vmul.f32 v4, v12;
	v16 =	vsub.f32 v9, v26;
	v26 =	vld.idx.msk [tilespmem:v62+s6+$0x0], $0xffff  }
0xcb: {  	v12 =	vcvt.s32.f32 v63;
	v18 =	vsub.f32 v21, v27;
	v21 =	vsub.f32 v10, v19;
	v9 =	vld.idx.msk [tilespmem:v63+s6+$0x0], $0xffff  }
0xcc: {  	v8 =	vsub.f32 $1.000000000e+00, v3;
	v3 =	vmul.f32 v22, v7;
	v4 =	vadd.f32 v4, v23;
	v7 =	vld [tilespmem:s28+$0x0]  }
0xcd: {  	v13 =	vsub.f32 v17, v12;
	v22 =	vmul.f32 v5, v18;
	v18 =	vld [tilespmem:s26+$0xFFFFFFF0];
	v17 =	vtrunc.f32 v1  }
0xce: {  	v24 =	vsub.f32 v24, v6;
	v23 =	vld.idx.msk [tilespmem:v25+s6+$0x0], $0xffff;
	v20 =	vsub.f32 v20, v11;
	v17 =	vcvt.f32.s32 v17  }
0xcf: {  	v3 =	vadd.f32 v3, v60;
	v10 =	vsub.f32 $1.000000000e+00, v4;
	v4 =	vtrunc.f32 v0  }
0xd0: {  	s29 =	simm.s32 $0x40;
	v5 =	vld [tilespmem:s28+$0xFFFFFFE0];
	v22 =	vadd.f32 v22, v27;
	v12 =	vcvt.f32.s32 v4;
	v25 =	vsub.f32 v26, v14  }
0xd1: {  	s30 =	simm.s32 $0x12060;
	s22 =	simm.s32 $0x1A020;
	s21 =	simm.s32 $0x1A020;
	v4 =	vld [tilespmem:s28+$0xFFFFFFF0];
	v26 =	vtrunc.f32 v2;
	v3 =	vsub.f32 $1.000000000e+00, v3;
	v19 =	vtrunc.f32 v7  }
.LBB2_5:
0xd2: {  	s29 =	sadd.s32 $0x40, s29;
	v26 =	vcvt.f32.s32 v26;
	v27 =	vadd.s32 $0x1, v17;
	s26 =	sadd.s32 $0x40, s26;
	v15 =	vmul.f32 v15, v25;
	s21 =	sadd.s32 $0x40, s21  }
0xd3: {  	v29 =	vadd.s32 $0x1, v12;
	v23 =	vsub.f32 v23, v9;
	v25 =	vld [tilespmem:s26+$0x0];
	p0 =	slt.u32 s29, $0x1FC0;
	v28 =	vtrunc.f32 v18  }
0xd4: {  	v21 =	vmul.f32 v21, v24;
	v30 =	vld [tilespmem:s30+$0xFFFFFFE0];
	v28 =	vcvt.f32.s32 v28;
	v31 =	vadd.s32 $0x1, v26;
	s30 =	smov.u32 s26  }
0xd5: {  	v32 =	vtrunc.f32 v5;
	v14 =	vadd.f32 v15, v14;
	v15 =	vsub.f32 $1.000000000e+00, v22;
	v24 =	vld [tilespmem:s26+$0x10]  }
0xd6: {  	s28 =	sadd.s32 $0x40, s28;
	v16 =	vmul.f32 v16, v20;
	v22 =	vcvt.s32.f32 v28;
	v33 =	vadd.s32 $0x1, v28;
	v34 =	vld.idx.msk [tilespmem:v17+s6+$0x0], $0xffff  }
0xd7: {  	v35 =	vtrunc.f32 v4;
	v14 =	vsub.f32 $1.000000000e+00, v14;
	v8 =	vmul.f32 v15, v8;
	v20 =	vld [tilespmem:s28+$0x10]  }
0xd8: {  	v11 =	vadd.f32 v16, v11;
	v32 =	vcvt.f32.s32 v32;
	v18 =	vsub.f32 v18, v22;
	v15 =	vld.idx.msk [tilespmem:v27+s6+$0x0], $0xffff  }
0xd9: {  	v21 =	vadd.f32 v21, v6;
	v16 =	vcvt.f32.s32 v35;
	v22 =	vcvt.s32.f32 v26;
	v26 =	vld.idx.msk [tilespmem:v26+s6+$0x0], $0xffff;
	[tilespmem:s22+$0x10] =	vst v8  }
0xda: {  	v19 =	vcvt.f32.s32 v19;
	v6 =	vmul.f32 v14, v10;
	v8 =	vadd.s32 $0x1, v32;
	v27 =	vld.idx.msk [tilespmem:v12+s6+$0x0], $0xffff  }
0xdb: {  	v17 =	vcvt.s32.f32 v17;
	v10 =	vsub.f32 v2, v22;
	v22 =	vsub.f32 $1.000000000e+00, v11;
	v2 =	vmovc v25;
	v14 =	vld.idx.msk [tilespmem:v31+s6+$0x0], $0xffff  }
0xdc: {  	v25 =	vcvt.s32.f32 v32;
	v11 =	vmul.f32 v13, v23;
	v31 =	vld.idx.msk [tilespmem:v33+s6+$0x0], $0xffff;
	v33 =	vadd.s32 $0x1, v19;
	[tilespmem:s22+$0x0] =	vst v6  }
0xdd: {  	v17 =	vsub.f32 v1, v17;
	v13 =	vcvt.s32.f32 v19;
	v1 =	vmovc v24;
	v6 =	vtrunc.f32 v30;
	v28 =	vld.idx.msk [tilespmem:v28+s6+$0x0], $0xffff  }
0xde: {  	v24 =	vadd.s32 $0x1, v16;
	v23 =	vcvt.f32.s32 v6;
	v35 =	vsub.f32 v15, v34;
	v29 =	vld.idx.msk [tilespmem:v29+s6+$0x0], $0xffff  }
0xdf: {  	v9 =	vadd.f32 v11, v9;
	v15 =	vsub.f32 v7, v13;
	v7 =	vcvt.s32.f32 v12;
	v6 =	vld.idx.msk [tilespmem:v16+s6+$0x0], $0xffff  }
0xe0: {  	v12 =	vcvt.s32.f32 v16;
	v13 =	vmul.f32 v17, v35;
	v16 =	vsub.f32 $1.000000000e+00, v21;
	v11 =	vld.idx.msk [tilespmem:v32+s6+$0x0], $0xffff  }
0xe1: {  	v9 =	vsub.f32 $1.000000000e+00, v9;
	v17 =	vcvt.s32.f32 v23;
	v32 =	vld.idx.msk [tilespmem:v8+s6+$0x0], $0xffff;
	v8 =	vsub.f32 v14, v26  }
0xe2: {  	v35 =	vadd.s32 $0x1, v23;
	v13 =	vadd.f32 v13, v34;
	v14 =	vld.idx.msk [tilespmem:v19+s6+$0x0], $0xffff;
	v19 =	vsub.f32 v0, v7;
	v0 =	vmovc v20  }
0xe3: {  	v3 =	vmul.f32 v16, v3;
	v20 =	vsub.f32 v31, v28;
	v24 =	vld.idx.msk [tilespmem:v24+s6+$0x0], $0xffff;
	v10 =	vmul.f32 v10, v8  }
0xe4: {  	v16 =	vsub.f32 v5, v25;
	v5 =	vmul.f32 v22, v9;
	v8 =	vsub.f32 $1.000000000e+00, v13;
	v25 =	vld.idx.msk [tilespmem:v33+s6+$0x0], $0xffff  }
0xe5: {  	v18 =	vmul.f32 v18, v20;
	v20 =	vsub.f32 v29, v27;
	v7 =	vld [tilespmem:s28+$0x0];
	v10 =	vadd.f32 v10, v26;
	[tilespmem:s22+$0xFFFFFFF0] =	vst v3  }
0xe6: {  	v21 =	vsub.f32 v4, v12;
	v13 =	vsub.f32 v30, v17;
	v9 =	vld.idx.msk [tilespmem:v23+s6+$0x0], $0xffff;
	[tilespmem:s22+$0xFFFFFFE0] =	vst v5;
	s22 =	smov.u32 s21  }
.Ltmp1:
0xe7: {  	v3 =	vadd.f32 v18, v28;
	v22 =	vmul.f32 v19, v20;
	v23 =	vld.idx.msk [tilespmem:v35+s6+$0x0], $0xffff;
	v10 =	vsub.f32 $1.000000000e+00, v10;
	(pc) =	sbr.rel @p0 .LBB2_5-.Ltmp1, $4  }
0xe8: {  	v4 =	vtrunc.f32 v0;
	v20 =	vsub.f32 v32, v11;
	v18 =	vld [tilespmem:s26+$0xFFFFFFF0]  }
0xe9: {  	v17 =	vtrunc.f32 v1;
	v12 =	vcvt.f32.s32 v4;
	v3 =	vsub.f32 $1.000000000e+00, v3;
	v5 =	vld [tilespmem:s28+$0xFFFFFFE0]  }
0xea: {  	v17 =	vcvt.f32.s32 v17;
	v24 =	vsub.f32 v24, v6;
	v25 =	vsub.f32 v25, v14  }
0xeb: {  	v26 =	vtrunc.f32 v2;
	v22 =	vadd.f32 v22, v27;
	v19 =	vtrunc.f32 v7;
	v4 =	vld [tilespmem:s28+$0xFFFFFFF0]  }
0xec: {  	v27 =	vadd.s32 $0x1, v17  }
0xed: {  	v26 =	vcvt.f32.s32 v26;
	v15 =	vmul.f32 v15, v25;
	v25 =	vadd.s32 $0x1, v12;
	_ =	sdelay $0x1  }
0xee: {  	v29 =	vld [tilespmem:s30+$0xFFFFFFE0];
	v21 =	vmul.f32 v21, v24;
	v23 =	vsub.f32 v23, v9;
	v28 =	vtrunc.f32 v18  }
0xef: {  	v32 =	vld.idx.msk [tilespmem:v17+s6+$0x0], $0xffff;
	v16 =	vmul.f32 v16, v20;
	v28 =	vcvt.f32.s32 v28;
	v30 =	vadd.s32 $0x1, v26  }
0xf0: {  	v17 =	vcvt.s32.f32 v17;
	v24 =	vtrunc.f32 v5;
	v14 =	vadd.f32 v15, v14;
	v27 =	vld.idx.msk [tilespmem:v27+s6+$0x0], $0xffff  }
0xf1: {  	v24 =	vcvt.f32.s32 v24;
	v31 =	vadd.s32 $0x1, v28;
	v15 =	vcvt.s32.f32 v28;
	v25 =	vld.idx.msk [tilespmem:v25+s6+$0x0], $0xffff  }
0xf2: {  	v19 =	vcvt.f32.s32 v19;
	v6 =	vadd.f32 v21, v6;
	v33 =	vtrunc.f32 v4;
	v55 =	vld.idx.msk [tilespmem:v26+s6+$0x0], $0xffff  }
0xf3: {  	v21 =	vadd.s32 $0x1, v24;
	v15 =	vsub.f32 v18, v15;
	v18 =	vcvt.s32.f32 v26;
	v26 =	vld.idx.msk [tilespmem:v12+s6+$0x0], $0xffff  }
0xf4: {  	v11 =	vadd.f32 v16, v11;
	v13 =	vmul.f32 v13, v23;
	v20 =	vcvt.f32.s32 v33;
	v16 =	vld.idx.msk [tilespmem:v30+s6+$0x0], $0xffff  }
0xf5: {  	v22 =	vsub.f32 $1.000000000e+00, v22;
	v57 =	vcvt.s32.f32 v19;
	v56 =	vtrunc.f32 v29;
	v23 =	vld.idx.msk [tilespmem:v28+s6+$0x0], $0xffff  }
0xf6: {  	v58 =	vadd.s32 $0x1, v20;
	v2 =	vsub.f32 v2, v18;
	v28 =	vcvt.f32.s32 v56;
	v18 =	vld.idx.msk [tilespmem:v31+s6+$0x0], $0xffff  }
0xf7: {  	v1 =	vsub.f32 v1, v17;
	v9 =	vadd.f32 v13, v9;
	v13 =	vld.idx.msk [tilespmem:v24+s6+$0x0], $0xffff  }
0xf8: {  	v7 =	vsub.f32 v7, v57;
	v17 =	vsub.f32 v27, v32;
	v27 =	vadd.s32 $0x1, v19;
	v21 =	vld.idx.msk [tilespmem:v21+s6+$0x0], $0xffff  }
0xf9: {  	v14 =	vsub.f32 $1.000000000e+00, v14;
	v11 =	vsub.f32 $1.000000000e+00, v11;
	v59 =	vadd.s32 $0x1, v28;
	v19 =	vld.idx.msk [tilespmem:v19+s6+$0x0], $0xffff  }
0xfa: {  	v12 =	vcvt.s32.f32 v12;
	v1 =	vmul.f32 v1, v17;
	v17 =	vld.idx.msk [tilespmem:v20+s6+$0x0], $0xffff;
	v16 =	vsub.f32 v16, v55  }
0xfb: {  	v6 =	vsub.f32 $1.000000000e+00, v6;
	v9 =	vsub.f32 $1.000000000e+00, v9;
	v24 =	vcvt.s32.f32 v24;
	v31 =	vld.idx.msk [tilespmem:v58+s6+$0x0], $0xffff  }
0xfc: {  	v0 =	vsub.f32 v0, v12;
	v20 =	vcvt.s32.f32 v20;
	v2 =	vmul.f32 v2, v16;
	v16 =	vld.idx.msk [tilespmem:v28+s6+$0x0], $0xffff  }
0xfd: {  	v8 =	vmul.f32 v22, v8;
	v1 =	vadd.f32 v1, v32;
	v12 =	vsub.f32 v18, v23;
	v27 =	vld.idx.msk [tilespmem:v27+s6+$0x0], $0xffff  }
0xfe: {  	v5 =	vsub.f32 v5, v24;
	v18 =	vcvt.s32.f32 v28;
	v4 =	vsub.f32 v4, v20;
	v24 =	vld.idx.msk [tilespmem:v59+s6+$0x0], $0xffff  }
0xff: {  	v1 =	vsub.f32 $1.000000000e+00, v1;
	v12 =	vmul.f32 v15, v12;
	v15 =	vsub.f32 v25, v26  }
0x100: {  	v10 =	vmul.f32 v14, v10;
	v2 =	vadd.f32 v2, v55;
	v18 =	vsub.f32 v29, v18  }
0x101: {  	v20 =	vsub.f32 v31, v17;
	v12 =	vadd.f32 v12, v23;
	v0 =	vmul.f32 v0, v15  }
0x102: {  	v3 =	vmul.f32 v6, v3;
	v15 =	vsub.f32 v21, v13;
	v22 =	vsub.f32 v27, v19  }
0x103: {  	v4 =	vmul.f32 v4, v20;
	v0 =	vadd.f32 v0, v26;
	v14 =	vsub.f32 v24, v16  }
0x104: {  	[tilespmem:s22+$0xFFFFFFF0] =	vst v3;
	v5 =	vmul.f32 v5, v15;
	v3 =	vsub.f32 $1.000000000e+00, v12;
	v7 =	vmul.f32 v7, v22  }
0x105: {  	v4 =	vadd.f32 v4, v17;
	v0 =	vsub.f32 $1.000000000e+00, v0;
	v14 =	vmul.f32 v18, v14  }
0x106: {  	v5 =	vadd.f32 v5, v13;
	v7 =	vadd.f32 v7, v19  }
0x107: {  	[tilespmem:s22+$0x10] =	vst v8;
	v8 =	vadd.f32 v14, v16;
	v0 =	vmul.f32 v0, v1;
	v1 =	vsub.f32 $1.000000000e+00, v4  }
0x108: {  	s21 =	sadd.s32 $0x40, s21;
	[tilespmem:s22+$0x0] =	vst v10;
	v2 =	vsub.f32 $1.000000000e+00, v2;
	v6 =	vsub.f32 $1.000000000e+00, v7;
	v7 =	vmul.f32 v11, v9  }
0x109: {  	v4 =	vsub.f32 $1.000000000e+00, v5;
	v5 =	vsub.f32 $1.000000000e+00, v8;
	[tilespmem:s21+$0x10] =	vst v0;
	v0 =	vmul.f32 v1, v3  }
0x10a: {  	[tilespmem:s22+$0xFFFFFFE0] =	vst v7;
	v2 =	vmul.f32 v6, v2  }
0x10b: {  	v1 =	vmul.f32 v4, v5;
	[tilespmem:s21+$0xFFFFFFF0] =	vst v0  }
0x10c: {  	[tilespmem:s21+$0x0] =	vst v2  }
0x10d: {  	[tilespmem:s21+$0xFFFFFFE0] =	vst v1  }
0x10e: {  	s21 =	rddreg [dreg:$0x10]  }
0x10f: {  	s21 =	sadd.s32 s20, s21  }
0x110: {  	[hbm4b:s21+s12] =	stream.strided.scatter [tilespmem:s13], [sflag:$0x4], $0x2000, s23, s12, $0x38;
	[tilespmem:$0x1E000] =	vst v63  }
0x111: {  	s26 =	rddreg [dreg:$0x11]  }
0x112: {  	[tilespmem:s4], [sflag:$0x2] =	stream.linear.gather [spmem:s26], $0x2000, $0x38;
	[tilespmem:$0x1E000] =	vst v63  }
0x113: {  	s22 =	rddreg [dreg:$0x12]  }
0x114: {  	[tilespmem:s2], [sflag:$0x2] =	stream.linear.gather [spmem:s22], $0x2000, $0x38;
	[tilespmem:$0x1E000] =	vst v63  }
0x115: {  	_ =	swait.ge [sflag:s24], $0x2000  }
0x116: {  	[sflag:s24] =	ssyncset.done $0x0  }
0x117: {  	[sflag:s24] =	ssyncadd.s32 $0xFFFFE000  }
0x118: {  	_ =	swait.ge [sflag:s24], $0x2000  }
0x119: {  	[sflag:s24] =	ssyncset.done $0x0  }
0x11a: {  	[sflag:s24] =	ssyncadd.s32 $0xFFFFE000  }
0x11b: {  	_ =	swait.ge [sflag:s14], $0x2000  }
0x11c: {  	[sflag:s14] =	ssyncset.done $0x0  }
0x11d: {  	s21 =	simm.s32 $0x10020;
	[sflag:s14] =	ssyncadd.s32 $0xFFFFE000  }
0x11e: {  	s26 =	simm.s32 $0x14020;
	v3 =	vld [tilespmem:s21+$0x10]  }
0x11f: {  	v5 =	vld [tilespmem:s26+$0x10];
	_ =	sdelay $0x1  }
0x120: {  	v4 =	vld [tilespmem:s21+$0x0]  }
0x121: {  	v6 =	vld [tilespmem:s21+$0xFFFFFFF0]  }
0x122: {  	v7 =	vld [tilespmem:s26+$0x0];
	v0 =	vtrunc.f32 v3  }
0x123: {  	v9 =	vld [tilespmem:s26+$0xFFFFFFE0];
	v1 =	vtrunc.f32 v5;
	v8 =	vcvt.f32.s32 v0  }
0x124: {  	s28 =	simm.s32 $0x10060;
	v10 =	vld [tilespmem:s26+$0xFFFFFFF0];
	v13 =	vcvt.f32.s32 v1  }
0x125: {  	v2 =	vld [tilespmem:s28+$0x0];
	v0 =	vtrunc.f32 v4  }
0x126: {  	v17 =	vld [tilespmem:s21+$0xFFFFFFE0];
	v11 =	vcvt.f32.s32 v0;
	v12 =	vadd.s32 $0x1, v8  }
0x127: {  	s29 =	simm.s32 $0x14060;
	v1 =	vld [tilespmem:s28+$0x10];
	v0 =	vtrunc.f32 v6  }
0x128: {  	v14 =	vcvt.f32.s32 v0;
	v0 =	vld [tilespmem:s29+$0x10];
	v21 =	vadd.s32 $0x1, v13  }
0x129: {  	v24 =	vtrunc.f32 v7;
	v15 =	vadd.s32 $0x1, v11;
	v16 =	vld.idx.msk [tilespmem:v8+s6+$0x0], $0xffff  }
0x12a: {  	v20 =	vtrunc.f32 v10;
	v24 =	vcvt.f32.s32 v24;
	v27 =	vld.idx.msk [tilespmem:v13+s6+$0x0], $0xffff  }
0x12b: {  	v20 =	vcvt.f32.s32 v20;
	v12 =	vld.idx.msk [tilespmem:v12+s6+$0x0], $0xffff  }
0x12c: {  	v19 =	vtrunc.f32 v9;
	v18 =	vadd.s32 $0x1, v14;
	v22 =	vcvt.s32.f32 v14;
	v23 =	vld.idx.msk [tilespmem:v11+s6+$0x0], $0xffff  }
0x12d: {  	v19 =	vcvt.f32.s32 v19;
	v61 =	vadd.s32 $0x1, v20;
	v21 =	vld.idx.msk [tilespmem:v21+s6+$0x0], $0xffff  }
0x12e: {  	v22 =	vsub.f32 v6, v22;
	v6 =	vcvt.s32.f32 v8;
	v11 =	vcvt.s32.f32 v11;
	v25 =	vld.idx.msk [tilespmem:v15+s6+$0x0], $0xffff  }
0x12f: {  	v62 =	vadd.s32 $0x1, v24;
	v8 =	vadd.s32 $0x1, v19;
	v60 =	vld.idx.msk [tilespmem:v14+s6+$0x0], $0xffff  }
0x130: {  	v3 =	vsub.f32 v3, v6;
	v6 =	vtrunc.f32 v17;
	v14 =	vld.idx.msk [tilespmem:v24+s6+$0x0], $0xffff;
	v4 =	vsub.f32 v4, v11  }
0x131: {  	v18 =	vld.idx.msk [tilespmem:v18+s6+$0x0], $0xffff;
	v63 =	vcvt.f32.s32 v6;
	v11 =	vsub.f32 v12, v16;
	v12 =	vcvt.s32.f32 v24  }
0x132: {  	v6 =	vld.idx.msk [tilespmem:v20+s6+$0x0], $0xffff  }
0x133: {  	v24 =	vld.idx.msk [tilespmem:v61+s6+$0x0], $0xffff;
	v3 =	vmul.f32 v3, v11;
	v15 =	vsub.f32 v7, v12;
	v7 =	vcvt.s32.f32 v13  }
0x134: {  	v26 =	vcvt.s32.f32 v19;
	v11 =	vld.idx.msk [tilespmem:v19+s6+$0x0], $0xffff;
	v12 =	vsub.f32 v25, v23;
	v19 =	vcvt.s32.f32 v20  }
0x135: {  	v20 =	vld.idx.msk [tilespmem:v8+s6+$0x0], $0xffff;
	v25 =	vadd.s32 $0x1, v63;
	v3 =	vadd.f32 v3, v16;
	v5 =	vsub.f32 v5, v7  }
0x136: {  	v7 =	vsub.f32 v18, v60;
	v4 =	vmul.f32 v4, v12;
	v16 =	vsub.f32 v9, v26;
	v26 =	vld.idx.msk [tilespmem:v62+s6+$0x0], $0xffff  }
0x137: {  	v12 =	vcvt.s32.f32 v63;
	v18 =	vsub.f32 v21, v27;
	v21 =	vsub.f32 v10, v19;
	v9 =	vld.idx.msk [tilespmem:v63+s6+$0x0], $0xffff  }
0x138: {  	v8 =	vsub.f32 $1.000000000e+00, v3;
	v3 =	vmul.f32 v22, v7;
	v4 =	vadd.f32 v4, v23;
	v7 =	vld [tilespmem:s29+$0x0]  }
0x139: {  	v13 =	vsub.f32 v17, v12;
	v22 =	vmul.f32 v5, v18;
	v18 =	vld [tilespmem:s28+$0xFFFFFFF0];
	v17 =	vtrunc.f32 v1  }
0x13a: {  	v24 =	vsub.f32 v24, v6;
	v23 =	vld.idx.msk [tilespmem:v25+s6+$0x0], $0xffff;
	v20 =	vsub.f32 v20, v11;
	v17 =	vcvt.f32.s32 v17  }
0x13b: {  	v3 =	vadd.f32 v3, v60;
	v10 =	vsub.f32 $1.000000000e+00, v4;
	v4 =	vtrunc.f32 v0  }
0x13c: {  	s30 =	simm.s32 $0x40;
	s31 =	simm.s32 $0x10060;
	s26 =	rddreg [dreg:$0x13];
	v5 =	vld [tilespmem:s29+$0xFFFFFFE0];
	v22 =	vadd.f32 v22, v27;
	v12 =	vcvt.f32.s32 v4;
	v25 =	vsub.f32 v26, v14  }
0x13d: {  	s22 =	simm.s32 $0x18020;
	s21 =	sadd.s32 s20, s26;
	s26 =	simm.s32 $0x18020;
	v4 =	vld [tilespmem:s29+$0xFFFFFFF0];
	v26 =	vtrunc.f32 v2;
	v3 =	vsub.f32 $1.000000000e+00, v3;
	v19 =	vtrunc.f32 v7  }
.LBB2_7:
0x13e: {  	s30 =	sadd.s32 $0x40, s30;
	v26 =	vcvt.f32.s32 v26;
	v27 =	vadd.s32 $0x1, v17;
	s28 =	sadd.s32 $0x40, s28;
	v15 =	vmul.f32 v15, v25;
	s22 =	sadd.s32 $0x40, s22  }
0x13f: {  	v29 =	vadd.s32 $0x1, v12;
	v23 =	vsub.f32 v23, v9;
	v25 =	vld [tilespmem:s28+$0x0];
	p0 =	slt.u32 s30, $0x1FC0;
	v28 =	vtrunc.f32 v18  }
0x140: {  	v21 =	vmul.f32 v21, v24;
	v30 =	vld [tilespmem:s31+$0xFFFFFFE0];
	v28 =	vcvt.f32.s32 v28;
	v31 =	vadd.s32 $0x1, v26;
	s31 =	smov.u32 s28  }
0x141: {  	v32 =	vtrunc.f32 v5;
	v14 =	vadd.f32 v15, v14;
	v15 =	vsub.f32 $1.000000000e+00, v22;
	v24 =	vld [tilespmem:s28+$0x10]  }
0x142: {  	s29 =	sadd.s32 $0x40, s29;
	v16 =	vmul.f32 v16, v20;
	v22 =	vcvt.s32.f32 v28;
	v33 =	vadd.s32 $0x1, v28;
	v34 =	vld.idx.msk [tilespmem:v17+s6+$0x0], $0xffff  }
0x143: {  	v35 =	vtrunc.f32 v4;
	v14 =	vsub.f32 $1.000000000e+00, v14;
	v8 =	vmul.f32 v15, v8;
	v20 =	vld [tilespmem:s29+$0x10]  }
0x144: {  	v11 =	vadd.f32 v16, v11;
	v32 =	vcvt.f32.s32 v32;
	v18 =	vsub.f32 v18, v22;
	v15 =	vld.idx.msk [tilespmem:v27+s6+$0x0], $0xffff  }
0x145: {  	v21 =	vadd.f32 v21, v6;
	v16 =	vcvt.f32.s32 v35;
	v22 =	vcvt.s32.f32 v26;
	v26 =	vld.idx.msk [tilespmem:v26+s6+$0x0], $0xffff;
	[tilespmem:s26+$0x10] =	vst v8  }
0x146: {  	v19 =	vcvt.f32.s32 v19;
	v6 =	vmul.f32 v14, v10;
	v8 =	vadd.s32 $0x1, v32;
	v27 =	vld.idx.msk [tilespmem:v12+s6+$0x0], $0xffff  }
0x147: {  	v17 =	vcvt.s32.f32 v17;
	v10 =	vsub.f32 v2, v22;
	v22 =	vsub.f32 $1.000000000e+00, v11;
	v2 =	vmovc v25;
	v14 =	vld.idx.msk [tilespmem:v31+s6+$0x0], $0xffff  }
0x148: {  	v25 =	vcvt.s32.f32 v32;
	v11 =	vmul.f32 v13, v23;
	v31 =	vld.idx.msk [tilespmem:v33+s6+$0x0], $0xffff;
	v33 =	vadd.s32 $0x1, v19;
	[tilespmem:s26+$0x0] =	vst v6  }
0x149: {  	v17 =	vsub.f32 v1, v17;
	v13 =	vcvt.s32.f32 v19;
	v1 =	vmovc v24;
	v6 =	vtrunc.f32 v30;
	v28 =	vld.idx.msk [tilespmem:v28+s6+$0x0], $0xffff  }
0x14a: {  	v24 =	vadd.s32 $0x1, v16;
	v23 =	vcvt.f32.s32 v6;
	v35 =	vsub.f32 v15, v34;
	v29 =	vld.idx.msk [tilespmem:v29+s6+$0x0], $0xffff  }
0x14b: {  	v9 =	vadd.f32 v11, v9;
	v15 =	vsub.f32 v7, v13;
	v7 =	vcvt.s32.f32 v12;
	v6 =	vld.idx.msk [tilespmem:v16+s6+$0x0], $0xffff  }
0x14c: {  	v12 =	vcvt.s32.f32 v16;
	v13 =	vmul.f32 v17, v35;
	v16 =	vsub.f32 $1.000000000e+00, v21;
	v11 =	vld.idx.msk [tilespmem:v32+s6+$0x0], $0xffff  }
0x14d: {  	v9 =	vsub.f32 $1.000000000e+00, v9;
	v17 =	vcvt.s32.f32 v23;
	v32 =	vld.idx.msk [tilespmem:v8+s6+$0x0], $0xffff;
	v8 =	vsub.f32 v14, v26  }
0x14e: {  	v35 =	vadd.s32 $0x1, v23;
	v13 =	vadd.f32 v13, v34;
	v14 =	vld.idx.msk [tilespmem:v19+s6+$0x0], $0xffff;
	v19 =	vsub.f32 v0, v7;
	v0 =	vmovc v20  }
0x14f: {  	v3 =	vmul.f32 v16, v3;
	v20 =	vsub.f32 v31, v28;
	v24 =	vld.idx.msk [tilespmem:v24+s6+$0x0], $0xffff;
	v10 =	vmul.f32 v10, v8  }
0x150: {  	v16 =	vsub.f32 v5, v25;
	v5 =	vmul.f32 v22, v9;
	v8 =	vsub.f32 $1.000000000e+00, v13;
	v25 =	vld.idx.msk [tilespmem:v33+s6+$0x0], $0xffff  }
0x151: {  	v18 =	vmul.f32 v18, v20;
	v20 =	vsub.f32 v29, v27;
	v7 =	vld [tilespmem:s29+$0x0];
	v10 =	vadd.f32 v10, v26;
	[tilespmem:s26+$0xFFFFFFF0] =	vst v3  }
0x152: {  	v21 =	vsub.f32 v4, v12;
	v13 =	vsub.f32 v30, v17;
	v9 =	vld.idx.msk [tilespmem:v23+s6+$0x0], $0xffff;
	[tilespmem:s26+$0xFFFFFFE0] =	vst v5;
	s26 =	smov.u32 s22  }
.Ltmp2:
0x153: {  	v3 =	vadd.f32 v18, v28;
	v22 =	vmul.f32 v19, v20;
	v23 =	vld.idx.msk [tilespmem:v35+s6+$0x0], $0xffff;
	v10 =	vsub.f32 $1.000000000e+00, v10;
	(pc) =	sbr.rel @p0 .LBB2_7-.Ltmp2, $4  }
0x154: {  	v4 =	vtrunc.f32 v0;
	v20 =	vsub.f32 v32, v11;
	v18 =	vld [tilespmem:s28+$0xFFFFFFF0]  }
0x155: {  	v17 =	vtrunc.f32 v1;
	v12 =	vcvt.f32.s32 v4;
	v3 =	vsub.f32 $1.000000000e+00, v3;
	v5 =	vld [tilespmem:s29+$0xFFFFFFE0]  }
0x156: {  	v17 =	vcvt.f32.s32 v17;
	v24 =	vsub.f32 v24, v6;
	v25 =	vsub.f32 v25, v14  }
0x157: {  	v26 =	vtrunc.f32 v2;
	v22 =	vadd.f32 v22, v27;
	v19 =	vtrunc.f32 v7;
	v4 =	vld [tilespmem:s29+$0xFFFFFFF0]  }
0x158: {  	v27 =	vadd.s32 $0x1, v17  }
0x159: {  	v26 =	vcvt.f32.s32 v26;
	v15 =	vmul.f32 v15, v25;
	v25 =	vadd.s32 $0x1, v12;
	_ =	sdelay $0x1  }
0x15a: {  	v29 =	vld [tilespmem:s31+$0xFFFFFFE0];
	v21 =	vmul.f32 v21, v24;
	v23 =	vsub.f32 v23, v9;
	v28 =	vtrunc.f32 v18  }
0x15b: {  	v32 =	vld.idx.msk [tilespmem:v17+s6+$0x0], $0xffff;
	v16 =	vmul.f32 v16, v20;
	v28 =	vcvt.f32.s32 v28;
	v30 =	vadd.s32 $0x1, v26  }
0x15c: {  	v17 =	vcvt.s32.f32 v17;
	v24 =	vtrunc.f32 v5;
	v14 =	vadd.f32 v15, v14;
	v27 =	vld.idx.msk [tilespmem:v27+s6+$0x0], $0xffff  }
0x15d: {  	v24 =	vcvt.f32.s32 v24;
	v31 =	vadd.s32 $0x1, v28;
	v15 =	vcvt.s32.f32 v28;
	v25 =	vld.idx.msk [tilespmem:v25+s6+$0x0], $0xffff  }
0x15e: {  	v19 =	vcvt.f32.s32 v19;
	v6 =	vadd.f32 v21, v6;
	v33 =	vtrunc.f32 v4;
	v55 =	vld.idx.msk [tilespmem:v26+s6+$0x0], $0xffff  }
0x15f: {  	v21 =	vadd.s32 $0x1, v24;
	v15 =	vsub.f32 v18, v15;
	v18 =	vcvt.s32.f32 v26;
	v26 =	vld.idx.msk [tilespmem:v12+s6+$0x0], $0xffff  }
0x160: {  	v11 =	vadd.f32 v16, v11;
	v13 =	vmul.f32 v13, v23;
	v20 =	vcvt.f32.s32 v33;
	v16 =	vld.idx.msk [tilespmem:v30+s6+$0x0], $0xffff  }
0x161: {  	v22 =	vsub.f32 $1.000000000e+00, v22;
	v57 =	vcvt.s32.f32 v19;
	v56 =	vtrunc.f32 v29;
	v23 =	vld.idx.msk [tilespmem:v28+s6+$0x0], $0xffff  }
0x162: {  	v58 =	vadd.s32 $0x1, v20;
	v2 =	vsub.f32 v2, v18;
	v28 =	vcvt.f32.s32 v56;
	v18 =	vld.idx.msk [tilespmem:v31+s6+$0x0], $0xffff  }
0x163: {  	v1 =	vsub.f32 v1, v17;
	v9 =	vadd.f32 v13, v9;
	v13 =	vld.idx.msk [tilespmem:v24+s6+$0x0], $0xffff  }
0x164: {  	v7 =	vsub.f32 v7, v57;
	v17 =	vsub.f32 v27, v32;
	v27 =	vadd.s32 $0x1, v19;
	v21 =	vld.idx.msk [tilespmem:v21+s6+$0x0], $0xffff  }
0x165: {  	v14 =	vsub.f32 $1.000000000e+00, v14;
	v11 =	vsub.f32 $1.000000000e+00, v11;
	v59 =	vadd.s32 $0x1, v28;
	v19 =	vld.idx.msk [tilespmem:v19+s6+$0x0], $0xffff  }
0x166: {  	v12 =	vcvt.s32.f32 v12;
	v1 =	vmul.f32 v1, v17;
	v17 =	vld.idx.msk [tilespmem:v20+s6+$0x0], $0xffff;
	v16 =	vsub.f32 v16, v55  }
0x167: {  	v6 =	vsub.f32 $1.000000000e+00, v6;
	v9 =	vsub.f32 $1.000000000e+00, v9;
	v24 =	vcvt.s32.f32 v24;
	v31 =	vld.idx.msk [tilespmem:v58+s6+$0x0], $0xffff  }
0x168: {  	v0 =	vsub.f32 v0, v12;
	v20 =	vcvt.s32.f32 v20;
	v2 =	vmul.f32 v2, v16;
	v16 =	vld.idx.msk [tilespmem:v28+s6+$0x0], $0xffff  }
0x169: {  	v8 =	vmul.f32 v22, v8;
	v1 =	vadd.f32 v1, v32;
	v12 =	vsub.f32 v18, v23;
	v27 =	vld.idx.msk [tilespmem:v27+s6+$0x0], $0xffff  }
0x16a: {  	v5 =	vsub.f32 v5, v24;
	v18 =	vcvt.s32.f32 v28;
	v4 =	vsub.f32 v4, v20;
	v24 =	vld.idx.msk [tilespmem:v59+s6+$0x0], $0xffff  }
0x16b: {  	v1 =	vsub.f32 $1.000000000e+00, v1;
	v12 =	vmul.f32 v15, v12;
	v15 =	vsub.f32 v25, v26  }
0x16c: {  	v10 =	vmul.f32 v14, v10;
	v2 =	vadd.f32 v2, v55;
	v18 =	vsub.f32 v29, v18  }
0x16d: {  	v20 =	vsub.f32 v31, v17;
	v12 =	vadd.f32 v12, v23;
	v0 =	vmul.f32 v0, v15  }
0x16e: {  	v3 =	vmul.f32 v6, v3;
	v15 =	vsub.f32 v21, v13;
	v22 =	vsub.f32 v27, v19  }
0x16f: {  	v4 =	vmul.f32 v4, v20;
	v0 =	vadd.f32 v0, v26;
	v14 =	vsub.f32 v24, v16  }
0x170: {  	[tilespmem:s26+$0xFFFFFFF0] =	vst v3;
	v5 =	vmul.f32 v5, v15;
	v3 =	vsub.f32 $1.000000000e+00, v12;
	v7 =	vmul.f32 v7, v22  }
0x171: {  	v4 =	vadd.f32 v4, v17;
	v0 =	vsub.f32 $1.000000000e+00, v0;
	v14 =	vmul.f32 v18, v14  }
0x172: {  	v5 =	vadd.f32 v5, v13;
	v7 =	vadd.f32 v7, v19  }
0x173: {  	[tilespmem:s26+$0x10] =	vst v8;
	v8 =	vadd.f32 v14, v16;
	v0 =	vmul.f32 v0, v1;
	v1 =	vsub.f32 $1.000000000e+00, v4  }
0x174: {  	s22 =	sadd.s32 $0x40, s22;
	[tilespmem:s26+$0x0] =	vst v10;
	v2 =	vsub.f32 $1.000000000e+00, v2;
	v6 =	vsub.f32 $1.000000000e+00, v7;
	v7 =	vmul.f32 v11, v9  }
0x175: {  	v4 =	vsub.f32 $1.000000000e+00, v5;
	v5 =	vsub.f32 $1.000000000e+00, v8;
	[tilespmem:s22+$0x10] =	vst v0;
	v0 =	vmul.f32 v1, v3  }
0x176: {  	[tilespmem:s26+$0xFFFFFFE0] =	vst v7;
	v2 =	vmul.f32 v6, v2  }
0x177: {  	v1 =	vmul.f32 v4, v5;
	[tilespmem:s22+$0xFFFFFFF0] =	vst v0  }
0x178: {  	[tilespmem:s22+$0x0] =	vst v2  }
0x179: {  	[tilespmem:s22+$0xFFFFFFE0] =	vst v1  }
0x17a: {  	[hbm4b:s21+s12] =	stream.strided.scatter [tilespmem:s7], [sflag:$0x3], $0x2000, s23, s12, $0x38;
	[tilespmem:$0x1E000] =	vst v63  }
0x17b: {  	s26 =	rddreg [dreg:$0x14]  }
0x17c: {  	[tilespmem:s9], [sflag:$0x1] =	stream.linear.gather [spmem:s26], $0x2000, $0x38;
	[tilespmem:$0x1E000] =	vst v63  }
0x17d: {  	s22 =	rddreg [dreg:$0x15]  }
0x17e: {  	[tilespmem:s1], [sflag:$0x1] =	stream.linear.gather [spmem:s22], $0x2000, $0x38;
	[tilespmem:$0x1E000] =	vst v63  }
0x17f: {  	_ =	swait.ge [sflag:s25], $0x2000  }
0x180: {  	[sflag:s25] =	ssyncset.done $0x0  }
0x181: {  	[sflag:s25] =	ssyncadd.s32 $0xFFFFE000  }
0x182: {  	_ =	swait.ge [sflag:s25], $0x2000  }
0x183: {  	[sflag:s25] =	ssyncset.done $0x0  }
0x184: {  	[sflag:s25] =	ssyncadd.s32 $0xFFFFE000  }
0x185: {  	_ =	swait.ge [sflag:s15], $0x2000  }
0x186: {  	[sflag:s15] =	ssyncset.done $0x0  }
0x187: {  	s21 =	simm.s32 $0x12020;
	[sflag:s15] =	ssyncadd.s32 $0xFFFFE000  }
0x188: {  	s26 =	simm.s32 $0x16020;
	v3 =	vld [tilespmem:s21+$0x10]  }
0x189: {  	v5 =	vld [tilespmem:s26+$0x10];
	_ =	sdelay $0x1  }
0x18a: {  	v4 =	vld [tilespmem:s21+$0x0]  }
0x18b: {  	v6 =	vld [tilespmem:s21+$0xFFFFFFF0]  }
0x18c: {  	v7 =	vld [tilespmem:s26+$0x0];
	v0 =	vtrunc.f32 v3  }
0x18d: {  	v9 =	vld [tilespmem:s26+$0xFFFFFFE0];
	v1 =	vtrunc.f32 v5;
	v8 =	vcvt.f32.s32 v0  }
0x18e: {  	s28 =	simm.s32 $0x12060;
	v10 =	vld [tilespmem:s26+$0xFFFFFFF0];
	v13 =	vcvt.f32.s32 v1  }
0x18f: {  	v2 =	vld [tilespmem:s28+$0x0];
	v0 =	vtrunc.f32 v4  }
0x190: {  	v17 =	vld [tilespmem:s21+$0xFFFFFFE0];
	v11 =	vcvt.f32.s32 v0;
	v12 =	vadd.s32 $0x1, v8  }
0x191: {  	s29 =	simm.s32 $0x16060;
	v1 =	vld [tilespmem:s28+$0x10];
	v0 =	vtrunc.f32 v6  }
0x192: {  	v14 =	vcvt.f32.s32 v0;
	v0 =	vld [tilespmem:s29+$0x10];
	v21 =	vadd.s32 $0x1, v13  }
0x193: {  	v24 =	vtrunc.f32 v7;
	v15 =	vadd.s32 $0x1, v11;
	v16 =	vld.idx.msk [tilespmem:v8+s6+$0x0], $0xffff  }
0x194: {  	v20 =	vtrunc.f32 v10;
	v24 =	vcvt.f32.s32 v24;
	v27 =	vld.idx.msk [tilespmem:v13+s6+$0x0], $0xffff  }
0x195: {  	v20 =	vcvt.f32.s32 v20;
	v12 =	vld.idx.msk [tilespmem:v12+s6+$0x0], $0xffff  }
0x196: {  	v19 =	vtrunc.f32 v9;
	v18 =	vadd.s32 $0x1, v14;
	v22 =	vcvt.s32.f32 v14;
	v23 =	vld.idx.msk [tilespmem:v11+s6+$0x0], $0xffff  }
0x197: {  	v19 =	vcvt.f32.s32 v19;
	v61 =	vadd.s32 $0x1, v20;
	v21 =	vld.idx.msk [tilespmem:v21+s6+$0x0], $0xffff  }
0x198: {  	v22 =	vsub.f32 v6, v22;
	v6 =	vcvt.s32.f32 v8;
	v11 =	vcvt.s32.f32 v11;
	v25 =	vld.idx.msk [tilespmem:v15+s6+$0x0], $0xffff  }
0x199: {  	v62 =	vadd.s32 $0x1, v24;
	v8 =	vadd.s32 $0x1, v19;
	v60 =	vld.idx.msk [tilespmem:v14+s6+$0x0], $0xffff  }
0x19a: {  	v3 =	vsub.f32 v3, v6;
	v6 =	vtrunc.f32 v17;
	v14 =	vld.idx.msk [tilespmem:v24+s6+$0x0], $0xffff;
	v4 =	vsub.f32 v4, v11  }
0x19b: {  	v18 =	vld.idx.msk [tilespmem:v18+s6+$0x0], $0xffff;
	v63 =	vcvt.f32.s32 v6;
	v11 =	vsub.f32 v12, v16;
	v12 =	vcvt.s32.f32 v24  }
0x19c: {  	v6 =	vld.idx.msk [tilespmem:v20+s6+$0x0], $0xffff  }
0x19d: {  	v24 =	vld.idx.msk [tilespmem:v61+s6+$0x0], $0xffff;
	v3 =	vmul.f32 v3, v11;
	v15 =	vsub.f32 v7, v12;
	v7 =	vcvt.s32.f32 v13  }
0x19e: {  	v26 =	vcvt.s32.f32 v19;
	v11 =	vld.idx.msk [tilespmem:v19+s6+$0x0], $0xffff;
	v12 =	vsub.f32 v25, v23;
	v19 =	vcvt.s32.f32 v20  }
0x19f: {  	v20 =	vld.idx.msk [tilespmem:v8+s6+$0x0], $0xffff;
	v25 =	vadd.s32 $0x1, v63;
	v3 =	vadd.f32 v3, v16;
	v5 =	vsub.f32 v5, v7  }
0x1a0: {  	v7 =	vsub.f32 v18, v60;
	v4 =	vmul.f32 v4, v12;
	v16 =	vsub.f32 v9, v26;
	v26 =	vld.idx.msk [tilespmem:v62+s6+$0x0], $0xffff  }
0x1a1: {  	v12 =	vcvt.s32.f32 v63;
	v18 =	vsub.f32 v21, v27;
	v21 =	vsub.f32 v10, v19;
	v9 =	vld.idx.msk [tilespmem:v63+s6+$0x0], $0xffff  }
0x1a2: {  	v8 =	vsub.f32 $1.000000000e+00, v3;
	v3 =	vmul.f32 v22, v7;
	v4 =	vadd.f32 v4, v23;
	v7 =	vld [tilespmem:s29+$0x0]  }
0x1a3: {  	v13 =	vsub.f32 v17, v12;
	v22 =	vmul.f32 v5, v18;
	v18 =	vld [tilespmem:s28+$0xFFFFFFF0];
	v17 =	vtrunc.f32 v1  }
0x1a4: {  	v24 =	vsub.f32 v24, v6;
	v23 =	vld.idx.msk [tilespmem:v25+s6+$0x0], $0xffff;
	v20 =	vsub.f32 v20, v11;
	v17 =	vcvt.f32.s32 v17  }
0x1a5: {  	v3 =	vadd.f32 v3, v60;
	v10 =	vsub.f32 $1.000000000e+00, v4;
	v4 =	vtrunc.f32 v0  }
0x1a6: {  	s30 =	simm.s32 $0x40;
	s31 =	simm.s32 $0x12060;
	s26 =	rddreg [dreg:$0x19];
	v5 =	vld [tilespmem:s29+$0xFFFFFFE0];
	v22 =	vadd.f32 v22, v27;
	v12 =	vcvt.f32.s32 v4;
	v25 =	vsub.f32 v26, v14  }
0x1a7: {  	s22 =	simm.s32 $0x1A020;
	s21 =	sadd.s32 s20, s26;
	s26 =	simm.s32 $0x1A020;
	v4 =	vld [tilespmem:s29+$0xFFFFFFF0];
	v26 =	vtrunc.f32 v2;
	v3 =	vsub.f32 $1.000000000e+00, v3;
	v19 =	vtrunc.f32 v7  }
.LBB2_9:
0x1a8: {  	s30 =	sadd.s32 $0x40, s30;
	v26 =	vcvt.f32.s32 v26;
	v27 =	vadd.s32 $0x1, v17;
	s28 =	sadd.s32 $0x40, s28;
	v15 =	vmul.f32 v15, v25;
	s22 =	sadd.s32 $0x40, s22  }
0x1a9: {  	v29 =	vadd.s32 $0x1, v12;
	v23 =	vsub.f32 v23, v9;
	v25 =	vld [tilespmem:s28+$0x0];
	p0 =	slt.u32 s30, $0x1FC0;
	v28 =	vtrunc.f32 v18  }
0x1aa: {  	v21 =	vmul.f32 v21, v24;
	v30 =	vld [tilespmem:s31+$0xFFFFFFE0];
	v28 =	vcvt.f32.s32 v28;
	v31 =	vadd.s32 $0x1, v26;
	s31 =	smov.u32 s28  }
0x1ab: {  	v32 =	vtrunc.f32 v5;
	v14 =	vadd.f32 v15, v14;
	v15 =	vsub.f32 $1.000000000e+00, v22;
	v24 =	vld [tilespmem:s28+$0x10]  }
0x1ac: {  	s29 =	sadd.s32 $0x40, s29;
	v16 =	vmul.f32 v16, v20;
	v22 =	vcvt.s32.f32 v28;
	v33 =	vadd.s32 $0x1, v28;
	v34 =	vld.idx.msk [tilespmem:v17+s6+$0x0], $0xffff  }
0x1ad: {  	v35 =	vtrunc.f32 v4;
	v14 =	vsub.f32 $1.000000000e+00, v14;
	v8 =	vmul.f32 v15, v8;
	v20 =	vld [tilespmem:s29+$0x10]  }
0x1ae: {  	v11 =	vadd.f32 v16, v11;
	v32 =	vcvt.f32.s32 v32;
	v18 =	vsub.f32 v18, v22;
	v15 =	vld.idx.msk [tilespmem:v27+s6+$0x0], $0xffff  }
0x1af: {  	v21 =	vadd.f32 v21, v6;
	v16 =	vcvt.f32.s32 v35;
	v22 =	vcvt.s32.f32 v26;
	v26 =	vld.idx.msk [tilespmem:v26+s6+$0x0], $0xffff;
	[tilespmem:s26+$0x10] =	vst v8  }
0x1b0: {  	v19 =	vcvt.f32.s32 v19;
	v6 =	vmul.f32 v14, v10;
	v8 =	vadd.s32 $0x1, v32;
	v27 =	vld.idx.msk [tilespmem:v12+s6+$0x0], $0xffff  }
0x1b1: {  	v17 =	vcvt.s32.f32 v17;
	v10 =	vsub.f32 v2, v22;
	v22 =	vsub.f32 $1.000000000e+00, v11;
	v2 =	vmovc v25;
	v14 =	vld.idx.msk [tilespmem:v31+s6+$0x0], $0xffff  }
0x1b2: {  	v25 =	vcvt.s32.f32 v32;
	v11 =	vmul.f32 v13, v23;
	v31 =	vld.idx.msk [tilespmem:v33+s6+$0x0], $0xffff;
	v33 =	vadd.s32 $0x1, v19;
	[tilespmem:s26+$0x0] =	vst v6  }
0x1b3: {  	v17 =	vsub.f32 v1, v17;
	v13 =	vcvt.s32.f32 v19;
	v1 =	vmovc v24;
	v6 =	vtrunc.f32 v30;
	v28 =	vld.idx.msk [tilespmem:v28+s6+$0x0], $0xffff  }
0x1b4: {  	v24 =	vadd.s32 $0x1, v16;
	v23 =	vcvt.f32.s32 v6;
	v35 =	vsub.f32 v15, v34;
	v29 =	vld.idx.msk [tilespmem:v29+s6+$0x0], $0xffff  }
0x1b5: {  	v9 =	vadd.f32 v11, v9;
	v15 =	vsub.f32 v7, v13;
	v7 =	vcvt.s32.f32 v12;
	v6 =	vld.idx.msk [tilespmem:v16+s6+$0x0], $0xffff  }
0x1b6: {  	v12 =	vcvt.s32.f32 v16;
	v13 =	vmul.f32 v17, v35;
	v16 =	vsub.f32 $1.000000000e+00, v21;
	v11 =	vld.idx.msk [tilespmem:v32+s6+$0x0], $0xffff  }
0x1b7: {  	v9 =	vsub.f32 $1.000000000e+00, v9;
	v17 =	vcvt.s32.f32 v23;
	v32 =	vld.idx.msk [tilespmem:v8+s6+$0x0], $0xffff;
	v8 =	vsub.f32 v14, v26  }
0x1b8: {  	v35 =	vadd.s32 $0x1, v23;
	v13 =	vadd.f32 v13, v34;
	v14 =	vld.idx.msk [tilespmem:v19+s6+$0x0], $0xffff;
	v19 =	vsub.f32 v0, v7;
	v0 =	vmovc v20  }
0x1b9: {  	v3 =	vmul.f32 v16, v3;
	v20 =	vsub.f32 v31, v28;
	v24 =	vld.idx.msk [tilespmem:v24+s6+$0x0], $0xffff;
	v10 =	vmul.f32 v10, v8  }
0x1ba: {  	v16 =	vsub.f32 v5, v25;
	v5 =	vmul.f32 v22, v9;
	v8 =	vsub.f32 $1.000000000e+00, v13;
	v25 =	vld.idx.msk [tilespmem:v33+s6+$0x0], $0xffff  }
0x1bb: {  	v18 =	vmul.f32 v18, v20;
	v20 =	vsub.f32 v29, v27;
	v7 =	vld [tilespmem:s29+$0x0];
	v10 =	vadd.f32 v10, v26;
	[tilespmem:s26+$0xFFFFFFF0] =	vst v3  }
0x1bc: {  	v21 =	vsub.f32 v4, v12;
	v13 =	vsub.f32 v30, v17;
	v9 =	vld.idx.msk [tilespmem:v23+s6+$0x0], $0xffff;
	[tilespmem:s26+$0xFFFFFFE0] =	vst v5;
	s26 =	smov.u32 s22  }
.Ltmp3:
0x1bd: {  	v3 =	vadd.f32 v18, v28;
	v22 =	vmul.f32 v19, v20;
	v23 =	vld.idx.msk [tilespmem:v35+s6+$0x0], $0xffff;
	v10 =	vsub.f32 $1.000000000e+00, v10;
	(pc) =	sbr.rel @p0 .LBB2_9-.Ltmp3, $4  }
0x1be: {  	v4 =	vtrunc.f32 v0;
	v20 =	vsub.f32 v32, v11;
	v18 =	vld [tilespmem:s28+$0xFFFFFFF0]  }
0x1bf: {  	v17 =	vtrunc.f32 v1;
	v12 =	vcvt.f32.s32 v4;
	v3 =	vsub.f32 $1.000000000e+00, v3;
	v5 =	vld [tilespmem:s29+$0xFFFFFFE0]  }
0x1c0: {  	v17 =	vcvt.f32.s32 v17;
	v24 =	vsub.f32 v24, v6;
	v25 =	vsub.f32 v25, v14  }
0x1c1: {  	v26 =	vtrunc.f32 v2;
	v22 =	vadd.f32 v22, v27;
	v19 =	vtrunc.f32 v7;
	v4 =	vld [tilespmem:s29+$0xFFFFFFF0]  }
0x1c2: {  	v27 =	vadd.s32 $0x1, v17  }
0x1c3: {  	v26 =	vcvt.f32.s32 v26;
	v15 =	vmul.f32 v15, v25;
	v25 =	vadd.s32 $0x1, v12;
	_ =	sdelay $0x1  }
0x1c4: {  	v29 =	vld [tilespmem:s31+$0xFFFFFFE0];
	v21 =	vmul.f32 v21, v24;
	v23 =	vsub.f32 v23, v9;
	v28 =	vtrunc.f32 v18  }
0x1c5: {  	v32 =	vld.idx.msk [tilespmem:v17+s6+$0x0], $0xffff;
	v16 =	vmul.f32 v16, v20;
	v28 =	vcvt.f32.s32 v28;
	v30 =	vadd.s32 $0x1, v26  }
0x1c6: {  	v17 =	vcvt.s32.f32 v17;
	v24 =	vtrunc.f32 v5;
	v14 =	vadd.f32 v15, v14;
	v27 =	vld.idx.msk [tilespmem:v27+s6+$0x0], $0xffff  }
0x1c7: {  	v24 =	vcvt.f32.s32 v24;
	v31 =	vadd.s32 $0x1, v28;
	v15 =	vcvt.s32.f32 v28;
	v25 =	vld.idx.msk [tilespmem:v25+s6+$0x0], $0xffff  }
0x1c8: {  	v19 =	vcvt.f32.s32 v19;
	v6 =	vadd.f32 v21, v6;
	v33 =	vtrunc.f32 v4;
	v55 =	vld.idx.msk [tilespmem:v26+s6+$0x0], $0xffff  }
0x1c9: {  	v21 =	vadd.s32 $0x1, v24;
	v15 =	vsub.f32 v18, v15;
	v18 =	vcvt.s32.f32 v26;
	v26 =	vld.idx.msk [tilespmem:v12+s6+$0x0], $0xffff  }
0x1ca: {  	v11 =	vadd.f32 v16, v11;
	v13 =	vmul.f32 v13, v23;
	v20 =	vcvt.f32.s32 v33;
	v16 =	vld.idx.msk [tilespmem:v30+s6+$0x0], $0xffff  }
0x1cb: {  	v22 =	vsub.f32 $1.000000000e+00, v22;
	v57 =	vcvt.s32.f32 v19;
	v56 =	vtrunc.f32 v29;
	v23 =	vld.idx.msk [tilespmem:v28+s6+$0x0], $0xffff  }
0x1cc: {  	v58 =	vadd.s32 $0x1, v20;
	v2 =	vsub.f32 v2, v18;
	v28 =	vcvt.f32.s32 v56;
	v18 =	vld.idx.msk [tilespmem:v31+s6+$0x0], $0xffff  }
0x1cd: {  	v1 =	vsub.f32 v1, v17;
	v9 =	vadd.f32 v13, v9;
	v13 =	vld.idx.msk [tilespmem:v24+s6+$0x0], $0xffff  }
0x1ce: {  	v7 =	vsub.f32 v7, v57;
	v17 =	vsub.f32 v27, v32;
	v27 =	vadd.s32 $0x1, v19;
	v21 =	vld.idx.msk [tilespmem:v21+s6+$0x0], $0xffff  }
0x1cf: {  	v14 =	vsub.f32 $1.000000000e+00, v14;
	v11 =	vsub.f32 $1.000000000e+00, v11;
	v59 =	vadd.s32 $0x1, v28;
	v19 =	vld.idx.msk [tilespmem:v19+s6+$0x0], $0xffff  }
0x1d0: {  	v12 =	vcvt.s32.f32 v12;
	v1 =	vmul.f32 v1, v17;
	v17 =	vld.idx.msk [tilespmem:v20+s6+$0x0], $0xffff;
	v16 =	vsub.f32 v16, v55  }
0x1d1: {  	v6 =	vsub.f32 $1.000000000e+00, v6;
	v9 =	vsub.f32 $1.000000000e+00, v9;
	v24 =	vcvt.s32.f32 v24;
	v31 =	vld.idx.msk [tilespmem:v58+s6+$0x0], $0xffff  }
0x1d2: {  	v0 =	vsub.f32 v0, v12;
	v20 =	vcvt.s32.f32 v20;
	v2 =	vmul.f32 v2, v16;
	v16 =	vld.idx.msk [tilespmem:v28+s6+$0x0], $0xffff  }
0x1d3: {  	v8 =	vmul.f32 v22, v8;
	v1 =	vadd.f32 v1, v32;
	v12 =	vsub.f32 v18, v23;
	v27 =	vld.idx.msk [tilespmem:v27+s6+$0x0], $0xffff  }
0x1d4: {  	v5 =	vsub.f32 v5, v24;
	v18 =	vcvt.s32.f32 v28;
	v4 =	vsub.f32 v4, v20;
	v24 =	vld.idx.msk [tilespmem:v59+s6+$0x0], $0xffff  }
0x1d5: {  	v1 =	vsub.f32 $1.000000000e+00, v1;
	v12 =	vmul.f32 v15, v12;
	v15 =	vsub.f32 v25, v26  }
0x1d6: {  	v10 =	vmul.f32 v14, v10;
	v2 =	vadd.f32 v2, v55;
	v18 =	vsub.f32 v29, v18  }
0x1d7: {  	v20 =	vsub.f32 v31, v17;
	v12 =	vadd.f32 v12, v23;
	v0 =	vmul.f32 v0, v15  }
0x1d8: {  	v3 =	vmul.f32 v6, v3;
	v15 =	vsub.f32 v21, v13;
	v22 =	vsub.f32 v27, v19  }
0x1d9: {  	v4 =	vmul.f32 v4, v20;
	v0 =	vadd.f32 v0, v26;
	v14 =	vsub.f32 v24, v16  }
0x1da: {  	[tilespmem:s26+$0xFFFFFFF0] =	vst v3;
	v5 =	vmul.f32 v5, v15;
	v3 =	vsub.f32 $1.000000000e+00, v12;
	v7 =	vmul.f32 v7, v22  }
0x1db: {  	v4 =	vadd.f32 v4, v17;
	v0 =	vsub.f32 $1.000000000e+00, v0;
	v14 =	vmul.f32 v18, v14  }
0x1dc: {  	v5 =	vadd.f32 v5, v13;
	v7 =	vadd.f32 v7, v19  }
0x1dd: {  	[tilespmem:s26+$0x10] =	vst v8;
	v8 =	vadd.f32 v14, v16;
	v0 =	vmul.f32 v0, v1;
	v1 =	vsub.f32 $1.000000000e+00, v4  }
0x1de: {  	s22 =	sadd.s32 $0x40, s22;
	[tilespmem:s26+$0x0] =	vst v10;
	v2 =	vsub.f32 $1.000000000e+00, v2;
	v6 =	vsub.f32 $1.000000000e+00, v7;
	v7 =	vmul.f32 v11, v9  }
0x1df: {  	v4 =	vsub.f32 $1.000000000e+00, v5;
	v5 =	vsub.f32 $1.000000000e+00, v8;
	[tilespmem:s22+$0x10] =	vst v0;
	v0 =	vmul.f32 v1, v3  }
0x1e0: {  	[tilespmem:s26+$0xFFFFFFE0] =	vst v7;
	v2 =	vmul.f32 v6, v2  }
0x1e1: {  	v1 =	vmul.f32 v4, v5;
	[tilespmem:s22+$0xFFFFFFF0] =	vst v0  }
0x1e2: {  	[tilespmem:s22+$0x0] =	vst v2  }
0x1e3: {  	[tilespmem:s22+$0xFFFFFFE0] =	vst v1  }
0x1e4: {  	[hbm4b:s21+s12] =	stream.strided.scatter [tilespmem:s13], [sflag:$0x4], $0x2000, s23, s12, $0x38;
	[tilespmem:$0x1E000] =	vst v63  }
0x1e5: {  	s26 =	rddreg [dreg:$0x1a]  }
0x1e6: {  	[tilespmem:s4], [sflag:$0x2] =	stream.linear.gather [spmem:s26], $0x2000, $0x38;
	[tilespmem:$0x1E000] =	vst v63  }
0x1e7: {  	s22 =	rddreg [dreg:$0x1b]  }
0x1e8: {  	[tilespmem:s2], [sflag:$0x2] =	stream.linear.gather [spmem:s22], $0x2000, $0x38;
	[tilespmem:$0x1E000] =	vst v63  }
0x1e9: {  	_ =	swait.ge [sflag:s24], $0x2000  }
0x1ea: {  	[sflag:s24] =	ssyncset.done $0x0  }
0x1eb: {  	[sflag:s24] =	ssyncadd.s32 $0xFFFFE000  }
0x1ec: {  	_ =	swait.ge [sflag:s24], $0x2000  }
0x1ed: {  	[sflag:s24] =	ssyncset.done $0x0  }
0x1ee: {  	[sflag:s24] =	ssyncadd.s32 $0xFFFFE000  }
0x1ef: {  	_ =	swait.ge [sflag:s14], $0x2000  }
0x1f0: {  	[sflag:s14] =	ssyncset.done $0x0  }
0x1f1: {  	s21 =	simm.s32 $0x10020;
	[sflag:s14] =	ssyncadd.s32 $0xFFFFE000  }
0x1f2: {  	s26 =	simm.s32 $0x14020;
	v3 =	vld [tilespmem:s21+$0x10]  }
0x1f3: {  	v5 =	vld [tilespmem:s26+$0x10];
	_ =	sdelay $0x1  }
0x1f4: {  	v4 =	vld [tilespmem:s21+$0x0]  }
0x1f5: {  	v6 =	vld [tilespmem:s21+$0xFFFFFFF0]  }
0x1f6: {  	v7 =	vld [tilespmem:s26+$0x0];
	v0 =	vtrunc.f32 v3  }
0x1f7: {  	v9 =	vld [tilespmem:s26+$0xFFFFFFE0];
	v1 =	vtrunc.f32 v5;
	v8 =	vcvt.f32.s32 v0  }
0x1f8: {  	s28 =	simm.s32 $0x10060;
	v10 =	vld [tilespmem:s26+$0xFFFFFFF0];
	v13 =	vcvt.f32.s32 v1  }
0x1f9: {  	v2 =	vld [tilespmem:s28+$0x0];
	v0 =	vtrunc.f32 v4  }
0x1fa: {  	v17 =	vld [tilespmem:s21+$0xFFFFFFE0];
	v11 =	vcvt.f32.s32 v0;
	v12 =	vadd.s32 $0x1, v8  }
0x1fb: {  	s29 =	simm.s32 $0x14060;
	v1 =	vld [tilespmem:s28+$0x10];
	v0 =	vtrunc.f32 v6  }
0x1fc: {  	v14 =	vcvt.f32.s32 v0;
	v0 =	vld [tilespmem:s29+$0x10];
	v21 =	vadd.s32 $0x1, v13  }
0x1fd: {  	v24 =	vtrunc.f32 v7;
	v15 =	vadd.s32 $0x1, v11;
	v16 =	vld.idx.msk [tilespmem:v8+s6+$0x0], $0xffff  }
0x1fe: {  	v20 =	vtrunc.f32 v10;
	v24 =	vcvt.f32.s32 v24;
	v27 =	vld.idx.msk [tilespmem:v13+s6+$0x0], $0xffff  }
0x1ff: {  	v20 =	vcvt.f32.s32 v20;
	v12 =	vld.idx.msk [tilespmem:v12+s6+$0x0], $0xffff  }
0x200: {  	v19 =	vtrunc.f32 v9;
	v18 =	vadd.s32 $0x1, v14;
	v22 =	vcvt.s32.f32 v14;
	v23 =	vld.idx.msk [tilespmem:v11+s6+$0x0], $0xffff  }
0x201: {  	v19 =	vcvt.f32.s32 v19;
	v61 =	vadd.s32 $0x1, v20;
	v21 =	vld.idx.msk [tilespmem:v21+s6+$0x0], $0xffff  }
0x202: {  	v22 =	vsub.f32 v6, v22;
	v6 =	vcvt.s32.f32 v8;
	v11 =	vcvt.s32.f32 v11;
	v25 =	vld.idx.msk [tilespmem:v15+s6+$0x0], $0xffff  }
0x203: {  	v62 =	vadd.s32 $0x1, v24;
	v8 =	vadd.s32 $0x1, v19;
	v60 =	vld.idx.msk [tilespmem:v14+s6+$0x0], $0xffff  }
0x204: {  	v3 =	vsub.f32 v3, v6;
	v6 =	vtrunc.f32 v17;
	v14 =	vld.idx.msk [tilespmem:v24+s6+$0x0], $0xffff;
	v4 =	vsub.f32 v4, v11  }
0x205: {  	v18 =	vld.idx.msk [tilespmem:v18+s6+$0x0], $0xffff;
	v63 =	vcvt.f32.s32 v6;
	v11 =	vsub.f32 v12, v16;
	v12 =	vcvt.s32.f32 v24  }
0x206: {  	v6 =	vld.idx.msk [tilespmem:v20+s6+$0x0], $0xffff  }
0x207: {  	v24 =	vld.idx.msk [tilespmem:v61+s6+$0x0], $0xffff;
	v3 =	vmul.f32 v3, v11;
	v15 =	vsub.f32 v7, v12;
	v7 =	vcvt.s32.f32 v13  }
0x208: {  	v26 =	vcvt.s32.f32 v19;
	v11 =	vld.idx.msk [tilespmem:v19+s6+$0x0], $0xffff;
	v12 =	vsub.f32 v25, v23;
	v19 =	vcvt.s32.f32 v20  }
0x209: {  	v20 =	vld.idx.msk [tilespmem:v8+s6+$0x0], $0xffff;
	v25 =	vadd.s32 $0x1, v63;
	v3 =	vadd.f32 v3, v16;
	v5 =	vsub.f32 v5, v7  }
0x20a: {  	v7 =	vsub.f32 v18, v60;
	v4 =	vmul.f32 v4, v12;
	v16 =	vsub.f32 v9, v26;
	v26 =	vld.idx.msk [tilespmem:v62+s6+$0x0], $0xffff  }
0x20b: {  	v12 =	vcvt.s32.f32 v63;
	v18 =	vsub.f32 v21, v27;
	v21 =	vsub.f32 v10, v19;
	v9 =	vld.idx.msk [tilespmem:v63+s6+$0x0], $0xffff  }
0x20c: {  	v8 =	vsub.f32 $1.000000000e+00, v3;
	v3 =	vmul.f32 v22, v7;
	v4 =	vadd.f32 v4, v23;
	v7 =	vld [tilespmem:s29+$0x0]  }
0x20d: {  	v13 =	vsub.f32 v17, v12;
	v22 =	vmul.f32 v5, v18;
	v18 =	vld [tilespmem:s28+$0xFFFFFFF0];
	v17 =	vtrunc.f32 v1  }
0x20e: {  	v24 =	vsub.f32 v24, v6;
	v23 =	vld.idx.msk [tilespmem:v25+s6+$0x0], $0xffff;
	v20 =	vsub.f32 v20, v11;
	v17 =	vcvt.f32.s32 v17  }
0x20f: {  	v3 =	vadd.f32 v3, v60;
	v10 =	vsub.f32 $1.000000000e+00, v4;
	v4 =	vtrunc.f32 v0  }
0x210: {  	s30 =	simm.s32 $0x40;
	s31 =	simm.s32 $0x10060;
	s26 =	rddreg [dreg:$0x1c];
	v5 =	vld [tilespmem:s29+$0xFFFFFFE0];
	v22 =	vadd.f32 v22, v27;
	v12 =	vcvt.f32.s32 v4;
	v25 =	vsub.f32 v26, v14  }
0x211: {  	s22 =	simm.s32 $0x18020;
	s21 =	sadd.s32 s20, s26;
	s26 =	simm.s32 $0x18020;
	v4 =	vld [tilespmem:s29+$0xFFFFFFF0];
	v26 =	vtrunc.f32 v2;
	v3 =	vsub.f32 $1.000000000e+00, v3;
	v19 =	vtrunc.f32 v7  }
.LBB2_11:
0x212: {  	s30 =	sadd.s32 $0x40, s30;
	v26 =	vcvt.f32.s32 v26;
	v27 =	vadd.s32 $0x1, v17;
	s28 =	sadd.s32 $0x40, s28;
	v15 =	vmul.f32 v15, v25;
	s22 =	sadd.s32 $0x40, s22  }
0x213: {  	v29 =	vadd.s32 $0x1, v12;
	v23 =	vsub.f32 v23, v9;
	v25 =	vld [tilespmem:s28+$0x0];
	p0 =	slt.u32 s30, $0x1FC0;
	v28 =	vtrunc.f32 v18  }
0x214: {  	v21 =	vmul.f32 v21, v24;
	v30 =	vld [tilespmem:s31+$0xFFFFFFE0];
	v28 =	vcvt.f32.s32 v28;
	v31 =	vadd.s32 $0x1, v26;
	s31 =	smov.u32 s28  }
0x215: {  	v32 =	vtrunc.f32 v5;
	v14 =	vadd.f32 v15, v14;
	v15 =	vsub.f32 $1.000000000e+00, v22;
	v24 =	vld [tilespmem:s28+$0x10]  }
0x216: {  	s29 =	sadd.s32 $0x40, s29;
	v16 =	vmul.f32 v16, v20;
	v22 =	vcvt.s32.f32 v28;
	v33 =	vadd.s32 $0x1, v28;
	v34 =	vld.idx.msk [tilespmem:v17+s6+$0x0], $0xffff  }
0x217: {  	v35 =	vtrunc.f32 v4;
	v14 =	vsub.f32 $1.000000000e+00, v14;
	v8 =	vmul.f32 v15, v8;
	v20 =	vld [tilespmem:s29+$0x10]  }
0x218: {  	v11 =	vadd.f32 v16, v11;
	v32 =	vcvt.f32.s32 v32;
	v18 =	vsub.f32 v18, v22;
	v15 =	vld.idx.msk [tilespmem:v27+s6+$0x0], $0xffff  }
0x219: {  	v21 =	vadd.f32 v21, v6;
	v16 =	vcvt.f32.s32 v35;
	v22 =	vcvt.s32.f32 v26;
	v26 =	vld.idx.msk [tilespmem:v26+s6+$0x0], $0xffff;
	[tilespmem:s26+$0x10] =	vst v8  }
0x21a: {  	v19 =	vcvt.f32.s32 v19;
	v6 =	vmul.f32 v14, v10;
	v8 =	vadd.s32 $0x1, v32;
	v27 =	vld.idx.msk [tilespmem:v12+s6+$0x0], $0xffff  }
0x21b: {  	v17 =	vcvt.s32.f32 v17;
	v10 =	vsub.f32 v2, v22;
	v22 =	vsub.f32 $1.000000000e+00, v11;
	v2 =	vmovc v25;
	v14 =	vld.idx.msk [tilespmem:v31+s6+$0x0], $0xffff  }
0x21c: {  	v25 =	vcvt.s32.f32 v32;
	v11 =	vmul.f32 v13, v23;
	v31 =	vld.idx.msk [tilespmem:v33+s6+$0x0], $0xffff;
	v33 =	vadd.s32 $0x1, v19;
	[tilespmem:s26+$0x0] =	vst v6  }
0x21d: {  	v17 =	vsub.f32 v1, v17;
	v13 =	vcvt.s32.f32 v19;
	v1 =	vmovc v24;
	v6 =	vtrunc.f32 v30;
	v28 =	vld.idx.msk [tilespmem:v28+s6+$0x0], $0xffff  }
0x21e: {  	v24 =	vadd.s32 $0x1, v16;
	v23 =	vcvt.f32.s32 v6;
	v35 =	vsub.f32 v15, v34;
	v29 =	vld.idx.msk [tilespmem:v29+s6+$0x0], $0xffff  }
0x21f: {  	v9 =	vadd.f32 v11, v9;
	v15 =	vsub.f32 v7, v13;
	v7 =	vcvt.s32.f32 v12;
	v6 =	vld.idx.msk [tilespmem:v16+s6+$0x0], $0xffff  }
0x220: {  	v12 =	vcvt.s32.f32 v16;
	v13 =	vmul.f32 v17, v35;
	v16 =	vsub.f32 $1.000000000e+00, v21;
	v11 =	vld.idx.msk [tilespmem:v32+s6+$0x0], $0xffff  }
0x221: {  	v9 =	vsub.f32 $1.000000000e+00, v9;
	v17 =	vcvt.s32.f32 v23;
	v32 =	vld.idx.msk [tilespmem:v8+s6+$0x0], $0xffff;
	v8 =	vsub.f32 v14, v26  }
0x222: {  	v35 =	vadd.s32 $0x1, v23;
	v13 =	vadd.f32 v13, v34;
	v14 =	vld.idx.msk [tilespmem:v19+s6+$0x0], $0xffff;
	v19 =	vsub.f32 v0, v7;
	v0 =	vmovc v20  }
0x223: {  	v3 =	vmul.f32 v16, v3;
	v20 =	vsub.f32 v31, v28;
	v24 =	vld.idx.msk [tilespmem:v24+s6+$0x0], $0xffff;
	v10 =	vmul.f32 v10, v8  }
0x224: {  	v16 =	vsub.f32 v5, v25;
	v5 =	vmul.f32 v22, v9;
	v8 =	vsub.f32 $1.000000000e+00, v13;
	v25 =	vld.idx.msk [tilespmem:v33+s6+$0x0], $0xffff  }
0x225: {  	v18 =	vmul.f32 v18, v20;
	v20 =	vsub.f32 v29, v27;
	v7 =	vld [tilespmem:s29+$0x0];
	v10 =	vadd.f32 v10, v26;
	[tilespmem:s26+$0xFFFFFFF0] =	vst v3  }
0x226: {  	v21 =	vsub.f32 v4, v12;
	v13 =	vsub.f32 v30, v17;
	v9 =	vld.idx.msk [tilespmem:v23+s6+$0x0], $0xffff;
	[tilespmem:s26+$0xFFFFFFE0] =	vst v5;
	s26 =	smov.u32 s22  }
.Ltmp4:
0x227: {  	v3 =	vadd.f32 v18, v28;
	v22 =	vmul.f32 v19, v20;
	v23 =	vld.idx.msk [tilespmem:v35+s6+$0x0], $0xffff;
	v10 =	vsub.f32 $1.000000000e+00, v10;
	(pc) =	sbr.rel @p0 .LBB2_11-.Ltmp4, $4  }
0x228: {  	v4 =	vtrunc.f32 v0;
	v20 =	vsub.f32 v32, v11;
	v18 =	vld [tilespmem:s28+$0xFFFFFFF0]  }
0x229: {  	v17 =	vtrunc.f32 v1;
	v12 =	vcvt.f32.s32 v4;
	v3 =	vsub.f32 $1.000000000e+00, v3;
	v5 =	vld [tilespmem:s29+$0xFFFFFFE0]  }
0x22a: {  	v17 =	vcvt.f32.s32 v17;
	v24 =	vsub.f32 v24, v6;
	v25 =	vsub.f32 v25, v14  }
0x22b: {  	v26 =	vtrunc.f32 v2;
	v22 =	vadd.f32 v22, v27;
	v19 =	vtrunc.f32 v7;
	v4 =	vld [tilespmem:s29+$0xFFFFFFF0]  }
0x22c: {  	v27 =	vadd.s32 $0x1, v17  }
0x22d: {  	v26 =	vcvt.f32.s32 v26;
	v15 =	vmul.f32 v15, v25;
	v25 =	vadd.s32 $0x1, v12;
	_ =	sdelay $0x1  }
0x22e: {  	v29 =	vld [tilespmem:s31+$0xFFFFFFE0];
	v21 =	vmul.f32 v21, v24;
	v23 =	vsub.f32 v23, v9;
	v28 =	vtrunc.f32 v18  }
0x22f: {  	v32 =	vld.idx.msk [tilespmem:v17+s6+$0x0], $0xffff;
	v16 =	vmul.f32 v16, v20;
	v28 =	vcvt.f32.s32 v28;
	v30 =	vadd.s32 $0x1, v26  }
0x230: {  	v17 =	vcvt.s32.f32 v17;
	v24 =	vtrunc.f32 v5;
	v14 =	vadd.f32 v15, v14;
	v27 =	vld.idx.msk [tilespmem:v27+s6+$0x0], $0xffff  }
0x231: {  	v24 =	vcvt.f32.s32 v24;
	v31 =	vadd.s32 $0x1, v28;
	v15 =	vcvt.s32.f32 v28;
	v25 =	vld.idx.msk [tilespmem:v25+s6+$0x0], $0xffff  }
0x232: {  	v19 =	vcvt.f32.s32 v19;
	v6 =	vadd.f32 v21, v6;
	v33 =	vtrunc.f32 v4;
	v55 =	vld.idx.msk [tilespmem:v26+s6+$0x0], $0xffff  }
0x233: {  	v21 =	vadd.s32 $0x1, v24;
	v15 =	vsub.f32 v18, v15;
	v18 =	vcvt.s32.f32 v26;
	v26 =	vld.idx.msk [tilespmem:v12+s6+$0x0], $0xffff  }
0x234: {  	v11 =	vadd.f32 v16, v11;
	v13 =	vmul.f32 v13, v23;
	v20 =	vcvt.f32.s32 v33;
	v16 =	vld.idx.msk [tilespmem:v30+s6+$0x0], $0xffff  }
0x235: {  	v22 =	vsub.f32 $1.000000000e+00, v22;
	v57 =	vcvt.s32.f32 v19;
	v56 =	vtrunc.f32 v29;
	v23 =	vld.idx.msk [tilespmem:v28+s6+$0x0], $0xffff  }
0x236: {  	v58 =	vadd.s32 $0x1, v20;
	v2 =	vsub.f32 v2, v18;
	v28 =	vcvt.f32.s32 v56;
	v18 =	vld.idx.msk [tilespmem:v31+s6+$0x0], $0xffff  }
0x237: {  	v1 =	vsub.f32 v1, v17;
	v9 =	vadd.f32 v13, v9;
	v13 =	vld.idx.msk [tilespmem:v24+s6+$0x0], $0xffff  }
0x238: {  	v7 =	vsub.f32 v7, v57;
	v17 =	vsub.f32 v27, v32;
	v27 =	vadd.s32 $0x1, v19;
	v21 =	vld.idx.msk [tilespmem:v21+s6+$0x0], $0xffff  }
0x239: {  	v14 =	vsub.f32 $1.000000000e+00, v14;
	v11 =	vsub.f32 $1.000000000e+00, v11;
	v59 =	vadd.s32 $0x1, v28;
	v19 =	vld.idx.msk [tilespmem:v19+s6+$0x0], $0xffff  }
0x23a: {  	v12 =	vcvt.s32.f32 v12;
	v1 =	vmul.f32 v1, v17;
	v17 =	vld.idx.msk [tilespmem:v20+s6+$0x0], $0xffff;
	v16 =	vsub.f32 v16, v55  }
0x23b: {  	v6 =	vsub.f32 $1.000000000e+00, v6;
	v9 =	vsub.f32 $1.000000000e+00, v9;
	v24 =	vcvt.s32.f32 v24;
	v31 =	vld.idx.msk [tilespmem:v58+s6+$0x0], $0xffff  }
0x23c: {  	v0 =	vsub.f32 v0, v12;
	v20 =	vcvt.s32.f32 v20;
	v2 =	vmul.f32 v2, v16;
	v16 =	vld.idx.msk [tilespmem:v28+s6+$0x0], $0xffff  }
0x23d: {  	v8 =	vmul.f32 v22, v8;
	v1 =	vadd.f32 v1, v32;
	v12 =	vsub.f32 v18, v23;
	v27 =	vld.idx.msk [tilespmem:v27+s6+$0x0], $0xffff  }
0x23e: {  	v5 =	vsub.f32 v5, v24;
	v18 =	vcvt.s32.f32 v28;
	v4 =	vsub.f32 v4, v20;
	v24 =	vld.idx.msk [tilespmem:v59+s6+$0x0], $0xffff  }
0x23f: {  	v1 =	vsub.f32 $1.000000000e+00, v1;
	v12 =	vmul.f32 v15, v12;
	v15 =	vsub.f32 v25, v26  }
0x240: {  	v10 =	vmul.f32 v14, v10;
	v2 =	vadd.f32 v2, v55;
	v18 =	vsub.f32 v29, v18  }
0x241: {  	v20 =	vsub.f32 v31, v17;
	v12 =	vadd.f32 v12, v23;
	v0 =	vmul.f32 v0, v15  }
0x242: {  	v3 =	vmul.f32 v6, v3;
	v15 =	vsub.f32 v21, v13;
	v22 =	vsub.f32 v27, v19  }
0x243: {  	v4 =	vmul.f32 v4, v20;
	v0 =	vadd.f32 v0, v26;
	v14 =	vsub.f32 v24, v16  }
0x244: {  	[tilespmem:s26+$0xFFFFFFF0] =	vst v3;
	v5 =	vmul.f32 v5, v15;
	v3 =	vsub.f32 $1.000000000e+00, v12;
	v7 =	vmul.f32 v7, v22  }
0x245: {  	v4 =	vadd.f32 v4, v17;
	v0 =	vsub.f32 $1.000000000e+00, v0;
	v14 =	vmul.f32 v18, v14  }
0x246: {  	v5 =	vadd.f32 v5, v13;
	v7 =	vadd.f32 v7, v19  }
0x247: {  	[tilespmem:s26+$0x10] =	vst v8;
	v8 =	vadd.f32 v14, v16;
	v0 =	vmul.f32 v0, v1;
	v1 =	vsub.f32 $1.000000000e+00, v4  }
0x248: {  	s22 =	sadd.s32 $0x40, s22;
	[tilespmem:s26+$0x0] =	vst v10;
	v2 =	vsub.f32 $1.000000000e+00, v2;
	v6 =	vsub.f32 $1.000000000e+00, v7;
	v7 =	vmul.f32 v11, v9  }
0x249: {  	v4 =	vsub.f32 $1.000000000e+00, v5;
	v5 =	vsub.f32 $1.000000000e+00, v8;
	[tilespmem:s22+$0x10] =	vst v0;
	v0 =	vmul.f32 v1, v3  }
0x24a: {  	[tilespmem:s26+$0xFFFFFFE0] =	vst v7;
	v2 =	vmul.f32 v6, v2  }
0x24b: {  	v1 =	vmul.f32 v4, v5;
	[tilespmem:s22+$0xFFFFFFF0] =	vst v0  }
0x24c: {  	[tilespmem:s22+$0x0] =	vst v2  }
0x24d: {  	[tilespmem:s22+$0xFFFFFFE0] =	vst v1  }
0x24e: {  	[hbm4b:s21+s12] =	stream.strided.scatter [tilespmem:s7], [sflag:$0x3], $0x2000, s23, s12, $0x38;
	[tilespmem:$0x1E000] =	vst v63  }
0x24f: {  	s26 =	rddreg [dreg:$0x1d]  }
0x250: {  	[tilespmem:s9], [sflag:$0x1] =	stream.linear.gather [spmem:s26], $0x2000, $0x38;
	[tilespmem:$0x1E000] =	vst v63  }
0x251: {  	s22 =	rddreg [dreg:$0x1e]  }
0x252: {  	[tilespmem:s1], [sflag:$0x1] =	stream.linear.gather [spmem:s22], $0x2000, $0x38;
	[tilespmem:$0x1E000] =	vst v63  }
0x253: {  	_ =	swait.ge [sflag:s25], $0x2000  }
0x254: {  	[sflag:s25] =	ssyncset.done $0x0  }
0x255: {  	[sflag:s25] =	ssyncadd.s32 $0xFFFFE000  }
0x256: {  	_ =	swait.ge [sflag:s25], $0x2000  }
0x257: {  	[sflag:s25] =	ssyncset.done $0x0  }
0x258: {  	[sflag:s25] =	ssyncadd.s32 $0xFFFFE000  }
0x259: {  	_ =	swait.ge [sflag:s15], $0x2000  }
0x25a: {  	[sflag:s15] =	ssyncset.done $0x0  }
0x25b: {  	s21 =	simm.s32 $0x12020;
	[sflag:s15] =	ssyncadd.s32 $0xFFFFE000  }
0x25c: {  	s26 =	simm.s32 $0x16020;
	v3 =	vld [tilespmem:s21+$0x10]  }
0x25d: {  	v5 =	vld [tilespmem:s26+$0x10];
	_ =	sdelay $0x1  }
0x25e: {  	v4 =	vld [tilespmem:s21+$0x0]  }
0x25f: {  	v6 =	vld [tilespmem:s21+$0xFFFFFFF0]  }
0x260: {  	v7 =	vld [tilespmem:s26+$0x0];
	v0 =	vtrunc.f32 v3  }
0x261: {  	v9 =	vld [tilespmem:s26+$0xFFFFFFE0];
	v1 =	vtrunc.f32 v5;
	v8 =	vcvt.f32.s32 v0  }
0x262: {  	s28 =	simm.s32 $0x12060;
	v10 =	vld [tilespmem:s26+$0xFFFFFFF0];
	v13 =	vcvt.f32.s32 v1  }
0x263: {  	v2 =	vld [tilespmem:s28+$0x0];
	v0 =	vtrunc.f32 v4  }
0x264: {  	v17 =	vld [tilespmem:s21+$0xFFFFFFE0];
	v11 =	vcvt.f32.s32 v0;
	v12 =	vadd.s32 $0x1, v8  }
0x265: {  	s29 =	simm.s32 $0x16060;
	v1 =	vld [tilespmem:s28+$0x10];
	v0 =	vtrunc.f32 v6  }
0x266: {  	v14 =	vcvt.f32.s32 v0;
	v0 =	vld [tilespmem:s29+$0x10];
	v21 =	vadd.s32 $0x1, v13  }
0x267: {  	v24 =	vtrunc.f32 v7;
	v15 =	vadd.s32 $0x1, v11;
	v16 =	vld.idx.msk [tilespmem:v8+s6+$0x0], $0xffff  }
0x268: {  	v20 =	vtrunc.f32 v10;
	v24 =	vcvt.f32.s32 v24;
	v27 =	vld.idx.msk [tilespmem:v13+s6+$0x0], $0xffff  }
0x269: {  	v20 =	vcvt.f32.s32 v20;
	v12 =	vld.idx.msk [tilespmem:v12+s6+$0x0], $0xffff  }
0x26a: {  	v19 =	vtrunc.f32 v9;
	v18 =	vadd.s32 $0x1, v14;
	v22 =	vcvt.s32.f32 v14;
	v23 =	vld.idx.msk [tilespmem:v11+s6+$0x0], $0xffff  }
0x26b: {  	v19 =	vcvt.f32.s32 v19;
	v61 =	vadd.s32 $0x1, v20;
	v21 =	vld.idx.msk [tilespmem:v21+s6+$0x0], $0xffff  }
0x26c: {  	v22 =	vsub.f32 v6, v22;
	v6 =	vcvt.s32.f32 v8;
	v11 =	vcvt.s32.f32 v11;
	v25 =	vld.idx.msk [tilespmem:v15+s6+$0x0], $0xffff  }
0x26d: {  	v62 =	vadd.s32 $0x1, v24;
	v8 =	vadd.s32 $0x1, v19;
	v60 =	vld.idx.msk [tilespmem:v14+s6+$0x0], $0xffff  }
0x26e: {  	v3 =	vsub.f32 v3, v6;
	v6 =	vtrunc.f32 v17;
	v14 =	vld.idx.msk [tilespmem:v24+s6+$0x0], $0xffff;
	v4 =	vsub.f32 v4, v11  }
0x26f: {  	v18 =	vld.idx.msk [tilespmem:v18+s6+$0x0], $0xffff;
	v63 =	vcvt.f32.s32 v6;
	v11 =	vsub.f32 v12, v16;
	v12 =	vcvt.s32.f32 v24  }
0x270: {  	v6 =	vld.idx.msk [tilespmem:v20+s6+$0x0], $0xffff  }
0x271: {  	v24 =	vld.idx.msk [tilespmem:v61+s6+$0x0], $0xffff;
	v3 =	vmul.f32 v3, v11;
	v15 =	vsub.f32 v7, v12;
	v7 =	vcvt.s32.f32 v13  }
0x272: {  	v26 =	vcvt.s32.f32 v19;
	v11 =	vld.idx.msk [tilespmem:v19+s6+$0x0], $0xffff;
	v12 =	vsub.f32 v25, v23;
	v19 =	vcvt.s32.f32 v20  }
0x273: {  	v20 =	vld.idx.msk [tilespmem:v8+s6+$0x0], $0xffff;
	v25 =	vadd.s32 $0x1, v63;
	v3 =	vadd.f32 v3, v16;
	v5 =	vsub.f32 v5, v7  }
0x274: {  	v7 =	vsub.f32 v18, v60;
	v4 =	vmul.f32 v4, v12;
	v16 =	vsub.f32 v9, v26;
	v26 =	vld.idx.msk [tilespmem:v62+s6+$0x0], $0xffff  }
0x275: {  	v12 =	vcvt.s32.f32 v63;
	v18 =	vsub.f32 v21, v27;
	v21 =	vsub.f32 v10, v19;
	v9 =	vld.idx.msk [tilespmem:v63+s6+$0x0], $0xffff  }
0x276: {  	v8 =	vsub.f32 $1.000000000e+00, v3;
	v3 =	vmul.f32 v22, v7;
	v4 =	vadd.f32 v4, v23;
	v7 =	vld [tilespmem:s29+$0x0]  }
0x277: {  	v13 =	vsub.f32 v17, v12;
	v22 =	vmul.f32 v5, v18;
	v18 =	vld [tilespmem:s28+$0xFFFFFFF0];
	v17 =	vtrunc.f32 v1  }
0x278: {  	v24 =	vsub.f32 v24, v6;
	v23 =	vld.idx.msk [tilespmem:v25+s6+$0x0], $0xffff;
	v20 =	vsub.f32 v20, v11;
	v17 =	vcvt.f32.s32 v17  }
0x279: {  	v3 =	vadd.f32 v3, v60;
	v10 =	vsub.f32 $1.000000000e+00, v4;
	v4 =	vtrunc.f32 v0  }
0x27a: {  	s30 =	simm.s32 $0x40;
	s31 =	simm.s32 $0x12060;
	v5 =	vld [tilespmem:s29+$0xFFFFFFE0];
	v22 =	vadd.f32 v22, v27;
	v12 =	vcvt.f32.s32 v4;
	v25 =	vsub.f32 v26, v14  }
0x27b: {  	s22 =	simm.s32 $0x1A020;
	s21 =	sadd.s32 s20, s5;
	s26 =	simm.s32 $0x1A020;
	v4 =	vld [tilespmem:s29+$0xFFFFFFF0];
	v26 =	vtrunc.f32 v2;
	v3 =	vsub.f32 $1.000000000e+00, v3;
	v19 =	vtrunc.f32 v7  }
.LBB2_13:
0x27c: {  	s30 =	sadd.s32 $0x40, s30;
	v26 =	vcvt.f32.s32 v26;
	v27 =	vadd.s32 $0x1, v17;
	s28 =	sadd.s32 $0x40, s28;
	v15 =	vmul.f32 v15, v25;
	s22 =	sadd.s32 $0x40, s22  }
0x27d: {  	v29 =	vadd.s32 $0x1, v12;
	v23 =	vsub.f32 v23, v9;
	v25 =	vld [tilespmem:s28+$0x0];
	p0 =	slt.u32 s30, $0x1FC0;
	v28 =	vtrunc.f32 v18  }
0x27e: {  	v21 =	vmul.f32 v21, v24;
	v30 =	vld [tilespmem:s31+$0xFFFFFFE0];
	v28 =	vcvt.f32.s32 v28;
	v31 =	vadd.s32 $0x1, v26;
	s31 =	smov.u32 s28  }
0x27f: {  	v32 =	vtrunc.f32 v5;
	v14 =	vadd.f32 v15, v14;
	v15 =	vsub.f32 $1.000000000e+00, v22;
	v24 =	vld [tilespmem:s28+$0x10]  }
0x280: {  	s29 =	sadd.s32 $0x40, s29;
	v16 =	vmul.f32 v16, v20;
	v22 =	vcvt.s32.f32 v28;
	v33 =	vadd.s32 $0x1, v28;
	v34 =	vld.idx.msk [tilespmem:v17+s6+$0x0], $0xffff  }
0x281: {  	v35 =	vtrunc.f32 v4;
	v14 =	vsub.f32 $1.000000000e+00, v14;
	v8 =	vmul.f32 v15, v8;
	v20 =	vld [tilespmem:s29+$0x10]  }
0x282: {  	v11 =	vadd.f32 v16, v11;
	v32 =	vcvt.f32.s32 v32;
	v18 =	vsub.f32 v18, v22;
	v15 =	vld.idx.msk [tilespmem:v27+s6+$0x0], $0xffff  }
0x283: {  	v21 =	vadd.f32 v21, v6;
	v16 =	vcvt.f32.s32 v35;
	v22 =	vcvt.s32.f32 v26;
	v26 =	vld.idx.msk [tilespmem:v26+s6+$0x0], $0xffff;
	[tilespmem:s26+$0x10] =	vst v8  }
0x284: {  	v19 =	vcvt.f32.s32 v19;
	v6 =	vmul.f32 v14, v10;
	v8 =	vadd.s32 $0x1, v32;
	v27 =	vld.idx.msk [tilespmem:v12+s6+$0x0], $0xffff  }
0x285: {  	v17 =	vcvt.s32.f32 v17;
	v10 =	vsub.f32 v2, v22;
	v22 =	vsub.f32 $1.000000000e+00, v11;
	v2 =	vmovc v25;
	v14 =	vld.idx.msk [tilespmem:v31+s6+$0x0], $0xffff  }
0x286: {  	v25 =	vcvt.s32.f32 v32;
	v11 =	vmul.f32 v13, v23;
	v31 =	vld.idx.msk [tilespmem:v33+s6+$0x0], $0xffff;
	v33 =	vadd.s32 $0x1, v19;
	[tilespmem:s26+$0x0] =	vst v6  }
0x287: {  	v17 =	vsub.f32 v1, v17;
	v13 =	vcvt.s32.f32 v19;
	v1 =	vmovc v24;
	v6 =	vtrunc.f32 v30;
	v28 =	vld.idx.msk [tilespmem:v28+s6+$0x0], $0xffff  }
0x288: {  	v24 =	vadd.s32 $0x1, v16;
	v23 =	vcvt.f32.s32 v6;
	v35 =	vsub.f32 v15, v34;
	v29 =	vld.idx.msk [tilespmem:v29+s6+$0x0], $0xffff  }
0x289: {  	v9 =	vadd.f32 v11, v9;
	v15 =	vsub.f32 v7, v13;
	v7 =	vcvt.s32.f32 v12;
	v6 =	vld.idx.msk [tilespmem:v16+s6+$0x0], $0xffff  }
0x28a: {  	v12 =	vcvt.s32.f32 v16;
	v13 =	vmul.f32 v17, v35;
	v16 =	vsub.f32 $1.000000000e+00, v21;
	v11 =	vld.idx.msk [tilespmem:v32+s6+$0x0], $0xffff  }
0x28b: {  	v9 =	vsub.f32 $1.000000000e+00, v9;
	v17 =	vcvt.s32.f32 v23;
	v32 =	vld.idx.msk [tilespmem:v8+s6+$0x0], $0xffff;
	v8 =	vsub.f32 v14, v26  }
0x28c: {  	v35 =	vadd.s32 $0x1, v23;
	v13 =	vadd.f32 v13, v34;
	v14 =	vld.idx.msk [tilespmem:v19+s6+$0x0], $0xffff;
	v19 =	vsub.f32 v0, v7;
	v0 =	vmovc v20  }
0x28d: {  	v3 =	vmul.f32 v16, v3;
	v20 =	vsub.f32 v31, v28;
	v24 =	vld.idx.msk [tilespmem:v24+s6+$0x0], $0xffff;
	v10 =	vmul.f32 v10, v8  }
0x28e: {  	v16 =	vsub.f32 v5, v25;
	v5 =	vmul.f32 v22, v9;
	v8 =	vsub.f32 $1.000000000e+00, v13;
	v25 =	vld.idx.msk [tilespmem:v33+s6+$0x0], $0xffff  }
0x28f: {  	v18 =	vmul.f32 v18, v20;
	v20 =	vsub.f32 v29, v27;
	v7 =	vld [tilespmem:s29+$0x0];
	v10 =	vadd.f32 v10, v26;
	[tilespmem:s26+$0xFFFFFFF0] =	vst v3  }
0x290: {  	v21 =	vsub.f32 v4, v12;
	v13 =	vsub.f32 v30, v17;
	v9 =	vld.idx.msk [tilespmem:v23+s6+$0x0], $0xffff;
	[tilespmem:s26+$0xFFFFFFE0] =	vst v5;
	s26 =	smov.u32 s22  }
.Ltmp5:
0x291: {  	v3 =	vadd.f32 v18, v28;
	v22 =	vmul.f32 v19, v20;
	v23 =	vld.idx.msk [tilespmem:v35+s6+$0x0], $0xffff;
	v10 =	vsub.f32 $1.000000000e+00, v10;
	(pc) =	sbr.rel @p0 .LBB2_13-.Ltmp5, $4  }
0x292: {  	v4 =	vtrunc.f32 v0;
	v20 =	vsub.f32 v32, v11;
	v18 =	vld [tilespmem:s28+$0xFFFFFFF0]  }
0x293: {  	v17 =	vtrunc.f32 v1;
	v12 =	vcvt.f32.s32 v4;
	v3 =	vsub.f32 $1.000000000e+00, v3;
	v5 =	vld [tilespmem:s29+$0xFFFFFFE0]  }
0x294: {  	v17 =	vcvt.f32.s32 v17;
	v24 =	vsub.f32 v24, v6;
	v25 =	vsub.f32 v25, v14  }
0x295: {  	v26 =	vtrunc.f32 v2;
	v22 =	vadd.f32 v22, v27;
	v19 =	vtrunc.f32 v7;
	v4 =	vld [tilespmem:s29+$0xFFFFFFF0]  }
0x296: {  	v27 =	vadd.s32 $0x1, v17  }
0x297: {  	v26 =	vcvt.f32.s32 v26;
	v15 =	vmul.f32 v15, v25;
	v25 =	vadd.s32 $0x1, v12;
	_ =	sdelay $0x1  }
0x298: {  	v29 =	vld [tilespmem:s31+$0xFFFFFFE0];
	v21 =	vmul.f32 v21, v24;
	v23 =	vsub.f32 v23, v9;
	v28 =	vtrunc.f32 v18  }
0x299: {  	v32 =	vld.idx.msk [tilespmem:v17+s6+$0x0], $0xffff;
	v16 =	vmul.f32 v16, v20;
	v28 =	vcvt.f32.s32 v28;
	v30 =	vadd.s32 $0x1, v26  }
0x29a: {  	v17 =	vcvt.s32.f32 v17;
	v24 =	vtrunc.f32 v5;
	v14 =	vadd.f32 v15, v14;
	v27 =	vld.idx.msk [tilespmem:v27+s6+$0x0], $0xffff  }
0x29b: {  	v24 =	vcvt.f32.s32 v24;
	v31 =	vadd.s32 $0x1, v28;
	v15 =	vcvt.s32.f32 v28;
	v25 =	vld.idx.msk [tilespmem:v25+s6+$0x0], $0xffff  }
0x29c: {  	v19 =	vcvt.f32.s32 v19;
	v6 =	vadd.f32 v21, v6;
	v33 =	vtrunc.f32 v4;
	v55 =	vld.idx.msk [tilespmem:v26+s6+$0x0], $0xffff  }
0x29d: {  	v21 =	vadd.s32 $0x1, v24;
	v15 =	vsub.f32 v18, v15;
	v18 =	vcvt.s32.f32 v26;
	v26 =	vld.idx.msk [tilespmem:v12+s6+$0x0], $0xffff  }
0x29e: {  	v11 =	vadd.f32 v16, v11;
	v13 =	vmul.f32 v13, v23;
	v20 =	vcvt.f32.s32 v33;
	v16 =	vld.idx.msk [tilespmem:v30+s6+$0x0], $0xffff  }
0x29f: {  	v22 =	vsub.f32 $1.000000000e+00, v22;
	v57 =	vcvt.s32.f32 v19;
	v56 =	vtrunc.f32 v29;
	v23 =	vld.idx.msk [tilespmem:v28+s6+$0x0], $0xffff  }
0x2a0: {  	v58 =	vadd.s32 $0x1, v20;
	v2 =	vsub.f32 v2, v18;
	v28 =	vcvt.f32.s32 v56;
	v18 =	vld.idx.msk [tilespmem:v31+s6+$0x0], $0xffff  }
0x2a1: {  	v1 =	vsub.f32 v1, v17;
	v9 =	vadd.f32 v13, v9;
	v13 =	vld.idx.msk [tilespmem:v24+s6+$0x0], $0xffff  }
0x2a2: {  	v7 =	vsub.f32 v7, v57;
	v17 =	vsub.f32 v27, v32;
	v27 =	vadd.s32 $0x1, v19;
	v21 =	vld.idx.msk [tilespmem:v21+s6+$0x0], $0xffff  }
0x2a3: {  	v14 =	vsub.f32 $1.000000000e+00, v14;
	v11 =	vsub.f32 $1.000000000e+00, v11;
	v59 =	vadd.s32 $0x1, v28;
	v19 =	vld.idx.msk [tilespmem:v19+s6+$0x0], $0xffff  }
0x2a4: {  	v12 =	vcvt.s32.f32 v12;
	v1 =	vmul.f32 v1, v17;
	v17 =	vld.idx.msk [tilespmem:v20+s6+$0x0], $0xffff;
	v16 =	vsub.f32 v16, v55  }
0x2a5: {  	v6 =	vsub.f32 $1.000000000e+00, v6;
	v9 =	vsub.f32 $1.000000000e+00, v9;
	v24 =	vcvt.s32.f32 v24;
	v31 =	vld.idx.msk [tilespmem:v58+s6+$0x0], $0xffff  }
0x2a6: {  	v0 =	vsub.f32 v0, v12;
	v20 =	vcvt.s32.f32 v20;
	v2 =	vmul.f32 v2, v16;
	v16 =	vld.idx.msk [tilespmem:v28+s6+$0x0], $0xffff  }
0x2a7: {  	v8 =	vmul.f32 v22, v8;
	v1 =	vadd.f32 v1, v32;
	v12 =	vsub.f32 v18, v23;
	v27 =	vld.idx.msk [tilespmem:v27+s6+$0x0], $0xffff  }
0x2a8: {  	v5 =	vsub.f32 v5, v24;
	v18 =	vcvt.s32.f32 v28;
	v4 =	vsub.f32 v4, v20;
	v24 =	vld.idx.msk [tilespmem:v59+s6+$0x0], $0xffff  }
0x2a9: {  	v1 =	vsub.f32 $1.000000000e+00, v1;
	v12 =	vmul.f32 v15, v12;
	v15 =	vsub.f32 v25, v26  }
0x2aa: {  	v10 =	vmul.f32 v14, v10;
	v2 =	vadd.f32 v2, v55;
	v18 =	vsub.f32 v29, v18  }
0x2ab: {  	v20 =	vsub.f32 v31, v17;
	v12 =	vadd.f32 v12, v23;
	v0 =	vmul.f32 v0, v15  }
0x2ac: {  	v3 =	vmul.f32 v6, v3;
	v15 =	vsub.f32 v21, v13;
	v22 =	vsub.f32 v27, v19  }
0x2ad: {  	v4 =	vmul.f32 v4, v20;
	v0 =	vadd.f32 v0, v26;
	v14 =	vsub.f32 v24, v16  }
0x2ae: {  	[tilespmem:s26+$0xFFFFFFF0] =	vst v3;
	v5 =	vmul.f32 v5, v15;
	v3 =	vsub.f32 $1.000000000e+00, v12;
	v7 =	vmul.f32 v7, v22  }
0x2af: {  	v4 =	vadd.f32 v4, v17;
	v0 =	vsub.f32 $1.000000000e+00, v0;
	v14 =	vmul.f32 v18, v14  }
0x2b0: {  	v5 =	vadd.f32 v5, v13;
	v7 =	vadd.f32 v7, v19  }
0x2b1: {  	[tilespmem:s26+$0x10] =	vst v8;
	v8 =	vadd.f32 v14, v16;
	v0 =	vmul.f32 v0, v1;
	v1 =	vsub.f32 $1.000000000e+00, v4  }
0x2b2: {  	s22 =	sadd.s32 $0x40, s22;
	[tilespmem:s26+$0x0] =	vst v10;
	v2 =	vsub.f32 $1.000000000e+00, v2;
	v6 =	vsub.f32 $1.000000000e+00, v7;
	v7 =	vmul.f32 v11, v9  }
0x2b3: {  	v4 =	vsub.f32 $1.000000000e+00, v5;
	v5 =	vsub.f32 $1.000000000e+00, v8;
	[tilespmem:s22+$0x10] =	vst v0;
	v0 =	vmul.f32 v1, v3  }
0x2b4: {  	[tilespmem:s26+$0xFFFFFFE0] =	vst v7;
	v2 =	vmul.f32 v6, v2  }
0x2b5: {  	v1 =	vmul.f32 v4, v5;
	[tilespmem:s22+$0xFFFFFFF0] =	vst v0  }
0x2b6: {  	[tilespmem:s22+$0x0] =	vst v2  }
0x2b7: {  	[tilespmem:s22+$0xFFFFFFE0] =	vst v1  }
0x2b8: {  	[hbm4b:s21+s12] =	stream.strided.scatter [tilespmem:s13], [sflag:$0x4], $0x2000, s23, s12, $0x38;
	[tilespmem:$0x1E000] =	vst v63  }
0x2b9: {  	_ = 	snop  }
0x2ba: {  	[tilespmem:s4], [sflag:$0x2] =	stream.linear.gather [spmem:s8], $0x2000, $0x38;
	[tilespmem:$0x1E000] =	vst v63  }
0x2bb: {  	_ = 	snop  }
0x2bc: {  	[tilespmem:s2], [sflag:$0x2] =	stream.linear.gather [spmem:s10], $0x2000, $0x38;
	[tilespmem:$0x1E000] =	vst v63  }
0x2bd: {  	_ =	swait.ge [sflag:s24], $0x2000  }
0x2be: {  	[sflag:s24] =	ssyncset.done $0x0  }
0x2bf: {  	[sflag:s24] =	ssyncadd.s32 $0xFFFFE000  }
0x2c0: {  	_ =	swait.ge [sflag:s24], $0x2000  }
0x2c1: {  	[sflag:s24] =	ssyncset.done $0x0  }
0x2c2: {  	[sflag:s24] =	ssyncadd.s32 $0xFFFFE000  }
0x2c3: {  	_ =	swait.ge [sflag:s14], $0x2000  }
0x2c4: {  	[sflag:s14] =	ssyncset.done $0x0  }
0x2c5: {  	s21 =	simm.s32 $0x10020;
	[sflag:s14] =	ssyncadd.s32 $0xFFFFE000  }
0x2c6: {  	s31 =	simm.s32 $0x14020;
	v3 =	vld [tilespmem:s21+$0x10]  }
0x2c7: {  	v5 =	vld [tilespmem:s31+$0x10];
	_ =	sdelay $0x1  }
0x2c8: {  	v4 =	vld [tilespmem:s21+$0x0]  }
0x2c9: {  	v6 =	vld [tilespmem:s21+$0xFFFFFFF0]  }
0x2ca: {  	v7 =	vld [tilespmem:s31+$0x0];
	v0 =	vtrunc.f32 v3  }
0x2cb: {  	v9 =	vld [tilespmem:s31+$0xFFFFFFE0];
	v1 =	vtrunc.f32 v5;
	v8 =	vcvt.f32.s32 v0  }
0x2cc: {  	s26 =	simm.s32 $0x10060;
	v10 =	vld [tilespmem:s31+$0xFFFFFFF0];
	v13 =	vcvt.f32.s32 v1  }
0x2cd: {  	v2 =	vld [tilespmem:s26+$0x0];
	v0 =	vtrunc.f32 v4  }
0x2ce: {  	v17 =	vld [tilespmem:s21+$0xFFFFFFE0];
	v11 =	vcvt.f32.s32 v0;
	v12 =	vadd.s32 $0x1, v8  }
0x2cf: {  	s28 =	simm.s32 $0x14060;
	v1 =	vld [tilespmem:s26+$0x10];
	v0 =	vtrunc.f32 v6  }
0x2d0: {  	v14 =	vcvt.f32.s32 v0;
	v0 =	vld [tilespmem:s28+$0x10];
	v21 =	vadd.s32 $0x1, v13  }
0x2d1: {  	v24 =	vtrunc.f32 v7;
	v15 =	vadd.s32 $0x1, v11;
	v16 =	vld.idx.msk [tilespmem:v8+s6+$0x0], $0xffff  }
0x2d2: {  	v20 =	vtrunc.f32 v10;
	v24 =	vcvt.f32.s32 v24;
	v27 =	vld.idx.msk [tilespmem:v13+s6+$0x0], $0xffff  }
0x2d3: {  	v20 =	vcvt.f32.s32 v20;
	v12 =	vld.idx.msk [tilespmem:v12+s6+$0x0], $0xffff  }
0x2d4: {  	v19 =	vtrunc.f32 v9;
	v18 =	vadd.s32 $0x1, v14;
	v22 =	vcvt.s32.f32 v14;
	v23 =	vld.idx.msk [tilespmem:v11+s6+$0x0], $0xffff  }
0x2d5: {  	v19 =	vcvt.f32.s32 v19;
	v61 =	vadd.s32 $0x1, v20;
	v21 =	vld.idx.msk [tilespmem:v21+s6+$0x0], $0xffff  }
0x2d6: {  	v22 =	vsub.f32 v6, v22;
	v6 =	vcvt.s32.f32 v8;
	v11 =	vcvt.s32.f32 v11;
	v25 =	vld.idx.msk [tilespmem:v15+s6+$0x0], $0xffff  }
0x2d7: {  	v62 =	vadd.s32 $0x1, v24;
	v8 =	vadd.s32 $0x1, v19;
	v60 =	vld.idx.msk [tilespmem:v14+s6+$0x0], $0xffff  }
0x2d8: {  	v3 =	vsub.f32 v3, v6;
	v6 =	vtrunc.f32 v17;
	v14 =	vld.idx.msk [tilespmem:v24+s6+$0x0], $0xffff;
	v4 =	vsub.f32 v4, v11  }
0x2d9: {  	v18 =	vld.idx.msk [tilespmem:v18+s6+$0x0], $0xffff;
	v63 =	vcvt.f32.s32 v6;
	v11 =	vsub.f32 v12, v16;
	v12 =	vcvt.s32.f32 v24  }
0x2da: {  	v6 =	vld.idx.msk [tilespmem:v20+s6+$0x0], $0xffff  }
0x2db: {  	v24 =	vld.idx.msk [tilespmem:v61+s6+$0x0], $0xffff;
	v3 =	vmul.f32 v3, v11;
	v15 =	vsub.f32 v7, v12;
	v7 =	vcvt.s32.f32 v13  }
0x2dc: {  	v26 =	vcvt.s32.f32 v19;
	v11 =	vld.idx.msk [tilespmem:v19+s6+$0x0], $0xffff;
	v12 =	vsub.f32 v25, v23;
	v19 =	vcvt.s32.f32 v20  }
0x2dd: {  	v20 =	vld.idx.msk [tilespmem:v8+s6+$0x0], $0xffff;
	v25 =	vadd.s32 $0x1, v63;
	v3 =	vadd.f32 v3, v16;
	v5 =	vsub.f32 v5, v7  }
0x2de: {  	v7 =	vsub.f32 v18, v60;
	v4 =	vmul.f32 v4, v12;
	v16 =	vsub.f32 v9, v26;
	v26 =	vld.idx.msk [tilespmem:v62+s6+$0x0], $0xffff  }
0x2df: {  	v12 =	vcvt.s32.f32 v63;
	v18 =	vsub.f32 v21, v27;
	v21 =	vsub.f32 v10, v19;
	v9 =	vld.idx.msk [tilespmem:v63+s6+$0x0], $0xffff  }
0x2e0: {  	v8 =	vsub.f32 $1.000000000e+00, v3;
	v3 =	vmul.f32 v22, v7;
	v4 =	vadd.f32 v4, v23;
	v7 =	vld [tilespmem:s28+$0x0]  }
0x2e1: {  	v13 =	vsub.f32 v17, v12;
	v22 =	vmul.f32 v5, v18;
	v18 =	vld [tilespmem:s26+$0xFFFFFFF0];
	v17 =	vtrunc.f32 v1  }
0x2e2: {  	v24 =	vsub.f32 v24, v6;
	v23 =	vld.idx.msk [tilespmem:v25+s6+$0x0], $0xffff;
	v20 =	vsub.f32 v20, v11;
	v17 =	vcvt.f32.s32 v17  }
0x2e3: {  	v3 =	vadd.f32 v3, v60;
	v10 =	vsub.f32 $1.000000000e+00, v4;
	v4 =	vtrunc.f32 v0  }
0x2e4: {  	s20 =	sadd.s32 s20, s11;
	s29 =	simm.s32 $0x40;
	v5 =	vld [tilespmem:s28+$0xFFFFFFE0];
	v22 =	vadd.f32 v22, v27;
	v12 =	vcvt.f32.s32 v4;
	v25 =	vsub.f32 v26, v14  }
0x2e5: {  	s30 =	simm.s32 $0x10060;
	s22 =	simm.s32 $0x18020;
	s21 =	simm.s32 $0x18020;
	v4 =	vld [tilespmem:s28+$0xFFFFFFF0];
	v26 =	vtrunc.f32 v2;
	v3 =	vsub.f32 $1.000000000e+00, v3;
	v19 =	vtrunc.f32 v7  }
.LBB2_15:
0x2e6: {  	s29 =	sadd.s32 $0x40, s29;
	v26 =	vcvt.f32.s32 v26;
	v27 =	vadd.s32 $0x1, v17;
	s26 =	sadd.s32 $0x40, s26;
	v15 =	vmul.f32 v15, v25;
	s21 =	sadd.s32 $0x40, s21  }
0x2e7: {  	v29 =	vadd.s32 $0x1, v12;
	v23 =	vsub.f32 v23, v9;
	v25 =	vld [tilespmem:s26+$0x0];
	p0 =	slt.u32 s29, $0x1FC0;
	v28 =	vtrunc.f32 v18  }
0x2e8: {  	v21 =	vmul.f32 v21, v24;
	v30 =	vld [tilespmem:s30+$0xFFFFFFE0];
	v28 =	vcvt.f32.s32 v28;
	v31 =	vadd.s32 $0x1, v26;
	s30 =	smov.u32 s26  }
0x2e9: {  	v32 =	vtrunc.f32 v5;
	v14 =	vadd.f32 v15, v14;
	v15 =	vsub.f32 $1.000000000e+00, v22;
	v24 =	vld [tilespmem:s26+$0x10]  }
0x2ea: {  	s28 =	sadd.s32 $0x40, s28;
	v16 =	vmul.f32 v16, v20;
	v22 =	vcvt.s32.f32 v28;
	v33 =	vadd.s32 $0x1, v28;
	v34 =	vld.idx.msk [tilespmem:v17+s6+$0x0], $0xffff  }
0x2eb: {  	v35 =	vtrunc.f32 v4;
	v14 =	vsub.f32 $1.000000000e+00, v14;
	v8 =	vmul.f32 v15, v8;
	v20 =	vld [tilespmem:s28+$0x10]  }
0x2ec: {  	v11 =	vadd.f32 v16, v11;
	v32 =	vcvt.f32.s32 v32;
	v18 =	vsub.f32 v18, v22;
	v15 =	vld.idx.msk [tilespmem:v27+s6+$0x0], $0xffff  }
0x2ed: {  	v21 =	vadd.f32 v21, v6;
	v16 =	vcvt.f32.s32 v35;
	v22 =	vcvt.s32.f32 v26;
	v26 =	vld.idx.msk [tilespmem:v26+s6+$0x0], $0xffff;
	[tilespmem:s22+$0x10] =	vst v8  }
0x2ee: {  	v19 =	vcvt.f32.s32 v19;
	v6 =	vmul.f32 v14, v10;
	v8 =	vadd.s32 $0x1, v32;
	v27 =	vld.idx.msk [tilespmem:v12+s6+$0x0], $0xffff  }
0x2ef: {  	v17 =	vcvt.s32.f32 v17;
	v10 =	vsub.f32 v2, v22;
	v22 =	vsub.f32 $1.000000000e+00, v11;
	v2 =	vmovc v25;
	v14 =	vld.idx.msk [tilespmem:v31+s6+$0x0], $0xffff  }
0x2f0: {  	v25 =	vcvt.s32.f32 v32;
	v11 =	vmul.f32 v13, v23;
	v31 =	vld.idx.msk [tilespmem:v33+s6+$0x0], $0xffff;
	v33 =	vadd.s32 $0x1, v19;
	[tilespmem:s22+$0x0] =	vst v6  }
0x2f1: {  	v17 =	vsub.f32 v1, v17;
	v13 =	vcvt.s32.f32 v19;
	v1 =	vmovc v24;
	v6 =	vtrunc.f32 v30;
	v28 =	vld.idx.msk [tilespmem:v28+s6+$0x0], $0xffff  }
0x2f2: {  	v24 =	vadd.s32 $0x1, v16;
	v23 =	vcvt.f32.s32 v6;
	v35 =	vsub.f32 v15, v34;
	v29 =	vld.idx.msk [tilespmem:v29+s6+$0x0], $0xffff  }
0x2f3: {  	v9 =	vadd.f32 v11, v9;
	v15 =	vsub.f32 v7, v13;
	v7 =	vcvt.s32.f32 v12;
	v6 =	vld.idx.msk [tilespmem:v16+s6+$0x0], $0xffff  }
0x2f4: {  	v12 =	vcvt.s32.f32 v16;
	v13 =	vmul.f32 v17, v35;
	v16 =	vsub.f32 $1.000000000e+00, v21;
	v11 =	vld.idx.msk [tilespmem:v32+s6+$0x0], $0xffff  }
0x2f5: {  	v9 =	vsub.f32 $1.000000000e+00, v9;
	v17 =	vcvt.s32.f32 v23;
	v32 =	vld.idx.msk [tilespmem:v8+s6+$0x0], $0xffff;
	v8 =	vsub.f32 v14, v26  }
0x2f6: {  	v35 =	vadd.s32 $0x1, v23;
	v13 =	vadd.f32 v13, v34;
	v14 =	vld.idx.msk [tilespmem:v19+s6+$0x0], $0xffff;
	v19 =	vsub.f32 v0, v7;
	v0 =	vmovc v20  }
0x2f7: {  	v3 =	vmul.f32 v16, v3;
	v20 =	vsub.f32 v31, v28;
	v24 =	vld.idx.msk [tilespmem:v24+s6+$0x0], $0xffff;
	v10 =	vmul.f32 v10, v8  }
0x2f8: {  	v16 =	vsub.f32 v5, v25;
	v5 =	vmul.f32 v22, v9;
	v8 =	vsub.f32 $1.000000000e+00, v13;
	v25 =	vld.idx.msk [tilespmem:v33+s6+$0x0], $0xffff  }
0x2f9: {  	v18 =	vmul.f32 v18, v20;
	v20 =	vsub.f32 v29, v27;
	v7 =	vld [tilespmem:s28+$0x0];
	v10 =	vadd.f32 v10, v26;
	[tilespmem:s22+$0xFFFFFFF0] =	vst v3  }
0x2fa: {  	v21 =	vsub.f32 v4, v12;
	v13 =	vsub.f32 v30, v17;
	v9 =	vld.idx.msk [tilespmem:v23+s6+$0x0], $0xffff;
	[tilespmem:s22+$0xFFFFFFE0] =	vst v5;
	s22 =	smov.u32 s21  }
.Ltmp6:
0x2fb: {  	v3 =	vadd.f32 v18, v28;
	v22 =	vmul.f32 v19, v20;
	v23 =	vld.idx.msk [tilespmem:v35+s6+$0x0], $0xffff;
	v10 =	vsub.f32 $1.000000000e+00, v10;
	(pc) =	sbr.rel @p0 .LBB2_15-.Ltmp6, $4  }
0x2fc: {  	v4 =	vtrunc.f32 v0;
	v20 =	vsub.f32 v32, v11;
	v18 =	vld [tilespmem:s26+$0xFFFFFFF0]  }
0x2fd: {  	v17 =	vtrunc.f32 v1;
	v12 =	vcvt.f32.s32 v4;
	v3 =	vsub.f32 $1.000000000e+00, v3;
	v5 =	vld [tilespmem:s28+$0xFFFFFFE0]  }
0x2fe: {  	v17 =	vcvt.f32.s32 v17;
	v24 =	vsub.f32 v24, v6;
	v25 =	vsub.f32 v25, v14  }
0x2ff: {  	v26 =	vtrunc.f32 v2;
	v22 =	vadd.f32 v22, v27;
	v19 =	vtrunc.f32 v7;
	v4 =	vld [tilespmem:s28+$0xFFFFFFF0]  }
0x300: {  	v27 =	vadd.s32 $0x1, v17  }
0x301: {  	v26 =	vcvt.f32.s32 v26;
	v15 =	vmul.f32 v15, v25;
	v25 =	vadd.s32 $0x1, v12;
	_ =	sdelay $0x1  }
0x302: {  	v29 =	vld [tilespmem:s30+$0xFFFFFFE0];
	v21 =	vmul.f32 v21, v24;
	v23 =	vsub.f32 v23, v9;
	v28 =	vtrunc.f32 v18  }
0x303: {  	v32 =	vld.idx.msk [tilespmem:v17+s6+$0x0], $0xffff;
	v16 =	vmul.f32 v16, v20;
	v28 =	vcvt.f32.s32 v28;
	v30 =	vadd.s32 $0x1, v26  }
0x304: {  	v17 =	vcvt.s32.f32 v17;
	v24 =	vtrunc.f32 v5;
	v14 =	vadd.f32 v15, v14;
	v27 =	vld.idx.msk [tilespmem:v27+s6+$0x0], $0xffff  }
0x305: {  	v24 =	vcvt.f32.s32 v24;
	v31 =	vadd.s32 $0x1, v28;
	v15 =	vcvt.s32.f32 v28;
	v25 =	vld.idx.msk [tilespmem:v25+s6+$0x0], $0xffff  }
0x306: {  	v19 =	vcvt.f32.s32 v19;
	v6 =	vadd.f32 v21, v6;
	v33 =	vtrunc.f32 v4;
	v55 =	vld.idx.msk [tilespmem:v26+s6+$0x0], $0xffff  }
0x307: {  	v21 =	vadd.s32 $0x1, v24;
	v15 =	vsub.f32 v18, v15;
	v18 =	vcvt.s32.f32 v26;
	v26 =	vld.idx.msk [tilespmem:v12+s6+$0x0], $0xffff  }
0x308: {  	v11 =	vadd.f32 v16, v11;
	v13 =	vmul.f32 v13, v23;
	v20 =	vcvt.f32.s32 v33;
	v16 =	vld.idx.msk [tilespmem:v30+s6+$0x0], $0xffff  }
0x309: {  	v22 =	vsub.f32 $1.000000000e+00, v22;
	v57 =	vcvt.s32.f32 v19;
	v56 =	vtrunc.f32 v29;
	v23 =	vld.idx.msk [tilespmem:v28+s6+$0x0], $0xffff  }
0x30a: {  	v58 =	vadd.s32 $0x1, v20;
	v2 =	vsub.f32 v2, v18;
	v28 =	vcvt.f32.s32 v56;
	v18 =	vld.idx.msk [tilespmem:v31+s6+$0x0], $0xffff  }
0x30b: {  	v1 =	vsub.f32 v1, v17;
	v9 =	vadd.f32 v13, v9;
	v13 =	vld.idx.msk [tilespmem:v24+s6+$0x0], $0xffff  }
0x30c: {  	v7 =	vsub.f32 v7, v57;
	v17 =	vsub.f32 v27, v32;
	v27 =	vadd.s32 $0x1, v19;
	v21 =	vld.idx.msk [tilespmem:v21+s6+$0x0], $0xffff  }
0x30d: {  	v14 =	vsub.f32 $1.000000000e+00, v14;
	v11 =	vsub.f32 $1.000000000e+00, v11;
	v59 =	vadd.s32 $0x1, v28;
	v19 =	vld.idx.msk [tilespmem:v19+s6+$0x0], $0xffff  }
0x30e: {  	v12 =	vcvt.s32.f32 v12;
	v1 =	vmul.f32 v1, v17;
	v17 =	vld.idx.msk [tilespmem:v20+s6+$0x0], $0xffff;
	v16 =	vsub.f32 v16, v55  }
0x30f: {  	v6 =	vsub.f32 $1.000000000e+00, v6;
	v9 =	vsub.f32 $1.000000000e+00, v9;
	v24 =	vcvt.s32.f32 v24;
	v31 =	vld.idx.msk [tilespmem:v58+s6+$0x0], $0xffff  }
0x310: {  	v0 =	vsub.f32 v0, v12;
	v20 =	vcvt.s32.f32 v20;
	v2 =	vmul.f32 v2, v16;
	v16 =	vld.idx.msk [tilespmem:v28+s6+$0x0], $0xffff  }
0x311: {  	v8 =	vmul.f32 v22, v8;
	v1 =	vadd.f32 v1, v32;
	v12 =	vsub.f32 v18, v23;
	v27 =	vld.idx.msk [tilespmem:v27+s6+$0x0], $0xffff  }
0x312: {  	v5 =	vsub.f32 v5, v24;
	v18 =	vcvt.s32.f32 v28;
	v4 =	vsub.f32 v4, v20;
	v24 =	vld.idx.msk [tilespmem:v59+s6+$0x0], $0xffff  }
0x313: {  	v1 =	vsub.f32 $1.000000000e+00, v1;
	v12 =	vmul.f32 v15, v12;
	v15 =	vsub.f32 v25, v26  }
0x314: {  	v10 =	vmul.f32 v14, v10;
	v2 =	vadd.f32 v2, v55;
	v18 =	vsub.f32 v29, v18  }
0x315: {  	v20 =	vsub.f32 v31, v17;
	v12 =	vadd.f32 v12, v23;
	v0 =	vmul.f32 v0, v15  }
0x316: {  	v3 =	vmul.f32 v6, v3;
	v15 =	vsub.f32 v21, v13;
	v22 =	vsub.f32 v27, v19  }
0x317: {  	v4 =	vmul.f32 v4, v20;
	v0 =	vadd.f32 v0, v26;
	v14 =	vsub.f32 v24, v16  }
0x318: {  	[tilespmem:s22+$0xFFFFFFF0] =	vst v3;
	v5 =	vmul.f32 v5, v15;
	v3 =	vsub.f32 $1.000000000e+00, v12;
	v7 =	vmul.f32 v7, v22  }
0x319: {  	v4 =	vadd.f32 v4, v17;
	v0 =	vsub.f32 $1.000000000e+00, v0;
	v14 =	vmul.f32 v18, v14  }
0x31a: {  	v5 =	vadd.f32 v5, v13;
	v7 =	vadd.f32 v7, v19  }
0x31b: {  	[tilespmem:s22+$0x10] =	vst v8;
	v8 =	vadd.f32 v14, v16;
	v0 =	vmul.f32 v0, v1;
	v1 =	vsub.f32 $1.000000000e+00, v4  }
0x31c: {  	s21 =	sadd.s32 $0x40, s21;
	[tilespmem:s22+$0x0] =	vst v10;
	v2 =	vsub.f32 $1.000000000e+00, v2;
	v6 =	vsub.f32 $1.000000000e+00, v7;
	v7 =	vmul.f32 v11, v9  }
0x31d: {  	v4 =	vsub.f32 $1.000000000e+00, v5;
	v5 =	vsub.f32 $1.000000000e+00, v8;
	[tilespmem:s21+$0x10] =	vst v0;
	v0 =	vmul.f32 v1, v3  }
0x31e: {  	[tilespmem:s22+$0xFFFFFFE0] =	vst v7;
	v2 =	vmul.f32 v6, v2  }
0x31f: {  	v1 =	vmul.f32 v4, v5;
	[tilespmem:s21+$0xFFFFFFF0] =	vst v0  }
0x320: {  	[tilespmem:s21+$0x0] =	vst v2  }
0x321: {  	[tilespmem:s21+$0xFFFFFFE0] =	vst v1  }
0x322: {  	[hbm4b:s20+s12] =	stream.strided.scatter [tilespmem:s7], [sflag:$0x3], $0x2000, s23, s12, $0x38;
	[tilespmem:$0x1E000] =	vst v63  }
0x323: {  	s22 =	rddreg [dreg:$0x3]  }
0x324: {  	[tilespmem:s9], [sflag:$0x1] =	stream.linear.gather [spmem:s22], $0x2000, $0x38;
	[tilespmem:$0x1E000] =	vst v63  }
0x325: {  	s26 =	rddreg [dreg:$0x4]  }
0x326: {  	[tilespmem:s1], [sflag:$0x1] =	stream.linear.gather [spmem:s26], $0x2000, $0x38;
	[tilespmem:$0x1E000] =	vst v63  }
0x327: {  	_ =	swait.ge [sflag:s25], $0x2000  }
0x328: {  	[sflag:s25] =	ssyncset.done $0x0  }
0x329: {  	[sflag:s25] =	ssyncadd.s32 $0xFFFFE000  }
0x32a: {  	_ =	swait.ge [sflag:s25], $0x2000  }
0x32b: {  	[sflag:s25] =	ssyncset.done $0x0  }
0x32c: {  	[sflag:s25] =	ssyncadd.s32 $0xFFFFE000  }
0x32d: {  	_ =	swait.ge [sflag:s15], $0x2000  }
0x32e: {  	[sflag:s15] =	ssyncset.done $0x0  }
0x32f: {  	s29 =	simm.s32 $0x12020;
	[sflag:s15] =	ssyncadd.s32 $0xFFFFE000  }
0x330: {  	s30 =	simm.s32 $0x16020;
	v3 =	vld [tilespmem:s29+$0x10]  }
0x331: {  	v5 =	vld [tilespmem:s30+$0x10];
	_ =	sdelay $0x1  }
0x332: {  	v4 =	vld [tilespmem:s29+$0x0]  }
0x333: {  	v6 =	vld [tilespmem:s29+$0xFFFFFFF0]  }
0x334: {  	v7 =	vld [tilespmem:s30+$0x0];
	v0 =	vtrunc.f32 v3  }
0x335: {  	v9 =	vld [tilespmem:s30+$0xFFFFFFE0];
	v1 =	vtrunc.f32 v5;
	v8 =	vcvt.f32.s32 v0  }
0x336: {  	s21 =	simm.s32 $0x12060;
	v10 =	vld [tilespmem:s30+$0xFFFFFFF0];
	v13 =	vcvt.f32.s32 v1  }
0x337: {  	v2 =	vld [tilespmem:s21+$0x0];
	v0 =	vtrunc.f32 v4  }
0x338: {  	v17 =	vld [tilespmem:s29+$0xFFFFFFE0];
	v11 =	vcvt.f32.s32 v0;
	v12 =	vadd.s32 $0x1, v8  }
0x339: {  	s22 =	simm.s32 $0x16060;
	v1 =	vld [tilespmem:s21+$0x10];
	v0 =	vtrunc.f32 v6  }
0x33a: {  	v14 =	vcvt.f32.s32 v0;
	v0 =	vld [tilespmem:s22+$0x10];
	v21 =	vadd.s32 $0x1, v13  }
0x33b: {  	v24 =	vtrunc.f32 v7;
	v15 =	vadd.s32 $0x1, v11;
	v16 =	vld.idx.msk [tilespmem:v8+s6+$0x0], $0xffff  }
0x33c: {  	v20 =	vtrunc.f32 v10;
	v24 =	vcvt.f32.s32 v24;
	v27 =	vld.idx.msk [tilespmem:v13+s6+$0x0], $0xffff  }
0x33d: {  	v20 =	vcvt.f32.s32 v20;
	v12 =	vld.idx.msk [tilespmem:v12+s6+$0x0], $0xffff  }
0x33e: {  	v19 =	vtrunc.f32 v9;
	v18 =	vadd.s32 $0x1, v14;
	v22 =	vcvt.s32.f32 v14;
	v23 =	vld.idx.msk [tilespmem:v11+s6+$0x0], $0xffff  }
0x33f: {  	v19 =	vcvt.f32.s32 v19;
	v61 =	vadd.s32 $0x1, v20;
	v21 =	vld.idx.msk [tilespmem:v21+s6+$0x0], $0xffff  }
0x340: {  	v22 =	vsub.f32 v6, v22;
	v6 =	vcvt.s32.f32 v8;
	v11 =	vcvt.s32.f32 v11;
	v25 =	vld.idx.msk [tilespmem:v15+s6+$0x0], $0xffff  }
0x341: {  	v62 =	vadd.s32 $0x1, v24;
	v8 =	vadd.s32 $0x1, v19;
	v60 =	vld.idx.msk [tilespmem:v14+s6+$0x0], $0xffff  }
0x342: {  	v3 =	vsub.f32 v3, v6;
	v6 =	vtrunc.f32 v17;
	v14 =	vld.idx.msk [tilespmem:v24+s6+$0x0], $0xffff;
	v4 =	vsub.f32 v4, v11  }
0x343: {  	v18 =	vld.idx.msk [tilespmem:v18+s6+$0x0], $0xffff;
	v63 =	vcvt.f32.s32 v6;
	v11 =	vsub.f32 v12, v16;
	v12 =	vcvt.s32.f32 v24  }
0x344: {  	v6 =	vld.idx.msk [tilespmem:v20+s6+$0x0], $0xffff  }
0x345: {  	v24 =	vld.idx.msk [tilespmem:v61+s6+$0x0], $0xffff;
	v3 =	vmul.f32 v3, v11;
	v15 =	vsub.f32 v7, v12;
	v7 =	vcvt.s32.f32 v13  }
0x346: {  	v26 =	vcvt.s32.f32 v19;
	v11 =	vld.idx.msk [tilespmem:v19+s6+$0x0], $0xffff;
	v12 =	vsub.f32 v25, v23;
	v19 =	vcvt.s32.f32 v20  }
0x347: {  	v20 =	vld.idx.msk [tilespmem:v8+s6+$0x0], $0xffff;
	v25 =	vadd.s32 $0x1, v63;
	v3 =	vadd.f32 v3, v16;
	v5 =	vsub.f32 v5, v7  }
0x348: {  	v7 =	vsub.f32 v18, v60;
	v4 =	vmul.f32 v4, v12;
	v16 =	vsub.f32 v9, v26;
	v26 =	vld.idx.msk [tilespmem:v62+s6+$0x0], $0xffff  }
0x349: {  	v12 =	vcvt.s32.f32 v63;
	v18 =	vsub.f32 v21, v27;
	v21 =	vsub.f32 v10, v19;
	v9 =	vld.idx.msk [tilespmem:v63+s6+$0x0], $0xffff  }
0x34a: {  	v8 =	vsub.f32 $1.000000000e+00, v3;
	v3 =	vmul.f32 v22, v7;
	v4 =	vadd.f32 v4, v23;
	v7 =	vld [tilespmem:s22+$0x0]  }
0x34b: {  	v13 =	vsub.f32 v17, v12;
	v22 =	vmul.f32 v5, v18;
	v18 =	vld [tilespmem:s21+$0xFFFFFFF0];
	v17 =	vtrunc.f32 v1  }
0x34c: {  	s18 =	sor.u32 s18, s19;
	v24 =	vsub.f32 v24, v6;
	v23 =	vld.idx.msk [tilespmem:v25+s6+$0x0], $0xffff;
	v20 =	vsub.f32 v20, v11;
	v17 =	vcvt.f32.s32 v17  }
0x34d: {  	s31 =	smov.u32 s0;
	s18 =	sshrl.u32 s18, $0x3;
	v3 =	vadd.f32 v3, v60;
	v10 =	vsub.f32 $1.000000000e+00, v4;
	v4 =	vtrunc.f32 v0  }
0x34e: {  	s19 =	simm.s32 $0x1A020;
	s28 =	simm.s32 $0x12060;
	s18 =	sor.u32 $0xE000, s18;
	v5 =	vld [tilespmem:s22+$0xFFFFFFE0];
	v22 =	vadd.f32 v22, v27;
	v12 =	vcvt.f32.s32 v4;
	v25 =	vsub.f32 v26, v14  }
0x34f: {  	s18 =	sadd.s32 s0, s18;
	s20 =	simm.s32 $0x1A020;
	s26 =	simm.s32 $0x40;
	v4 =	vld [tilespmem:s22+$0xFFFFFFF0];
	v26 =	vtrunc.f32 v2;
	v3 =	vsub.f32 $1.000000000e+00, v3;
	v19 =	vtrunc.f32 v7  }
.LBB2_17:
0x350: {  	s26 =	sadd.s32 $0x40, s26;
	v26 =	vcvt.f32.s32 v26;
	v27 =	vadd.s32 $0x1, v17;
	s21 =	sadd.s32 $0x40, s21;
	v15 =	vmul.f32 v15, v25;
	s19 =	sadd.s32 $0x40, s19  }
0x351: {  	v29 =	vadd.s32 $0x1, v12;
	v23 =	vsub.f32 v23, v9;
	v25 =	vld [tilespmem:s21+$0x0];
	p0 =	slt.u32 s26, $0x1FC0;
	v28 =	vtrunc.f32 v18  }
0x352: {  	v21 =	vmul.f32 v21, v24;
	v30 =	vld [tilespmem:s28+$0xFFFFFFE0];
	v28 =	vcvt.f32.s32 v28;
	v31 =	vadd.s32 $0x1, v26;
	s28 =	smov.u32 s21  }
0x353: {  	v32 =	vtrunc.f32 v5;
	v14 =	vadd.f32 v15, v14;
	v15 =	vsub.f32 $1.000000000e+00, v22;
	v24 =	vld [tilespmem:s21+$0x10]  }
0x354: {  	s22 =	sadd.s32 $0x40, s22;
	v16 =	vmul.f32 v16, v20;
	v22 =	vcvt.s32.f32 v28;
	v33 =	vadd.s32 $0x1, v28;
	v34 =	vld.idx.msk [tilespmem:v17+s6+$0x0], $0xffff  }
0x355: {  	v35 =	vtrunc.f32 v4;
	v14 =	vsub.f32 $1.000000000e+00, v14;
	v8 =	vmul.f32 v15, v8;
	v20 =	vld [tilespmem:s22+$0x10]  }
0x356: {  	v11 =	vadd.f32 v16, v11;
	v32 =	vcvt.f32.s32 v32;
	v18 =	vsub.f32 v18, v22;
	v15 =	vld.idx.msk [tilespmem:v27+s6+$0x0], $0xffff  }
0x357: {  	v21 =	vadd.f32 v21, v6;
	v16 =	vcvt.f32.s32 v35;
	v22 =	vcvt.s32.f32 v26;
	v26 =	vld.idx.msk [tilespmem:v26+s6+$0x0], $0xffff;
	[tilespmem:s20+$0x10] =	vst v8  }
0x358: {  	v19 =	vcvt.f32.s32 v19;
	v6 =	vmul.f32 v14, v10;
	v8 =	vadd.s32 $0x1, v32;
	v27 =	vld.idx.msk [tilespmem:v12+s6+$0x0], $0xffff  }
0x359: {  	v17 =	vcvt.s32.f32 v17;
	v10 =	vsub.f32 v2, v22;
	v22 =	vsub.f32 $1.000000000e+00, v11;
	v2 =	vmovc v25;
	v14 =	vld.idx.msk [tilespmem:v31+s6+$0x0], $0xffff  }
0x35a: {  	v25 =	vcvt.s32.f32 v32;
	v11 =	vmul.f32 v13, v23;
	v31 =	vld.idx.msk [tilespmem:v33+s6+$0x0], $0xffff;
	v33 =	vadd.s32 $0x1, v19;
	[tilespmem:s20+$0x0] =	vst v6  }
0x35b: {  	v17 =	vsub.f32 v1, v17;
	v13 =	vcvt.s32.f32 v19;
	v1 =	vmovc v24;
	v6 =	vtrunc.f32 v30;
	v28 =	vld.idx.msk [tilespmem:v28+s6+$0x0], $0xffff  }
0x35c: {  	v24 =	vadd.s32 $0x1, v16;
	v23 =	vcvt.f32.s32 v6;
	v35 =	vsub.f32 v15, v34;
	v29 =	vld.idx.msk [tilespmem:v29+s6+$0x0], $0xffff  }
0x35d: {  	v9 =	vadd.f32 v11, v9;
	v15 =	vsub.f32 v7, v13;
	v7 =	vcvt.s32.f32 v12;
	v6 =	vld.idx.msk [tilespmem:v16+s6+$0x0], $0xffff  }
0x35e: {  	v12 =	vcvt.s32.f32 v16;
	v13 =	vmul.f32 v17, v35;
	v16 =	vsub.f32 $1.000000000e+00, v21;
	v11 =	vld.idx.msk [tilespmem:v32+s6+$0x0], $0xffff  }
0x35f: {  	v9 =	vsub.f32 $1.000000000e+00, v9;
	v17 =	vcvt.s32.f32 v23;
	v32 =	vld.idx.msk [tilespmem:v8+s6+$0x0], $0xffff;
	v8 =	vsub.f32 v14, v26  }
0x360: {  	v35 =	vadd.s32 $0x1, v23;
	v13 =	vadd.f32 v13, v34;
	v14 =	vld.idx.msk [tilespmem:v19+s6+$0x0], $0xffff;
	v19 =	vsub.f32 v0, v7;
	v0 =	vmovc v20  }
0x361: {  	v3 =	vmul.f32 v16, v3;
	v20 =	vsub.f32 v31, v28;
	v24 =	vld.idx.msk [tilespmem:v24+s6+$0x0], $0xffff;
	v10 =	vmul.f32 v10, v8  }
0x362: {  	v16 =	vsub.f32 v5, v25;
	v5 =	vmul.f32 v22, v9;
	v8 =	vsub.f32 $1.000000000e+00, v13;
	v25 =	vld.idx.msk [tilespmem:v33+s6+$0x0], $0xffff  }
0x363: {  	v18 =	vmul.f32 v18, v20;
	v20 =	vsub.f32 v29, v27;
	v7 =	vld [tilespmem:s22+$0x0];
	v10 =	vadd.f32 v10, v26;
	[tilespmem:s20+$0xFFFFFFF0] =	vst v3  }
0x364: {  	v21 =	vsub.f32 v4, v12;
	v13 =	vsub.f32 v30, v17;
	v9 =	vld.idx.msk [tilespmem:v23+s6+$0x0], $0xffff;
	[tilespmem:s20+$0xFFFFFFE0] =	vst v5;
	s20 =	smov.u32 s19  }
.Ltmp7:
0x365: {  	v3 =	vadd.f32 v18, v28;
	v22 =	vmul.f32 v19, v20;
	v23 =	vld.idx.msk [tilespmem:v35+s6+$0x0], $0xffff;
	v10 =	vsub.f32 $1.000000000e+00, v10;
	(pc) =	sbr.rel @p0 .LBB2_17-.Ltmp7, $4  }
0x366: {  	v4 =	vtrunc.f32 v0;
	v20 =	vsub.f32 v32, v11;
	v18 =	vld [tilespmem:s21+$0xFFFFFFF0]  }
0x367: {  	v17 =	vtrunc.f32 v1;
	v12 =	vcvt.f32.s32 v4;
	v3 =	vsub.f32 $1.000000000e+00, v3;
	v5 =	vld [tilespmem:s22+$0xFFFFFFE0]  }
0x368: {  	v17 =	vcvt.f32.s32 v17;
	v24 =	vsub.f32 v24, v6;
	v25 =	vsub.f32 v25, v14  }
0x369: {  	v26 =	vtrunc.f32 v2;
	v22 =	vadd.f32 v22, v27;
	v19 =	vtrunc.f32 v7;
	v4 =	vld [tilespmem:s22+$0xFFFFFFF0]  }
0x36a: {  	_ = 	snop  }
0x36b: {  	v26 =	vcvt.f32.s32 v26;
	v27 =	vadd.s32 $0x1, v17  }
0x36c: {  	v15 =	vmul.f32 v15, v25;
	v52 =	vadd.s32 $0x1, v12;
	v21 =	vmul.f32 v21, v24  }
0x36d: {  	v29 =	vld [tilespmem:s28+$0xFFFFFFE0];
	v16 =	vmul.f32 v16, v20;
	v19 =	vcvt.f32.s32 v19  }
0x36e: {  	v32 =	vld.idx.msk [tilespmem:v17+s6+$0x0], $0xffff;
	v23 =	vsub.f32 v23, v9;
	v60 =	vcvt.s32.f32 v17;
	v28 =	vtrunc.f32 v18  }
0x36f: {  	v58 =	vld.idx.msk [tilespmem:v12+s6+$0x0], $0xffff;
	v43 =	vcvt.s32.f32 v12;
	v28 =	vcvt.f32.s32 v28;
	v30 =	vadd.s32 $0x1, v26  }
0x370: {  	v22 =	vsub.f32 $1.000000000e+00, v22;
	v53 =	vtrunc.f32 v5;
	v14 =	vadd.f32 v15, v14;
	v27 =	vld.idx.msk [tilespmem:v27+s6+$0x0], $0xffff  }
0x371: {  	v57 =	vcvt.s32.f32 v26;
	v24 =	vcvt.f32.s32 v53;
	v31 =	vadd.s32 $0x1, v28;
	v25 =	vld.idx.msk [tilespmem:v52+s6+$0x0], $0xffff  }
0x372: {  	v11 =	vadd.f32 v16, v11;
	v6 =	vadd.f32 v21, v6;
	v35 =	vadd.s32 $0x1, v19;
	v56 =	vld.idx.msk [tilespmem:v26+s6+$0x0], $0xffff  }
0x373: {  	v37 =	vcvt.s32.f32 v19;
	v33 =	vtrunc.f32 v4;
	v61 =	vadd.s32 $0x1, v24;
	v19 =	vld.idx.msk [tilespmem:v19+s6+$0x0], $0xffff  }
0x374: {  	v13 =	vmul.f32 v13, v23;
	v1 =	vsub.f32 v1, v60;
	v55 =	vcvt.f32.s32 v33;
	v59 =	vld.idx.msk [tilespmem:v30+s6+$0x0], $0xffff  }
0x375: {  	v0 =	vsub.f32 v0, v43;
	v54 =	vcvt.s32.f32 v28;
	v36 =	vtrunc.f32 v29;
	v63 =	vld.idx.msk [tilespmem:v28+s6+$0x0], $0xffff  }
0x376: {  	v2 =	vsub.f32 v2, v57;
	v38 =	vadd.s32 $0x1, v55;
	v28 =	vcvt.f32.s32 v36;
	v62 =	vld.idx.msk [tilespmem:v31+s6+$0x0], $0xffff  }
0x377: {  	v7 =	vsub.f32 v7, v37;
	v40 =	vadd.f32 v13, v9;
	v41 =	vld.idx.msk [tilespmem:v24+s6+$0x0], $0xffff  }
0x378: {  	v14 =	vsub.f32 $1.000000000e+00, v14;
	v11 =	vsub.f32 $1.000000000e+00, v11;
	v21 =	vld.idx.msk [tilespmem:v61+s6+$0x0], $0xffff;
	v42 =	vadd.s32 $0x1, v28  }
0x379: {  	v6 =	vsub.f32 $1.000000000e+00, v6;
	v34 =	vsub.f32 v27, v32;
	v27 =	vld.idx.msk [tilespmem:v35+s6+$0x0], $0xffff  }
0x37a: {  	v15 =	vsub.f32 v18, v54;
	v20 =	vcvt.s32.f32 v55;
	v24 =	vcvt.s32.f32 v24;
	v39 =	vld.idx.msk [tilespmem:v55+s6+$0x0], $0xffff  }
0x37b: {  	v9 =	vsub.f32 $1.000000000e+00, v40;
	v46 =	vcvt.s32.f32 v28;
	v49 =	vsub.f32 v25, v58;
	v31 =	vld.idx.msk [tilespmem:v38+s6+$0x0], $0xffff  }
0x37c: {  	v51 =	vsub.f32 v4, v20;
	v47 =	vsub.f32 v5, v24;
	v1 =	vmul.f32 v1, v34;
	v45 =	vld.idx.msk [tilespmem:v28+s6+$0x0], $0xffff  }
0x37d: {  	v16 =	vsub.f32 v59, v56;
	v18 =	vsub.f32 v29, v46;
	v0 =	vmul.f32 v0, v49;
	v48 =	vld.idx.msk [tilespmem:v42+s6+$0x0], $0xffff  }
0x37e: {  	v8 =	vmul.f32 v22, v8;
	v1 =	vadd.f32 v1, v32;
	v44 =	vsub.f32 v62, v63  }
0x37f: {  	v2 =	vmul.f32 v2, v16;
	v0 =	vadd.f32 v0, v58;
	v50 =	vsub.f32 v27, v19  }
0x380: {  	v10 =	vmul.f32 v14, v10;
	v52 =	vsub.f32 v21, v41;
	v1 =	vsub.f32 $1.000000000e+00, v1  }
0x381: {  	v12 =	vmul.f32 v15, v44;
	v2 =	vadd.f32 v2, v56;
	v53 =	vsub.f32 v31, v39  }
0x382: {  	v0 =	vsub.f32 $1.000000000e+00, v0;
	v7 =	vmul.f32 v7, v50;
	v54 =	vsub.f32 v48, v45  }
0x383: {  	v5 =	vmul.f32 v47, v52;
	v12 =	vadd.f32 v12, v63;
	v4 =	vmul.f32 v51, v53  }
0x384: {  	v2 =	vsub.f32 $1.000000000e+00, v2;
	v7 =	vadd.f32 v7, v19;
	v14 =	vmul.f32 v18, v54  }
0x385: {  	[tilespmem:s20+$0x10] =	vst v8;
	v3 =	vmul.f32 v6, v3;
	v5 =	vadd.f32 v5, v41;
	v4 =	vadd.f32 v4, v39  }
0x386: {  	[tilespmem:s20+$0x0] =	vst v10;
	v56 =	vmul.f32 v11, v9;
	v55 =	vsub.f32 $1.000000000e+00, v7;
	v57 =	vadd.f32 v14, v45  }
0x387: {  	p0 =	seq.s32 s16, $0x3;
	[tilespmem:s20+$0xFFFFFFF0] =	vst v3;
	v0 =	vmul.f32 v0, v1;
	v58 =	vsub.f32 $1.000000000e+00, v12;
	v59 =	vsub.f32 $1.000000000e+00, v4  }
0x388: {  	s19 =	sadd.s32 $0x40, s19;
	s17 =	sadd.s32 @!p0 $0x1, s17;
	[tilespmem:s20+$0xFFFFFFE0] =	vst v56;
	v60 =	vsub.f32 $1.000000000e+00, v5;
	v2 =	vmul.f32 v55, v2;
	v61 =	vsub.f32 $1.000000000e+00, v57  }
0x389: {  	s21 =	rddreg [dreg:$0x0];
	s20 =	sshll.u32 @!p0 s17, $0x4;
	[tilespmem:s19+$0x10] =	vst v0;
	v62 =	vmul.f32 v59, v58  }
0x38a: {  	s16 =	sadd.s32 $0x1, s16;
	s17 =	sshll.u32 @!p0 s17, $0xD;
	s20 =	sand.u32 @!p0 $0x70, s20;
	[tilespmem:s19+$0x0] =	vst v2;
	v63 =	vmul.f32 v60, v61  }
0x38b: {  	s17 =	sand.u32 @!p0 $0xFFF0000, s17;
	s20 =	sadd.s32 @!p0 s21, s20;
	s21 =	simm.s32 @!p0 $0x0;
	[tilespmem:s19+$0xFFFFFFF0] =	vst v62  }
0x38c: {  	s17 =	sadd.s32 @!p0 s17, s20;
	s20 =	simm.s32 @!p0 $0x400;
	[tilespmem:s19+$0xFFFFFFE0] =	vst v63;
	s19 =	simm.s32 @!p0 $0x80  }
0x38d: {  	[tilespmem:s21], [sflag:$0x5] =	stream.strided.gather @!p0 [hbm4b:s17+s19], $0x10000, s20, s19, $0x38;
	[tilespmem:$0x1E000] =	vst v63  }
0x38e: {  	p0 =	sne.s32 s16, $0x4  }
.Ltmp8:
0x38f: {  	_ = 	snop;
	(pc) =	sbr.rel @p0 .LBB2_2-.Ltmp8, $2  }
0x390: {  	_ =	sdelay $0x2  }
0x391: {  	[hbm4b:s18+s12] =	stream.strided.scatter [tilespmem:s13], [sflag:$0x4], $0x2000, s23, s12, $0x38;
	[tilespmem:$0x1E000] =	vst v63  }
0x392: {  	_ =	swait.ge [sflag:s14], $0x2000  }
0x393: {  	[sflag:s14] =	ssyncset.done $0x0  }
0x394: {  	[sflag:s14] =	ssyncadd.s32 $0xFFFFE000  }
0x395: {  	_ =	swait.ge [sflag:s15], $0x2000  }
0x396: {  	[sflag:s15] =	ssyncset.done $0x0  }
0x397: {  	[sflag:s15] =	ssyncadd.s32 $0xFFFFE000  }
0x398: {  	_ =	swait.ge [sflag:s24], $0x2000  }
0x399: {  	[sflag:s24] =	ssyncset.done $0x0  }
0x39a: {  	[sflag:s24] =	ssyncadd.s32 $0xFFFFE000  }
0x39b: {  	_ =	swait.ge [sflag:s24], $0x2000  }
0x39c: {  	s16 =	rddreg [dreg:$0x1f]  }
0x39d: {  	s0 =	rddreg [dreg:$0x16];
	s16 =	sadd.s32 $0x1, s16  }
0x39e: {  	p0 =	sne.s32 s16, s0  }
.Ltmp9:
0x39f: {  	_ = 	snop;
	(pc) =	sbr.rel @p0 .LBB2_1-.Ltmp9, $3  }
0x3a0: {  	_ =	sdelay $0x1  }
0x3a1: {  	[sflag:s24] =	ssyncset.done $0x0  }
0x3a2: {  	[sflag:s24] =	ssyncadd.s32 $0xFFFFE000  }
0x3a3: {  	_ =	sfence.sel $0x180000  }
0x3a4: {  	[bflag:$0x0] =	sbarrier.arrive $0xFFFF  }
0x3a5: {  	_ =	strace $0x90000047  }
0x3a6: {  	s0 =	stileid.u32;
	[bflag:$0x2] =	sbarrier.arrive $0xFFFF  }
0x3a7: {  	p0 =	sne.s32 s0, $0x0;
	s0 =	rddreg [dreg:$0x5]  }
0x3a8: {  	s0 =	sadd.s32 @!p0 $0x100000, s0  }
0x3a9: {  	[sflag:s0] =	ssyncadd.tile.s32 @!p0 $0x1;
	_ =	shalt  }
.Lfunc_end2:
_tile_overlayer_lowered:
.L_overlay_start_2:
0x3aa: {  	(tag) =	ssettag $0x2  }
0x3ab: {  	s0 =	rddreg [dreg:$0x0];
	s2 =	stileid.u32  }
0x3ac: {  	s1 =	rddreg [dreg:$0x1];
	p0 =	sne.s32 s2, $0x0  }
0x3ad: {  	s3 =	rddreg [dreg:$0x2];
	[bflag:$0x3] =	sbarrier.arrive $0xFFFF;
	s2 =	simm.s32 @!p0 $0x1C06  }
0x3ae: {  	[timem:s3], [sflag:s2] =	dma.local @!p0 [hbm:s0], s1  }
0x3af: {  	s0 =	simm.s32 @!p0 $0x6  }
0x3b0: {  	_ =	swait.ge @!p0 [sflag:s0], s1  }
0x3b1: {  	s1 =	ssub.s32 @!p0 $0x0, s1;
	[sflag:s0] =	ssyncset.done @!p0 $0x0  }
0x3b2: {  	[sflag:s0] =	ssyncadd.s32 @!p0 s1  }
0x3b3: {  	[bflag:$0x3] =	sbarrier.arrive $0xFFFF  }
0x3b4: {  	_ =	shalt  }

</sc_bundles>
